<compile_context>
chip_gen: v7x
topology: tpu7x:2x2x1
jax: 0.10.2.dev20260603
libtpu: 0.0.44.dev20260713+nightly
codegen_flags: <defaults>
</compile_context>

<pallas_src>
import functools

import jax
import jax.numpy as jnp
from jax import lax
from jax.experimental import pallas as pl
from jax.experimental.pallas import tpu as pltpu
from jax.experimental.pallas import tpu_sc as plsc

ROWS = 16384
COLS = 1000
LANES = 16
NCORES = 2
NSUB = 16
NW = NCORES * NSUB
ROWS_SC = 8192
ROWS_TC = ROWS - ROWS_SC
RPW = ROWS_SC // NW
LPW = ROWS // NW
NGRP = RPW // LANES
NJB = 40
NBLK = COLS // NJB
TCB = 1024
NTCB = ROWS_TC // TCB
NEG = -3.0e38
LN2 = 0.6931471805599453


def _vlog(s):
    b = lax.bitcast_convert_type(s, jnp.int32)
    y = b.astype(jnp.float32) * jnp.float32(LN2 / (1 << 23)) - jnp.float32(127.0 * LN2)
    for _ in range(3):
        y = y - 1.0 + s * jnp.exp(-y)
    return y


def _tree_reduce(op, xs):
    while len(xs) > 1:
        xs = [op(xs[i], xs[i + 1]) for i in range(0, len(xs) - 1, 2)] \
            + ([xs[-1]] if len(xs) % 2 else [])
    return xs[0]


def _build_sc_kernel(interpret=False):
    return functools.partial(
        pl.kernel,
        mesh=plsc.VectorSubcoreMesh(core_axis_name="c", subcore_axis_name="s"),
        compiler_params=pltpu.CompilerParams(
            needs_layout_passes=False, use_tc_tiling_on_sc=True),
        interpret=interpret,
        out_type=[
            jax.ShapeDtypeStruct((ROWS_SC,), jnp.int32),
            jax.ShapeDtypeStruct((ROWS,), jnp.int32),
            jax.ShapeDtypeStruct((NW * LANES,), jnp.float32),
        ],
        scratch_types=[
            pltpu.VMEM((NJB, RPW), jnp.float32),
            pltpu.VMEM((NJB, RPW), jnp.float32),
            pltpu.VMEM((NJB, RPW), jnp.float32),
            pltpu.VMEM((NJB, RPW), jnp.float32),
            pltpu.VMEM((RPW,), jnp.float32),
            pltpu.VMEM((RPW,), jnp.int32),
            pltpu.VMEM((RPW,), jnp.float32),
            pltpu.VMEM((RPW,), jnp.float32),
            pltpu.VMEM((LPW,), jnp.int32),
            pltpu.VMEM((LANES,), jnp.float32),
            pltpu.SemaphoreType.DMA,
            pltpu.SemaphoreType.DMA,
        ],
    )(_sc_body)


def _sc_body(weak_hbm, strong_hbm, labels_hbm,
             tgt_hbm, lab_hbm, part_hbm,
             wbuf0, wbuf1, sbuf0, sbuf1,
             st_wm, st_wi, st_g, st_ss,
             lab_v, st_acc,
             sem0, sem1):
    wid = lax.axis_index("s") * NCORES + lax.axis_index("c")
    i0 = wid * RPW

    def start(b, wb, sb, sem):
        jb = b * NJB
        pltpu.async_copy(weak_hbm.at[pl.ds(jb, NJB), pl.ds(i0, RPW)], wb, sem)
        pltpu.async_copy(strong_hbm.at[pl.ds(jb, NJB), pl.ds(i0, RPW)], sb, sem)

    def wait(wb, sb, sem):
        src = weak_hbm.at[pl.ds(0, NJB), pl.ds(0, RPW)]
        pltpu.make_async_copy(src, wb, sem).wait()
        pltpu.make_async_copy(src, sb, sem).wait()

    start(0, wbuf0, sbuf0, sem0)

    l0 = wid * LPW
    pltpu.sync_copy(labels_hbm.at[pl.ds(l0, LPW)], lab_v)
    pltpu.sync_copy(lab_v, lab_hbm.at[pl.ds(l0, LPW)])

    neg = jnp.full((LANES,), NEG, jnp.float32)
    zf = jnp.zeros((LANES,), jnp.float32)
    zi = jnp.zeros((LANES,), jnp.int32)

    def init_grp(g, c):
        o = g * LANES
        st_wm[pl.ds(o, LANES)] = neg
        st_wi[pl.ds(o, LANES)] = zi
        st_g[pl.ds(o, LANES)] = zf
        st_ss[pl.ds(o, LANES)] = zf
        return c

    lax.fori_loop(0, NGRP, init_grp, 0)

    def compute_block(b, wb, sb):
        jbase = b * NJB

        def grp(g, c):
            o = g * LANES
            wm = st_wm[pl.ds(o, LANES)]
            wi = st_wi[pl.ds(o, LANES)]
            gv = st_g[pl.ds(o, LANES)]
            ss = st_ss[pl.ds(o, LANES)]
            es = []
            for j in range(NJB):
                w = wb[j, pl.ds(o, LANES)]
                v = sb[j, pl.ds(o, LANES)]
                es.append(jnp.exp(v))
                p = w > wm
                wm = jnp.where(p, w, wm)
                wi = jnp.where(p, jbase + j, wi)
                gv = jnp.where(p, v, gv)
            ss = ss + _tree_reduce(jnp.add, es)
            st_wm[pl.ds(o, LANES)] = wm
            st_wi[pl.ds(o, LANES)] = wi
            st_g[pl.ds(o, LANES)] = gv
            st_ss[pl.ds(o, LANES)] = ss
            return c

        lax.fori_loop(0, NGRP, grp, 0)

    def pair(i, c):
        b0 = 2 * i
        start(b0 + 1, wbuf1, sbuf1, sem1)
        wait(wbuf0, sbuf0, sem0)
        compute_block(b0, wbuf0, sbuf0)
        start(b0 + 2, wbuf0, sbuf0, sem0)
        wait(wbuf1, sbuf1, sem1)
        compute_block(b0 + 1, wbuf1, sbuf1)
        return c

    lax.fori_loop(0, (NBLK - 1) // 2, pair, 0)
    wait(wbuf0, sbuf0, sem0)
    compute_block(NBLK - 1, wbuf0, sbuf0)

    def fin(g, acc):
        o = g * LANES
        nll = _vlog(st_ss[pl.ds(o, LANES)]) - st_g[pl.ds(o, LANES)]
        return acc + nll

    acc = lax.fori_loop(0, NGRP, fin, zf)
    st_acc[...] = acc
    pltpu.sync_copy(st_acc, part_hbm.at[pl.ds(wid * LANES, LANES)])
    pltpu.sync_copy(st_wi, tgt_hbm.at[pl.ds(i0, RPW)])


_sc_kernel = _build_sc_kernel()


def _tc_body(w_ref, s_ref, tgt_ref, part_ref):
    nsub = 8
    nstep = COLS // nsub

    def step(t, carry):
        wm, wi, gv, es = carry
        w = w_ref[pl.ds(t * nsub, nsub), :]
        s = s_ref[pl.ds(t * nsub, nsub), :]
        p = w > wm
        return (jnp.where(p, w, wm), jnp.where(p, t, wi),
                jnp.where(p, s, gv), es + jnp.exp(s))

    shape = (nsub, TCB)
    wm, wi, gv, es = lax.fori_loop(0, nstep, step, (
        jnp.full(shape, NEG, jnp.float32), jnp.zeros(shape, jnp.int32),
        jnp.zeros(shape, jnp.float32), jnp.zeros(shape, jnp.float32)))
    colidx = wi * nsub + lax.broadcasted_iota(jnp.int32, shape, 0)
    mx = jnp.max(wm, axis=0)
    cand = jnp.where(wm == mx[None, :], colidx, jnp.int32(2**31 - 1))
    tgt = jnp.min(cand, axis=0)
    g = jnp.sum(jnp.where(colidx == tgt[None, :], gv, jnp.float32(0.0)), axis=0)
    se = jnp.sum(es, axis=0)
    nll = jnp.log(se) - g
    tgt_ref[...] = tgt
    part_ref[pl.program_id(0)] = jnp.sum(nll)


_tc_kernel = pl.pallas_call(
    _tc_body,
    grid=(NTCB,),
    in_specs=[
        pl.BlockSpec((COLS, TCB), lambda b: (0, ROWS_SC // TCB + b)),
        pl.BlockSpec((COLS, TCB), lambda b: (0, ROWS_SC // TCB + b)),
    ],
    out_specs=[
        pl.BlockSpec((TCB,), lambda b: (b,)),
        pl.BlockSpec((NTCB,), lambda b: (0,), memory_space=pltpu.SMEM),
    ],
    out_shape=[
        jax.ShapeDtypeStruct((ROWS_TC,), jnp.int32),
        jax.ShapeDtypeStruct((NTCB,), jnp.float32),
    ],
)


def kernel(anchors_weak, anchors_strong, neighbors, labels):
    del neighbors
    lab = labels.astype(jnp.int32)
    wt = anchors_weak.T
    st = anchors_strong.T
    sc_tgt, lab_out, sc_part = _sc_kernel(wt, st, lab)
    tc_tgt, tc_part = _tc_kernel(wt, st)
    tgt = jnp.concatenate([sc_tgt, tc_tgt])
    loss = (jnp.sum(sc_part) + jnp.sum(tc_part)) / jnp.float32(ROWS)
    return (loss, tgt, lab_out, ROWS)

# --- scband reference (transcript-rebuilt; emitter-appended) ---
"""Pipeline reference for scband-confidence-based-ce-scan-12524124636029 (READ-ONLY COPY).

The authoritative reference and input builder live on the scoring server;
editing this copy changes nothing except your own understanding.
"""

import jax, jax.numpy as jnp
import numpy as np

THRESHOLD = 0.0  # ct2

def setup_inputs(seed: int = 0) -> dict:
    key = jax.random.key(seed)
    k1, k2, k3, k4 = jax.random.split(key, 4)
    anchors_weak = jax.random.normal(k1, (16384, 1000), dtype=jnp.float32)
    anchors_strong = jax.random.normal(k2, (16384, 1000), dtype=jnp.float32)
    neighbors = jax.random.randint(k3, (16384,), 0, 16384, dtype=jnp.int64)
    labels = jax.random.randint(k4, (16384,), 0, 1000, dtype=jnp.int64)
    return {"anchors_weak": anchors_weak, "anchors_strong": anchors_strong,
            "neighbors": neighbors, "labels": labels}

def reference(anchors_weak, anchors_strong, neighbors, labels):
    # softmax over weak augmentation logits
    weak_anchors_prob = jax.nn.softmax(anchors_weak, axis=1)
    max_prob = jnp.max(weak_anchors_prob, axis=1)
    target = jnp.argmax(weak_anchors_prob, axis=1)
    mask = max_prob > THRESHOLD
    # masked select of confident targets (fixed-shape masked equivalent)
    target_masked = jnp.where(mask, target, 0)
    n = int(target.shape[0])
    # MaskedCrossEntropyLoss: select rows of strong logits where mask is set
    # cross_entropy(input_masked, target_masked, weight=None, reduction='mean')
    logp = jax.nn.log_softmax(anchors_strong, axis=1)
    nll = -jnp.take_along_axis(logp, target_masked[:, None], axis=1).squeeze(1)
    maskf = mask.astype(nll.dtype)
    loss = jnp.sum(nll * maskf) / jnp.sum(maskf)
    return (loss, target_masked, jnp.where(mask, labels, 0), n)

if __name__ == "__main__":
    import jax
    _d = setup_inputs()
    print(jax.jit(kernel)(*tuple(_d.values())))

</pallas_src>

<mosaic_0001>
#map = affine_map<(d0, d1) -> (0, 0)>
#map1 = affine_map<(d0, d1) -> (0)>
module attributes {stable_mosaic.version = 14 : i64} {
  func.func @_sc_body(%arg0: i32, %arg1: i32, %arg2: memref<1000x16384xf32, #tpu.memory_space<hbm>>, %arg3: memref<1000x16384xf32, #tpu.memory_space<hbm>>, %arg4: memref<16384xi32, #tpu.memory_space<hbm>>, %arg5: memref<8192xi32, #tpu.memory_space<hbm>>, %arg6: memref<16384xi32, #tpu.memory_space<hbm>>, %arg7: memref<512xf32, #tpu.memory_space<hbm>>, %arg8: memref<40x256xf32, #tpu.memory_space<vmem>>, %arg9: memref<40x256xf32, #tpu.memory_space<vmem>>, %arg10: memref<40x256xf32, #tpu.memory_space<vmem>>, %arg11: memref<40x256xf32, #tpu.memory_space<vmem>>, %arg12: memref<256xf32, #tpu.memory_space<vmem>>, %arg13: memref<256xi32, #tpu.memory_space<vmem>>, %arg14: memref<256xf32, #tpu.memory_space<vmem>>, %arg15: memref<256xf32, #tpu.memory_space<vmem>>, %arg16: memref<512xi32, #tpu.memory_space<vmem>>, %arg17: memref<16xf32, #tpu.memory_space<vmem>>, %arg18: memref<!tpu.dma_semaphore, #tpu.memory_space<semaphore_mem>>, %arg19: memref<!tpu.dma_semaphore, #tpu.memory_space<semaphore_mem>>) attributes {dimension_semantics = [#tpu.dimension_semantics<core_parallel>, #tpu.dimension_semantics<subcore_parallel>], iteration_bounds = array<i64: 2, 16>, scalar_prefetch = 0 : i64, scratch_operands = 12 : i64, tpu.core_type = #tpu.core_type<sc_vector_subcore>, window_params = [{transform_indices = #map}, {transform_indices = #map}, {transform_indices = #map1}, {transform_indices = #map1}, {transform_indices = #map1}, {transform_indices = #map1}]} {
    %mul3A = arith.constant 2 : i32
    %mul3A_0 = arith.muli %arg1, %mul3A : i32
    %add3A = arith.addi %mul3A_0, %arg0 : i32
    %mul3A_1 = arith.constant 256 : i32
    %mul3A_2 = arith.muli %add3A, %mul3A_1 : i32
    %dma_start3A = arith.constant 0 : i32
    %dma_start3A_3 = tpu.memref_slice %arg2[%dma_start3A, %mul3A_2] : memref<1000x16384xf32, #tpu.memory_space<hbm>> -> memref<40x256xf32, #tpu.memory_space<hbm>>
    %dma_start3A_4 = arith.constant 0 : i32
    %dma_start3A_5 = tpu.memref_slice %arg2[%dma_start3A_4, %mul3A_2] : memref<1000x16384xf32, #tpu.memory_space<hbm>> -> memref<40x256xf32, #tpu.memory_space<hbm>>
    tpu.enqueue_dma source(%dma_start3A_5 : memref<40x256xf32, #tpu.memory_space<hbm>>) target(%arg8 : memref<40x256xf32, #tpu.memory_space<vmem>>) target_semaphore(%arg18 : memref<!tpu.dma_semaphore, #tpu.memory_space<semaphore_mem>>)
    %dma_start3A_6 = arith.constant 0 : i32
    %dma_start3A_7 = tpu.memref_slice %arg3[%dma_start3A_6, %mul3A_2] : memref<1000x16384xf32, #tpu.memory_space<hbm>> -> memref<40x256xf32, #tpu.memory_space<hbm>>
    %dma_start3A_8 = arith.constant 0 : i32
    %dma_start3A_9 = tpu.memref_slice %arg3[%dma_start3A_8, %mul3A_2] : memref<1000x16384xf32, #tpu.memory_space<hbm>> -> memref<40x256xf32, #tpu.memory_space<hbm>>
    tpu.enqueue_dma source(%dma_start3A_9 : memref<40x256xf32, #tpu.memory_space<hbm>>) target(%arg10 : memref<40x256xf32, #tpu.memory_space<vmem>>) target_semaphore(%arg18 : memref<!tpu.dma_semaphore, #tpu.memory_space<semaphore_mem>>)
    %mul3A_10 = arith.constant 512 : i32
    %mul3A_11 = arith.muli %add3A, %mul3A_10 : i32
    "tpu.region"() ({
      %run_scoped3A = tpu.sem_alloc : memref<!tpu.dma_semaphore, #tpu.memory_space<semaphore_mem>>
      %dma_start3A_54 = tpu.memref_slice %arg4[%mul3A_11] : memref<16384xi32, #tpu.memory_space<hbm>> -> memref<512xi32, #tpu.memory_space<hbm>>
      %dma_start3A_55 = tpu.memref_slice %arg4[%mul3A_11] : memref<16384xi32, #tpu.memory_space<hbm>> -> memref<512xi32, #tpu.memory_space<hbm>>
      tpu.enqueue_dma source(%dma_start3A_55 : memref<512xi32, #tpu.memory_space<hbm>>) target(%arg16 : memref<512xi32, #tpu.memory_space<vmem>>) target_semaphore(%run_scoped3A : memref<!tpu.dma_semaphore, #tpu.memory_space<semaphore_mem>>)
      %dma_wait3A_56 = tpu.memref_slice %arg4[%mul3A_11] : memref<16384xi32, #tpu.memory_space<hbm>> -> memref<512xi32, #tpu.memory_space<hbm>>
      %dma_wait3A_57 = tpu.memref_slice %arg4[%mul3A_11] : memref<16384xi32, #tpu.memory_space<hbm>> -> memref<512xi32, #tpu.memory_space<hbm>>
      tpu.wait_dma2 semaphore(%run_scoped3A : memref<!tpu.dma_semaphore, #tpu.memory_space<semaphore_mem>>) src(%dma_wait3A_57 : memref<512xi32, #tpu.memory_space<hbm>>) dst(%arg16 : memref<512xi32, #tpu.memory_space<vmem>>)
      tpu.yield
    }) : () -> ()
    "tpu.region"() ({
      %run_scoped3A = tpu.sem_alloc : memref<!tpu.dma_semaphore, #tpu.memory_space<semaphore_mem>>
      %dma_start3A_54 = tpu.memref_slice %arg6[%mul3A_11] : memref<16384xi32, #tpu.memory_space<hbm>> -> memref<512xi32, #tpu.memory_space<hbm>>
      %dma_start3A_55 = tpu.memref_slice %arg6[%mul3A_11] : memref<16384xi32, #tpu.memory_space<hbm>> -> memref<512xi32, #tpu.memory_space<hbm>>
      tpu.enqueue_dma source(%arg16 : memref<512xi32, #tpu.memory_space<vmem>>) target(%dma_start3A_55 : memref<512xi32, #tpu.memory_space<hbm>>) target_semaphore(%run_scoped3A : memref<!tpu.dma_semaphore, #tpu.memory_space<semaphore_mem>>)
      %dma_wait3A_56 = tpu.memref_slice %arg6[%mul3A_11] : memref<16384xi32, #tpu.memory_space<hbm>> -> memref<512xi32, #tpu.memory_space<hbm>>
      %dma_wait3A_57 = tpu.memref_slice %arg6[%mul3A_11] : memref<16384xi32, #tpu.memory_space<hbm>> -> memref<512xi32, #tpu.memory_space<hbm>>
      tpu.wait_dma2 semaphore(%run_scoped3A : memref<!tpu.dma_semaphore, #tpu.memory_space<semaphore_mem>>) src(%arg16 : memref<512xi32, #tpu.memory_space<vmem>>) dst(%dma_wait3A_57 : memref<512xi32, #tpu.memory_space<hbm>>)
      tpu.yield
    }) : () -> ()
    %broadcast_in_dim3A = arith.constant -3.000000e+38 : f32
    %broadcast_in_dim3A_12 = vector.broadcast %broadcast_in_dim3A : f32 to vector<16xf32>
    %broadcast_in_dim3A_13 = arith.constant 0.000000e+00 : f32
    %broadcast_in_dim3A_14 = vector.broadcast %broadcast_in_dim3A_13 : f32 to vector<16xf32>
    %broadcast_in_dim3A_15 = arith.constant 0 : i32
    %broadcast_in_dim3A_16 = vector.broadcast %broadcast_in_dim3A_15 : i32 to vector<16xi32>
    %scan3A = arith.constant 0 : i32
    %scan3A_17 = arith.constant 0 : i32
    %scan3A_18 = arith.constant 16 : i32
    %scan3A_19 = arith.addi %scan3A_17, %scan3A_18 : i32
    %scan3A_20 = arith.constant 1 : i32
    scf.for %scan3A_54 = %scan3A_17 to %scan3A_19 step %scan3A_20  : i32 {
      %mul3A_55 = arith.constant 16 : i32
      %mul3A_56 = arith.muli %scan3A_54, %mul3A_55 : i32
      %swap3A_57 = arith.index_cast %mul3A_56 : i32 to index
      %swap3A_58 = tpu.vector_load %arg12[%swap3A_57] {strides = array<i32>} : memref<256xf32, #tpu.memory_space<vmem>>, vector<16xf32>,
      tpu.vector_store %arg12[%swap3A_57], %broadcast_in_dim3A_12 {strides = array<i32>} : memref<256xf32, #tpu.memory_space<vmem>>, vector<16xf32>,
      %swap3A_59 = arith.index_cast %mul3A_56 : i32 to index
      %swap3A_60 = tpu.vector_load %arg13[%swap3A_59] {strides = array<i32>} : memref<256xi32, #tpu.memory_space<vmem>>, vector<16xi32>,
      tpu.vector_store %arg13[%swap3A_59], %broadcast_in_dim3A_16 {strides = array<i32>} : memref<256xi32, #tpu.memory_space<vmem>>, vector<16xi32>,
      %swap3A_61 = arith.index_cast %mul3A_56 : i32 to index
      %swap3A_62 = tpu.vector_load %arg14[%swap3A_61] {strides = array<i32>} : memref<256xf32, #tpu.memory_space<vmem>>, vector<16xf32>,
      tpu.vector_store %arg14[%swap3A_61], %broadcast_in_dim3A_14 {strides = array<i32>} : memref<256xf32, #tpu.memory_space<vmem>>, vector<16xf32>,
      %swap3A_63 = arith.index_cast %mul3A_56 : i32 to index
      %swap3A_64 = tpu.vector_load %arg15[%swap3A_63] {strides = array<i32>} : memref<256xf32, #tpu.memory_space<vmem>>, vector<16xf32>,
      tpu.vector_store %arg15[%swap3A_63], %broadcast_in_dim3A_14 {strides = array<i32>} : memref<256xf32, #tpu.memory_space<vmem>>, vector<16xf32>,
    }
    %scan3A_21 = arith.constant 16 : i32
    %scan3A_22 = arith.constant 0 : i32
    %scan3A_23 = arith.constant 0 : i32
    %scan3A_24 = arith.constant 12 : i32
    %scan3A_25 = arith.addi %scan3A_23, %scan3A_24 : i32
    %scan3A_26 = arith.constant 1 : i32
    scf.for %scan3A_54 = %scan3A_23 to %scan3A_25 step %scan3A_26  : i32 {
      %mul3A_55 = arith.constant 2 : i32
      %mul3A_56 = arith.muli %mul3A_55, %scan3A_54 : i32
      %add3A_57 = arith.constant 1 : i32
      %add3A_58 = arith.addi %mul3A_56, %add3A_57 : i32
      %mul3A_59 = arith.constant 40 : i32
      %mul3A_60 = arith.muli %add3A_58, %mul3A_59 : i32
      %dma_start3A_61 = tpu.memref_slice %arg2[%mul3A_60, %mul3A_2] : memref<1000x16384xf32, #tpu.memory_space<hbm>> -> memref<40x256xf32, #tpu.memory_space<hbm>>
      %dma_start3A_62 = tpu.memref_slice %arg2[%mul3A_60, %mul3A_2] : memref<1000x16384xf32, #tpu.memory_space<hbm>> -> memref<40x256xf32, #tpu.memory_space<hbm>>
      tpu.enqueue_dma source(%dma_start3A_62 : memref<40x256xf32, #tpu.memory_space<hbm>>) target(%arg9 : memref<40x256xf32, #tpu.memory_space<vmem>>) target_semaphore(%arg19 : memref<!tpu.dma_semaphore, #tpu.memory_space<semaphore_mem>>)
      %dma_start3A_63 = tpu.memref_slice %arg3[%mul3A_60, %mul3A_2] : memref<1000x16384xf32, #tpu.memory_space<hbm>> -> memref<40x256xf32, #tpu.memory_space<hbm>>
      %dma_start3A_64 = tpu.memref_slice %arg3[%mul3A_60, %mul3A_2] : memref<1000x16384xf32, #tpu.memory_space<hbm>> -> memref<40x256xf32, #tpu.memory_space<hbm>>
      tpu.enqueue_dma source(%dma_start3A_64 : memref<40x256xf32, #tpu.memory_space<hbm>>) target(%arg11 : memref<40x256xf32, #tpu.memory_space<vmem>>) target_semaphore(%arg19 : memref<!tpu.dma_semaphore, #tpu.memory_space<semaphore_mem>>)
      %dma_wait3A_65 = arith.constant 0 : i32
      %dma_wait3A_66 = arith.constant 0 : i32
      %dma_wait3A_67 = tpu.memref_slice %arg2[%dma_wait3A_65, %dma_wait3A_66] : memref<1000x16384xf32, #tpu.memory_space<hbm>> -> memref<40x256xf32, #tpu.memory_space<hbm>>
      %dma_wait3A_68 = arith.constant 0 : i32
      %dma_wait3A_69 = arith.constant 0 : i32
      %dma_wait3A_70 = tpu.memref_slice %arg2[%dma_wait3A_68, %dma_wait3A_69] : memref<1000x16384xf32, #tpu.memory_space<hbm>> -> memref<40x256xf32, #tpu.memory_space<hbm>>
      tpu.wait_dma2 semaphore(%arg18 : memref<!tpu.dma_semaphore, #tpu.memory_space<semaphore_mem>>) src(%dma_wait3A_70 : memref<40x256xf32, #tpu.memory_space<hbm>>) dst(%arg8 : memref<40x256xf32, #tpu.memory_space<vmem>>)
      %dma_wait3A_71 = arith.constant 0 : i32
      %dma_wait3A_72 = arith.constant 0 : i32
      %dma_wait3A_73 = tpu.memref_slice %arg2[%dma_wait3A_71, %dma_wait3A_72] : memref<1000x16384xf32, #tpu.memory_space<hbm>> -> memref<40x256xf32, #tpu.memory_space<hbm>>
      %dma_wait3A_74 = arith.constant 0 : i32
      %dma_wait3A_75 = arith.constant 0 : i32
      %dma_wait3A_76 = tpu.memref_slice %arg2[%dma_wait3A_74, %dma_wait3A_75] : memref<1000x16384xf32, #tpu.memory_space<hbm>> -> memref<40x256xf32, #tpu.memory_space<hbm>>
      tpu.wait_dma2 semaphore(%arg18 : memref<!tpu.dma_semaphore, #tpu.memory_space<semaphore_mem>>) src(%dma_wait3A_76 : memref<40x256xf32, #tpu.memory_space<hbm>>) dst(%arg10 : memref<40x256xf32, #tpu.memory_space<vmem>>)
      %mul3A_77 = arith.constant 40 : i32
      %mul3A_78 = arith.muli %mul3A_56, %mul3A_77 : i32
      %scan3A_79 = arith.constant 0 : i32
      %scan3A_80 = arith.constant 0 : i32
      %scan3A_81 = arith.constant 16 : i32
      %scan3A_82 = arith.addi %scan3A_80, %scan3A_81 : i32
      %scan3A_83 = arith.constant 1 : i32
      scf.for %scan3A_115 = %scan3A_80 to %scan3A_82 step %scan3A_83  : i32 {
        %mul3A_116 = arith.constant 16 : i32
        %mul3A_117 = arith.muli %scan3A_115, %mul3A_116 : i32
        %get3A = arith.index_cast %mul3A_117 : i32 to index
        %get3A_118 = tpu.vector_load %arg12[%get3A] {strides = array<i32>} : memref<256xf32, #tpu.memory_space<vmem>>, vector<16xf32>,
        %get3A_119 = arith.index_cast %mul3A_117 : i32 to index
        %get3A_120 = tpu.vector_load %arg13[%get3A_119] {strides = array<i32>} : memref<256xi32, #tpu.memory_space<vmem>>, vector<16xi32>,
        %get3A_121 = arith.index_cast %mul3A_117 : i32 to index
        %get3A_122 = tpu.vector_load %arg14[%get3A_121] {strides = array<i32>} : memref<256xf32, #tpu.memory_space<vmem>>, vector<16xf32>,
        %get3A_123 = arith.index_cast %mul3A_117 : i32 to index
        %get3A_124 = tpu.vector_load %arg15[%get3A_123] {strides = array<i32>} : memref<256xf32, #tpu.memory_space<vmem>>, vector<16xf32>,
        %get3A_125 = arith.constant 0 : i32
        %get3A_126 = arith.index_cast %get3A_125 : i32 to index
        %get3A_127 = arith.index_cast %mul3A_117 : i32 to index
        %get3A_128 = tpu.vector_load %arg8[%get3A_126, %get3A_127] {strides = array<i32>} : memref<40x256xf32, #tpu.memory_space<vmem>>, vector<16xf32>,
        %get3A_129 = arith.constant 0 : i32
        %get3A_130 = arith.index_cast %get3A_129 : i32 to index
        %get3A_131 = arith.index_cast %mul3A_117 : i32 to index
        %get3A_132 = tpu.vector_load %arg10[%get3A_130, %get3A_131] {strides = array<i32>} : memref<40x256xf32, #tpu.memory_space<vmem>>, vector<16xf32>,
        %exp3A = math.exp %get3A_132 : vector<16xf32>
        %gt3A = arith.cmpf ogt, %get3A_128, %get3A_118 : vector<16xf32>
        %select_n3A = arith.select %gt3A, %get3A_128, %get3A_118 : vector<16xi1>, vector<16xf32>
        %add3A_133 = arith.constant 0 : i32
        %add3A_134 = arith.addi %mul3A_78, %add3A_133 : i32
        %broadcast_in_dim3A_135 = vector.broadcast %add3A_134 : i32 to vector<16xi32>
        %select_n3A_136 = arith.select %gt3A, %broadcast_in_dim3A_135, %get3A_120 : vector<16xi1>, vector<16xi32>
        %select_n3A_137 = arith.select %gt3A, %get3A_132, %get3A_122 : vector<16xi1>, vector<16xf32>
        %get3A_138 = arith.constant 1 : i32
        %get3A_139 = arith.index_cast %get3A_138 : i32 to index
        %get3A_140 = arith.index_cast %mul3A_117 : i32 to index
        %get3A_141 = tpu.vector_load %arg8[%get3A_139, %get3A_140] {strides = array<i32>} : memref<40x256xf32, #tpu.memory_space<vmem>>, vector<16xf32>,
        %get3A_142 = arith.constant 1 : i32
        %get3A_143 = arith.index_cast %get3A_142 : i32 to index
        %get3A_144 = arith.index_cast %mul3A_117 : i32 to index
        %get3A_145 = tpu.vector_load %arg10[%get3A_143, %get3A_144] {strides = array<i32>} : memref<40x256xf32, #tpu.memory_space<vmem>>, vector<16xf32>,
        %exp3A_146 = math.exp %get3A_145 : vector<16xf32>
        %gt3A_147 = arith.cmpf ogt, %get3A_141, %select_n3A : vector<16xf32>
        %select_n3A_148 = arith.select %gt3A_147, %get3A_141, %select_n3A : vector<16xi1>, vector<16xf32>
        %add3A_149 = arith.constant 1 : i32
        %add3A_150 = arith.addi %mul3A_78, %add3A_149 : i32
        %broadcast_in_dim3A_151 = vector.broadcast %add3A_150 : i32 to vector<16xi32>
        %select_n3A_152 = arith.select %gt3A_147, %broadcast_in_dim3A_151, %select_n3A_136 : vector<16xi1>, vector<16xi32>
        %select_n3A_153 = arith.select %gt3A_147, %get3A_145, %select_n3A_137 : vector<16xi1>, vector<16xf32>
        %get3A_154 = arith.constant 2 : i32
        %get3A_155 = arith.index_cast %get3A_154 : i32 to index
        %get3A_156 = arith.index_cast %mul3A_117 : i32 to index
        %get3A_157 = tpu.vector_load %arg8[%get3A_155, %get3A_156] {strides = array<i32>} : memref<40x256xf32, #tpu.memory_space<vmem>>, vector<16xf32>,
        %get3A_158 = arith.constant 2 : i32
        %get3A_159 = arith.index_cast %get3A_158 : i32 to index
        %get3A_160 = arith.index_cast %mul3A_117 : i32 to index
        %get3A_161 = tpu.vector_load %arg10[%get3A_159, %get3A_160] {strides = array<i32>} : memref<40x256xf32, #tpu.memory_space<vmem>>, vector<16xf32>,
        %exp3A_162 = math.exp %get3A_161 : vector<16xf32>
        %gt3A_163 = arith.cmpf ogt, %get3A_157, %select_n3A_148 : vector<16xf32>
        %select_n3A_164 = arith.select %gt3A_163, %get3A_157, %select_n3A_148 : vector<16xi1>, vector<16xf32>
        %add3A_165 = arith.constant 2 : i32
        %add3A_166 = arith.addi %mul3A_78, %add3A_165 : i32
        %broadcast_in_dim3A_167 = vector.broadcast %add3A_166 : i32 to vector<16xi32>
        %select_n3A_168 = arith.select %gt3A_163, %broadcast_in_dim3A_167, %select_n3A_152 : vector<16xi1>, vector<16xi32>
        %select_n3A_169 = arith.select %gt3A_163, %get3A_161, %select_n3A_153 : vector<16xi1>, vector<16xf32>
        %get3A_170 = arith.constant 3 : i32
        %get3A_171 = arith.index_cast %get3A_170 : i32 to index
        %get3A_172 = arith.index_cast %mul3A_117 : i32 to index
        %get3A_173 = tpu.vector_load %arg8[%get3A_171, %get3A_172] {strides = array<i32>} : memref<40x256xf32, #tpu.memory_space<vmem>>, vector<16xf32>,
        %get3A_174 = arith.constant 3 : i32
        %get3A_175 = arith.index_cast %get3A_174 : i32 to index
        %get3A_176 = arith.index_cast %mul3A_117 : i32 to index
        %get3A_177 = tpu.vector_load %arg10[%get3A_175, %get3A_176] {strides = array<i32>} : memref<40x256xf32, #tpu.memory_space<vmem>>, vector<16xf32>,
        %exp3A_178 = math.exp %get3A_177 : vector<16xf32>
        %gt3A_179 = arith.cmpf ogt, %get3A_173, %select_n3A_164 : vector<16xf32>
        %select_n3A_180 = arith.select %gt3A_179, %get3A_173, %select_n3A_164 : vector<16xi1>, vector<16xf32>
        %add3A_181 = arith.constant 3 : i32
        %add3A_182 = arith.addi %mul3A_78, %add3A_181 : i32
        %broadcast_in_dim3A_183 = vector.broadcast %add3A_182 : i32 to vector<16xi32>
        %select_n3A_184 = arith.select %gt3A_179, %broadcast_in_dim3A_183, %select_n3A_168 : vector<16xi1>, vector<16xi32>
        %select_n3A_185 = arith.select %gt3A_179, %get3A_177, %select_n3A_169 : vector<16xi1>, vector<16xf32>
        %get3A_186 = arith.constant 4 : i32
        %get3A_187 = arith.index_cast %get3A_186 : i32 to index
        %get3A_188 = arith.index_cast %mul3A_117 : i32 to index
        %get3A_189 = tpu.vector_load %arg8[%get3A_187, %get3A_188] {strides = array<i32>} : memref<40x256xf32, #tpu.memory_space<vmem>>, vector<16xf32>,
        %get3A_190 = arith.constant 4 : i32
        %get3A_191 = arith.index_cast %get3A_190 : i32 to index
        %get3A_192 = arith.index_cast %mul3A_117 : i32 to index
        %get3A_193 = tpu.vector_load %arg10[%get3A_191, %get3A_192] {strides = array<i32>} : memref<40x256xf32, #tpu.memory_space<vmem>>, vector<16xf32>,
        %exp3A_194 = math.exp %get3A_193 : vector<16xf32>
        %gt3A_195 = arith.cmpf ogt, %get3A_189, %select_n3A_180 : vector<16xf32>
        %select_n3A_196 = arith.select %gt3A_195, %get3A_189, %select_n3A_180 : vector<16xi1>, vector<16xf32>
        %add3A_197 = arith.constant 4 : i32
        %add3A_198 = arith.addi %mul3A_78, %add3A_197 : i32
        %broadcast_in_dim3A_199 = vector.broadcast %add3A_198 : i32 to vector<16xi32>
        %select_n3A_200 = arith.select %gt3A_195, %broadcast_in_dim3A_199, %select_n3A_184 : vector<16xi1>, vector<16xi32>
        %select_n3A_201 = arith.select %gt3A_195, %get3A_193, %select_n3A_185 : vector<16xi1>, vector<16xf32>
        %get3A_202 = arith.constant 5 : i32
        %get3A_203 = arith.index_cast %get3A_202 : i32 to index
        %get3A_204 = arith.index_cast %mul3A_117 : i32 to index
        %get3A_205 = tpu.vector_load %arg8[%get3A_203, %get3A_204] {strides = array<i32>} : memref<40x256xf32, #tpu.memory_space<vmem>>, vector<16xf32>,
        %get3A_206 = arith.constant 5 : i32
        %get3A_207 = arith.index_cast %get3A_206 : i32 to index
        %get3A_208 = arith.index_cast %mul3A_117 : i32 to index
        %get3A_209 = tpu.vector_load %arg10[%get3A_207, %get3A_208] {strides = array<i32>} : memref<40x256xf32, #tpu.memory_space<vmem>>, vector<16xf32>,
        %exp3A_210 = math.exp %get3A_209 : vector<16xf32>
        %gt3A_211 = arith.cmpf ogt, %get3A_205, %select_n3A_196 : vector<16xf32>
        %select_n3A_212 = arith.select %gt3A_211, %get3A_205, %select_n3A_196 : vector<16xi1>, vector<16xf32>
        %add3A_213 = arith.constant 5 : i32
        %add3A_214 = arith.addi %mul3A_78, %add3A_213 : i32
        %broadcast_in_dim3A_215 = vector.broadcast %add3A_214 : i32 to vector<16xi32>
        %select_n3A_216 = arith.select %gt3A_211, %broadcast_in_dim3A_215, %select_n3A_200 : vector<16xi1>, vector<16xi32>
        %select_n3A_217 = arith.select %gt3A_211, %get3A_209, %select_n3A_201 : vector<16xi1>, vector<16xf32>
        %get3A_218 = arith.constant 6 : i32
        %get3A_219 = arith.index_cast %get3A_218 : i32 to index
        %get3A_220 = arith.index_cast %mul3A_117 : i32 to index
        %get3A_221 = tpu.vector_load %arg8[%get3A_219, %get3A_220] {strides = array<i32>} : memref<40x256xf32, #tpu.memory_space<vmem>>, vector<16xf32>,
        %get3A_222 = arith.constant 6 : i32
        %get3A_223 = arith.index_cast %get3A_222 : i32 to index
        %get3A_224 = arith.index_cast %mul3A_117 : i32 to index
        %get3A_225 = tpu.vector_load %arg10[%get3A_223, %get3A_224] {strides = array<i32>} : memref<40x256xf32, #tpu.memory_space<vmem>>, vector<16xf32>,
        %exp3A_226 = math.exp %get3A_225 : vector<16xf32>
        %gt3A_227 = arith.cmpf ogt, %get3A_221, %select_n3A_212 : vector<16xf32>
        %select_n3A_228 = arith.select %gt3A_227, %get3A_221, %select_n3A_212 : vector<16xi1>, vector<16xf32>
        %add3A_229 = arith.constant 6 : i32
        %add3A_230 = arith.addi %mul3A_78, %add3A_229 : i32
        %broadcast_in_dim3A_231 = vector.broadcast %add3A_230 : i32 to vector<16xi32>
        %select_n3A_232 = arith.select %gt3A_227, %broadcast_in_dim3A_231, %select_n3A_216 : vector<16xi1>, vector<16xi32>
        %select_n3A_233 = arith.select %gt3A_227, %get3A_225, %select_n3A_217 : vector<16xi1>, vector<16xf32>
        %get3A_234 = arith.constant 7 : i32
        %get3A_235 = arith.index_cast %get3A_234 : i32 to index
        %get3A_236 = arith.index_cast %mul3A_117 : i32 to index
        %get3A_237 = tpu.vector_load %arg8[%get3A_235, %get3A_236] {strides = array<i32>} : memref<40x256xf32, #tpu.memory_space<vmem>>, vector<16xf32>,
        %get3A_238 = arith.constant 7 : i32
        %get3A_239 = arith.index_cast %get3A_238 : i32 to index
        %get3A_240 = arith.index_cast %mul3A_117 : i32 to index
        %get3A_241 = tpu.vector_load %arg10[%get3A_239, %get3A_240] {strides = array<i32>} : memref<40x256xf32, #tpu.memory_space<vmem>>, vector<16xf32>,
        %exp3A_242 = math.exp %get3A_241 : vector<16xf32>
        %gt3A_243 = arith.cmpf ogt, %get3A_237, %select_n3A_228 : vector<16xf32>
        %select_n3A_244 = arith.select %gt3A_243, %get3A_237, %select_n3A_228 : vector<16xi1>, vector<16xf32>
        %add3A_245 = arith.constant 7 : i32
        %add3A_246 = arith.addi %mul3A_78, %add3A_245 : i32
        %broadcast_in_dim3A_247 = vector.broadcast %add3A_246 : i32 to vector<16xi32>
        %select_n3A_248 = arith.select %gt3A_243, %broadcast_in_dim3A_247, %select_n3A_232 : vector<16xi1>, vector<16xi32>
        %select_n3A_249 = arith.select %gt3A_243, %get3A_241, %select_n3A_233 : vector<16xi1>, vector<16xf32>
        %get3A_250 = arith.constant 8 : i32
        %get3A_251 = arith.index_cast %get3A_250 : i32 to index
        %get3A_252 = arith.index_cast %mul3A_117 : i32 to index
        %get3A_253 = tpu.vector_load %arg8[%get3A_251, %get3A_252] {strides = array<i32>} : memref<40x256xf32, #tpu.memory_space<vmem>>, vector<16xf32>,
        %get3A_254 = arith.constant 8 : i32
        %get3A_255 = arith.index_cast %get3A_254 : i32 to index
        %get3A_256 = arith.index_cast %mul3A_117 : i32 to index
        %get3A_257 = tpu.vector_load %arg10[%get3A_255, %get3A_256] {strides = array<i32>} : memref<40x256xf32, #tpu.memory_space<vmem>>, vector<16xf32>,
        %exp3A_258 = math.exp %get3A_257 : vector<16xf32>
        %gt3A_259 = arith.cmpf ogt, %get3A_253, %select_n3A_244 : vector<16xf32>
        %select_n3A_260 = arith.select %gt3A_259, %get3A_253, %select_n3A_244 : vector<16xi1>, vector<16xf32>
        %add3A_261 = arith.constant 8 : i32
        %add3A_262 = arith.addi %mul3A_78, %add3A_261 : i32
        %broadcast_in_dim3A_263 = vector.broadcast %add3A_262 : i32 to vector<16xi32>
        %select_n3A_264 = arith.select %gt3A_259, %broadcast_in_dim3A_263, %select_n3A_248 : vector<16xi1>, vector<16xi32>
        %select_n3A_265 = arith.select %gt3A_259, %get3A_257, %select_n3A_249 : vector<16xi1>, vector<16xf32>
        %get3A_266 = arith.constant 9 : i32
        %get3A_267 = arith.index_cast %get3A_266 : i32 to index
        %get3A_268 = arith.index_cast %mul3A_117 : i32 to index
        %get3A_269 = tpu.vector_load %arg8[%get3A_267, %get3A_268] {strides = array<i32>} : memref<40x256xf32, #tpu.memory_space<vmem>>, vector<16xf32>,
        %get3A_270 = arith.constant 9 : i32
        %get3A_271 = arith.index_cast %get3A_270 : i32 to index
        %get3A_272 = arith.index_cast %mul3A_117 : i32 to index
        %get3A_273 = tpu.vector_load %arg10[%get3A_271, %get3A_272] {strides = array<i32>} : memref<40x256xf32, #tpu.memory_space<vmem>>, vector<16xf32>,
        %exp3A_274 = math.exp %get3A_273 : vector<16xf32>
        %gt3A_275 = arith.cmpf ogt, %get3A_269, %select_n3A_260 : vector<16xf32>
        %select_n3A_276 = arith.select %gt3A_275, %get3A_269, %select_n3A_260 : vector<16xi1>, vector<16xf32>
        %add3A_277 = arith.constant 9 : i32
        %add3A_278 = arith.addi %mul3A_78, %add3A_277 : i32
        %broadcast_in_dim3A_279 = vector.broadcast %add3A_278 : i32 to vector<16xi32>
        %select_n3A_280 = arith.select %gt3A_275, %broadcast_in_dim3A_279, %select_n3A_264 : vector<16xi1>, vector<16xi32>
        %select_n3A_281 = arith.select %gt3A_275, %get3A_273, %select_n3A_265 : vector<16xi1>, vector<16xf32>
        %get3A_282 = arith.constant 10 : i32
        %get3A_283 = arith.index_cast %get3A_282 : i32 to index
        %get3A_284 = arith.index_cast %mul3A_117 : i32 to index
        %get3A_285 = tpu.vector_load %arg8[%get3A_283, %get3A_284] {strides = array<i32>} : memref<40x256xf32, #tpu.memory_space<vmem>>, vector<16xf32>,
        %get3A_286 = arith.constant 10 : i32
        %get3A_287 = arith.index_cast %get3A_286 : i32 to index
        %get3A_288 = arith.index_cast %mul3A_117 : i32 to index
        %get3A_289 = tpu.vector_load %arg10[%get3A_287, %get3A_288] {strides = array<i32>} : memref<40x256xf32, #tpu.memory_space<vmem>>, vector<16xf32>,
        %exp3A_290 = math.exp %get3A_289 : vector<16xf32>
        %gt3A_291 = arith.cmpf ogt, %get3A_285, %select_n3A_276 : vector<16xf32>
        %select_n3A_292 = arith.select %gt3A_291, %get3A_285, %select_n3A_276 : vector<16xi1>, vector<16xf32>
        %add3A_293 = arith.constant 10 : i32
        %add3A_294 = arith.addi %mul3A_78, %add3A_293 : i32
        %broadcast_in_dim3A_295 = vector.broadcast %add3A_294 : i32 to vector<16xi32>
        %select_n3A_296 = arith.select %gt3A_291, %broadcast_in_dim3A_295, %select_n3A_280 : vector<16xi1>, vector<16xi32>
        %select_n3A_297 = arith.select %gt3A_291, %get3A_289, %select_n3A_281 : vector<16xi1>, vector<16xf32>
        %get3A_298 = arith.constant 11 : i32
        %get3A_299 = arith.index_cast %get3A_298 : i32 to index
        %get3A_300 = arith.index_cast %mul3A_117 : i32 to index
        %get3A_301 = tpu.vector_load %arg8[%get3A_299, %get3A_300] {strides = array<i32>} : memref<40x256xf32, #tpu.memory_space<vmem>>, vector<16xf32>,
        %get3A_302 = arith.constant 11 : i32
        %get3A_303 = arith.index_cast %get3A_302 : i32 to index
        %get3A_304 = arith.index_cast %mul3A_117 : i32 to index
        %get3A_305 = tpu.vector_load %arg10[%get3A_303, %get3A_304] {strides = array<i32>} : memref<40x256xf32, #tpu.memory_space<vmem>>, vector<16xf32>,
        %exp3A_306 = math.exp %get3A_305 : vector<16xf32>
        %gt3A_307 = arith.cmpf ogt, %get3A_301, %select_n3A_292 : vector<16xf32>
        %select_n3A_308 = arith.select %gt3A_307, %get3A_301, %select_n3A_292 : vector<16xi1>, vector<16xf32>
        %add3A_309 = arith.constant 11 : i32
        %add3A_310 = arith.addi %mul3A_78, %add3A_309 : i32
        %broadcast_in_dim3A_311 = vector.broadcast %add3A_310 : i32 to vector<16xi32>
        %select_n3A_312 = arith.select %gt3A_307, %broadcast_in_dim3A_311, %select_n3A_296 : vector<16xi1>, vector<16xi32>
        %select_n3A_313 = arith.select %gt3A_307, %get3A_305, %select_n3A_297 : vector<16xi1>, vector<16xf32>
        %get3A_314 = arith.constant 12 : i32
        %get3A_315 = arith.index_cast %get3A_314 : i32 to index
        %get3A_316 = arith.index_cast %mul3A_117 : i32 to index
        %get3A_317 = tpu.vector_load %arg8[%get3A_315, %get3A_316] {strides = array<i32>} : memref<40x256xf32, #tpu.memory_space<vmem>>, vector<16xf32>,
        %get3A_318 = arith.constant 12 : i32
        %get3A_319 = arith.index_cast %get3A_318 : i32 to index
        %get3A_320 = arith.index_cast %mul3A_117 : i32 to index
        %get3A_321 = tpu.vector_load %arg10[%get3A_319, %get3A_320] {strides = array<i32>} : memref<40x256xf32, #tpu.memory_space<vmem>>, vector<16xf32>,
        %exp3A_322 = math.exp %get3A_321 : vector<16xf32>
        %gt3A_323 = arith.cmpf ogt, %get3A_317, %select_n3A_308 : vector<16xf32>
        %select_n3A_324 = arith.select %gt3A_323, %get3A_317, %select_n3A_308 : vector<16xi1>, vector<16xf32>
        %add3A_325 = arith.constant 12 : i32
        %add3A_326 = arith.addi %mul3A_78, %add3A_325 : i32
        %broadcast_in_dim3A_327 = vector.broadcast %add3A_326 : i32 to vector<16xi32>
        %select_n3A_328 = arith.select %gt3A_323, %broadcast_in_dim3A_327, %select_n3A_312 : vector<16xi1>, vector<16xi32>
        %select_n3A_329 = arith.select %gt3A_323, %get3A_321, %select_n3A_313 : vector<16xi1>, vector<16xf32>
        %get3A_330 = arith.constant 13 : i32
        %get3A_331 = arith.index_cast %get3A_330 : i32 to index
        %get3A_332 = arith.index_cast %mul3A_117 : i32 to index
        %get3A_333 = tpu.vector_load %arg8[%get3A_331, %get3A_332] {strides = array<i32>} : memref<40x256xf32, #tpu.memory_space<vmem>>, vector<16xf32>,
        %get3A_334 = arith.constant 13 : i32
        %get3A_335 = arith.index_cast %get3A_334 : i32 to index
        %get3A_336 = arith.index_cast %mul3A_117 : i32 to index
        %get3A_337 = tpu.vector_load %arg10[%get3A_335, %get3A_336] {strides = array<i32>} : memref<40x256xf32, #tpu.memory_space<vmem>>, vector<16xf32>,
        %exp3A_338 = math.exp %get3A_337 : vector<16xf32>
        %gt3A_339 = arith.cmpf ogt, %get3A_333, %select_n3A_324 : vector<16xf32>
        %select_n3A_340 = arith.select %gt3A_339, %get3A_333, %select_n3A_324 : vector<16xi1>, vector<16xf32>
        %add3A_341 = arith.constant 13 : i32
        %add3A_342 = arith.addi %mul3A_78, %add3A_341 : i32
        %broadcast_in_dim3A_343 = vector.broadcast %add3A_342 : i32 to vector<16xi32>
        %select_n3A_344 = arith.select %gt3A_339, %broadcast_in_dim3A_343, %select_n3A_328 : vector<16xi1>, vector<16xi32>
        %select_n3A_345 = arith.select %gt3A_339, %get3A_337, %select_n3A_329 : vector<16xi1>, vector<16xf32>
        %get3A_346 = arith.constant 14 : i32
        %get3A_347 = arith.index_cast %get3A_346 : i32 to index
        %get3A_348 = arith.index_cast %mul3A_117 : i32 to index
        %get3A_349 = tpu.vector_load %arg8[%get3A_347, %get3A_348] {strides = array<i32>} : memref<40x256xf32, #tpu.memory_space<vmem>>, vector<16xf32>,
        %get3A_350 = arith.constant 14 : i32
        %get3A_351 = arith.index_cast %get3A_350 : i32 to index
        %get3A_352 = arith.index_cast %mul3A_117 : i32 to index
        %get3A_353 = tpu.vector_load %arg10[%get3A_351, %get3A_352] {strides = array<i32>} : memref<40x256xf32, #tpu.memory_space<vmem>>, vector<16xf32>,
        %exp3A_354 = math.exp %get3A_353 : vector<16xf32>
        %gt3A_355 = arith.cmpf ogt, %get3A_349, %select_n3A_340 : vector<16xf32>
        %select_n3A_356 = arith.select %gt3A_355, %get3A_349, %select_n3A_340 : vector<16xi1>, vector<16xf32>
        %add3A_357 = arith.constant 14 : i32
        %add3A_358 = arith.addi %mul3A_78, %add3A_357 : i32
        %broadcast_in_dim3A_359 = vector.broadcast %add3A_358 : i32 to vector<16xi32>
        %select_n3A_360 = arith.select %gt3A_355, %broadcast_in_dim3A_359, %select_n3A_344 : vector<16xi1>, vector<16xi32>
        %select_n3A_361 = arith.select %gt3A_355, %get3A_353, %select_n3A_345 : vector<16xi1>, vector<16xf32>
        %get3A_362 = arith.constant 15 : i32
        %get3A_363 = arith.index_cast %get3A_362 : i32 to index
        %get3A_364 = arith.index_cast %mul3A_117 : i32 to index
        %get3A_365 = tpu.vector_load %arg8[%get3A_363, %get3A_364] {strides = array<i32>} : memref<40x256xf32, #tpu.memory_space<vmem>>, vector<16xf32>,
        %get3A_366 = arith.constant 15 : i32
        %get3A_367 = arith.index_cast %get3A_366 : i32 to index
        %get3A_368 = arith.index_cast %mul3A_117 : i32 to index
        %get3A_369 = tpu.vector_load %arg10[%get3A_367, %get3A_368] {strides = array<i32>} : memref<40x256xf32, #tpu.memory_space<vmem>>, vector<16xf32>,
        %exp3A_370 = math.exp %get3A_369 : vector<16xf32>
        %gt3A_371 = arith.cmpf ogt, %get3A_365, %select_n3A_356 : vector<16xf32>
        %select_n3A_372 = arith.select %gt3A_371, %get3A_365, %select_n3A_356 : vector<16xi1>, vector<16xf32>
        %add3A_373 = arith.constant 15 : i32
        %add3A_374 = arith.addi %mul3A_78, %add3A_373 : i32
        %broadcast_in_dim3A_375 = vector.broadcast %add3A_374 : i32 to vector<16xi32>
        %select_n3A_376 = arith.select %gt3A_371, %broadcast_in_dim3A_375, %select_n3A_360 : vector<16xi1>, vector<16xi32>
        %select_n3A_377 = arith.select %gt3A_371, %get3A_369, %select_n3A_361 : vector<16xi1>, vector<16xf32>
        %get3A_378 = arith.constant 16 : i32
        %get3A_379 = arith.index_cast %get3A_378 : i32 to index
        %get3A_380 = arith.index_cast %mul3A_117 : i32 to index
        %get3A_381 = tpu.vector_load %arg8[%get3A_379, %get3A_380] {strides = array<i32>} : memref<40x256xf32, #tpu.memory_space<vmem>>, vector<16xf32>,
        %get3A_382 = arith.constant 16 : i32
        %get3A_383 = arith.index_cast %get3A_382 : i32 to index
        %get3A_384 = arith.index_cast %mul3A_117 : i32 to index
        %get3A_385 = tpu.vector_load %arg10[%get3A_383, %get3A_384] {strides = array<i32>} : memref<40x256xf32, #tpu.memory_space<vmem>>, vector<16xf32>,
        %exp3A_386 = math.exp %get3A_385 : vector<16xf32>
        %gt3A_387 = arith.cmpf ogt, %get3A_381, %select_n3A_372 : vector<16xf32>
        %select_n3A_388 = arith.select %gt3A_387, %get3A_381, %select_n3A_372 : vector<16xi1>, vector<16xf32>
        %add3A_389 = arith.constant 16 : i32
        %add3A_390 = arith.addi %mul3A_78, %add3A_389 : i32
        %broadcast_in_dim3A_391 = vector.broadcast %add3A_390 : i32 to vector<16xi32>
        %select_n3A_392 = arith.select %gt3A_387, %broadcast_in_dim3A_391, %select_n3A_376 : vector<16xi1>, vector<16xi32>
        %select_n3A_393 = arith.select %gt3A_387, %get3A_385, %select_n3A_377 : vector<16xi1>, vector<16xf32>
        %get3A_394 = arith.constant 17 : i32
        %get3A_395 = arith.index_cast %get3A_394 : i32 to index
        %get3A_396 = arith.index_cast %mul3A_117 : i32 to index
        %get3A_397 = tpu.vector_load %arg8[%get3A_395, %get3A_396] {strides = array<i32>} : memref<40x256xf32, #tpu.memory_space<vmem>>, vector<16xf32>,
        %get3A_398 = arith.constant 17 : i32
        %get3A_399 = arith.index_cast %get3A_398 : i32 to index
        %get3A_400 = arith.index_cast %mul3A_117 : i32 to index
        %get3A_401 = tpu.vector_load %arg10[%get3A_399, %get3A_400] {strides = array<i32>} : memref<40x256xf32, #tpu.memory_space<vmem>>, vector<16xf32>,
        %exp3A_402 = math.exp %get3A_401 : vector<16xf32>
        %gt3A_403 = arith.cmpf ogt, %get3A_397, %select_n3A_388 : vector<16xf32>
        %select_n3A_404 = arith.select %gt3A_403, %get3A_397, %select_n3A_388 : vector<16xi1>, vector<16xf32>
        %add3A_405 = arith.constant 17 : i32
        %add3A_406 = arith.addi %mul3A_78, %add3A_405 : i32
        %broadcast_in_dim3A_407 = vector.broadcast %add3A_406 : i32 to vector<16xi32>
        %select_n3A_408 = arith.select %gt3A_403, %broadcast_in_dim3A_407, %select_n3A_392 : vector<16xi1>, vector<16xi32>
        %select_n3A_409 = arith.select %gt3A_403, %get3A_401, %select_n3A_393 : vector<16xi1>, vector<16xf32>
        %get3A_410 = arith.constant 18 : i32
        %get3A_411 = arith.index_cast %get3A_410 : i32 to index
        %get3A_412 = arith.index_cast %mul3A_117 : i32 to index
        %get3A_413 = tpu.vector_load %arg8[%get3A_411, %get3A_412] {strides = array<i32>} : memref<40x256xf32, #tpu.memory_space<vmem>>, vector<16xf32>,
        %get3A_414 = arith.constant 18 : i32
        %get3A_415 = arith.index_cast %get3A_414 : i32 to index
        %get3A_416 = arith.index_cast %mul3A_117 : i32 to index
        %get3A_417 = tpu.vector_load %arg10[%get3A_415, %get3A_416] {strides = array<i32>} : memref<40x256xf32, #tpu.memory_space<vmem>>, vector<16xf32>,
        %exp3A_418 = math.exp %get3A_417 : vector<16xf32>
        %gt3A_419 = arith.cmpf ogt, %get3A_413, %select_n3A_404 : vector<16xf32>
        %select_n3A_420 = arith.select %gt3A_419, %get3A_413, %select_n3A_404 : vector<16xi1>, vector<16xf32>
        %add3A_421 = arith.constant 18 : i32
        %add3A_422 = arith.addi %mul3A_78, %add3A_421 : i32
        %broadcast_in_dim3A_423 = vector.broadcast %add3A_422 : i32 to vector<16xi32>
        %select_n3A_424 = arith.select %gt3A_419, %broadcast_in_dim3A_423, %select_n3A_408 : vector<16xi1>, vector<16xi32>
        %select_n3A_425 = arith.select %gt3A_419, %get3A_417, %select_n3A_409 : vector<16xi1>, vector<16xf32>
        %get3A_426 = arith.constant 19 : i32
        %get3A_427 = arith.index_cast %get3A_426 : i32 to index
        %get3A_428 = arith.index_cast %mul3A_117 : i32 to index
        %get3A_429 = tpu.vector_load %arg8[%get3A_427, %get3A_428] {strides = array<i32>} : memref<40x256xf32, #tpu.memory_space<vmem>>, vector<16xf32>,
        %get3A_430 = arith.constant 19 : i32
        %get3A_431 = arith.index_cast %get3A_430 : i32 to index
        %get3A_432 = arith.index_cast %mul3A_117 : i32 to index
        %get3A_433 = tpu.vector_load %arg10[%get3A_431, %get3A_432] {strides = array<i32>} : memref<40x256xf32, #tpu.memory_space<vmem>>, vector<16xf32>,
        %exp3A_434 = math.exp %get3A_433 : vector<16xf32>
        %gt3A_435 = arith.cmpf ogt, %get3A_429, %select_n3A_420 : vector<16xf32>
        %select_n3A_436 = arith.select %gt3A_435, %get3A_429, %select_n3A_420 : vector<16xi1>, vector<16xf32>
        %add3A_437 = arith.constant 19 : i32
        %add3A_438 = arith.addi %mul3A_78, %add3A_437 : i32
        %broadcast_in_dim3A_439 = vector.broadcast %add3A_438 : i32 to vector<16xi32>
        %select_n3A_440 = arith.select %gt3A_435, %broadcast_in_dim3A_439, %select_n3A_424 : vector<16xi1>, vector<16xi32>
        %select_n3A_441 = arith.select %gt3A_435, %get3A_433, %select_n3A_425 : vector<16xi1>, vector<16xf32>
        %get3A_442 = arith.constant 20 : i32
        %get3A_443 = arith.index_cast %get3A_442 : i32 to index
        %get3A_444 = arith.index_cast %mul3A_117 : i32 to index
        %get3A_445 = tpu.vector_load %arg8[%get3A_443, %get3A_444] {strides = array<i32>} : memref<40x256xf32, #tpu.memory_space<vmem>>, vector<16xf32>,
        %get3A_446 = arith.constant 20 : i32
        %get3A_447 = arith.index_cast %get3A_446 : i32 to index
        %get3A_448 = arith.index_cast %mul3A_117 : i32 to index
        %get3A_449 = tpu.vector_load %arg10[%get3A_447, %get3A_448] {strides = array<i32>} : memref<40x256xf32, #tpu.memory_space<vmem>>, vector<16xf32>,
        %exp3A_450 = math.exp %get3A_449 : vector<16xf32>
        %gt3A_451 = arith.cmpf ogt, %get3A_445, %select_n3A_436 : vector<16xf32>
        %select_n3A_452 = arith.select %gt3A_451, %get3A_445, %select_n3A_436 : vector<16xi1>, vector<16xf32>
        %add3A_453 = arith.constant 20 : i32
        %add3A_454 = arith.addi %mul3A_78, %add3A_453 : i32
        %broadcast_in_dim3A_455 = vector.broadcast %add3A_454 : i32 to vector<16xi32>
        %select_n3A_456 = arith.select %gt3A_451, %broadcast_in_dim3A_455, %select_n3A_440 : vector<16xi1>, vector<16xi32>
        %select_n3A_457 = arith.select %gt3A_451, %get3A_449, %select_n3A_441 : vector<16xi1>, vector<16xf32>
        %get3A_458 = arith.constant 21 : i32
        %get3A_459 = arith.index_cast %get3A_458 : i32 to index
        %get3A_460 = arith.index_cast %mul3A_117 : i32 to index
        %get3A_461 = tpu.vector_load %arg8[%get3A_459, %get3A_460] {strides = array<i32>} : memref<40x256xf32, #tpu.memory_space<vmem>>, vector<16xf32>,
        %get3A_462 = arith.constant 21 : i32
        %get3A_463 = arith.index_cast %get3A_462 : i32 to index
        %get3A_464 = arith.index_cast %mul3A_117 : i32 to index
        %get3A_465 = tpu.vector_load %arg10[%get3A_463, %get3A_464] {strides = array<i32>} : memref<40x256xf32, #tpu.memory_space<vmem>>, vector<16xf32>,
        %exp3A_466 = math.exp %get3A_465 : vector<16xf32>
        %gt3A_467 = arith.cmpf ogt, %get3A_461, %select_n3A_452 : vector<16xf32>
        %select_n3A_468 = arith.select %gt3A_467, %get3A_461, %select_n3A_452 : vector<16xi1>, vector<16xf32>
        %add3A_469 = arith.constant 21 : i32
        %add3A_470 = arith.addi %mul3A_78, %add3A_469 : i32
        %broadcast_in_dim3A_471 = vector.broadcast %add3A_470 : i32 to vector<16xi32>
        %select_n3A_472 = arith.select %gt3A_467, %broadcast_in_dim3A_471, %select_n3A_456 : vector<16xi1>, vector<16xi32>
        %select_n3A_473 = arith.select %gt3A_467, %get3A_465, %select_n3A_457 : vector<16xi1>, vector<16xf32>
        %get3A_474 = arith.constant 22 : i32
        %get3A_475 = arith.index_cast %get3A_474 : i32 to index
        %get3A_476 = arith.index_cast %mul3A_117 : i32 to index
        %get3A_477 = tpu.vector_load %arg8[%get3A_475, %get3A_476] {strides = array<i32>} : memref<40x256xf32, #tpu.memory_space<vmem>>, vector<16xf32>,
        %get3A_478 = arith.constant 22 : i32
        %get3A_479 = arith.index_cast %get3A_478 : i32 to index
        %get3A_480 = arith.index_cast %mul3A_117 : i32 to index
        %get3A_481 = tpu.vector_load %arg10[%get3A_479, %get3A_480] {strides = array<i32>} : memref<40x256xf32, #tpu.memory_space<vmem>>, vector<16xf32>,
        %exp3A_482 = math.exp %get3A_481 : vector<16xf32>
        %gt3A_483 = arith.cmpf ogt, %get3A_477, %select_n3A_468 : vector<16xf32>
        %select_n3A_484 = arith.select %gt3A_483, %get3A_477, %select_n3A_468 : vector<16xi1>, vector<16xf32>
        %add3A_485 = arith.constant 22 : i32
        %add3A_486 = arith.addi %mul3A_78, %add3A_485 : i32
        %broadcast_in_dim3A_487 = vector.broadcast %add3A_486 : i32 to vector<16xi32>
        %select_n3A_488 = arith.select %gt3A_483, %broadcast_in_dim3A_487, %select_n3A_472 : vector<16xi1>, vector<16xi32>
        %select_n3A_489 = arith.select %gt3A_483, %get3A_481, %select_n3A_473 : vector<16xi1>, vector<16xf32>
        %get3A_490 = arith.constant 23 : i32
        %get3A_491 = arith.index_cast %get3A_490 : i32 to index
        %get3A_492 = arith.index_cast %mul3A_117 : i32 to index
        %get3A_493 = tpu.vector_load %arg8[%get3A_491, %get3A_492] {strides = array<i32>} : memref<40x256xf32, #tpu.memory_space<vmem>>, vector<16xf32>,
        %get3A_494 = arith.constant 23 : i32
        %get3A_495 = arith.index_cast %get3A_494 : i32 to index
        %get3A_496 = arith.index_cast %mul3A_117 : i32 to index
        %get3A_497 = tpu.vector_load %arg10[%get3A_495, %get3A_496] {strides = array<i32>} : memref<40x256xf32, #tpu.memory_space<vmem>>, vector<16xf32>,
        %exp3A_498 = math.exp %get3A_497 : vector<16xf32>
        %gt3A_499 = arith.cmpf ogt, %get3A_493, %select_n3A_484 : vector<16xf32>
        %select_n3A_500 = arith.select %gt3A_499, %get3A_493, %select_n3A_484 : vector<16xi1>, vector<16xf32>
        %add3A_501 = arith.constant 23 : i32
        %add3A_502 = arith.addi %mul3A_78, %add3A_501 : i32
        %broadcast_in_dim3A_503 = vector.broadcast %add3A_502 : i32 to vector<16xi32>
        %select_n3A_504 = arith.select %gt3A_499, %broadcast_in_dim3A_503, %select_n3A_488 : vector<16xi1>, vector<16xi32>
        %select_n3A_505 = arith.select %gt3A_499, %get3A_497, %select_n3A_489 : vector<16xi1>, vector<16xf32>
        %get3A_506 = arith.constant 24 : i32
        %get3A_507 = arith.index_cast %get3A_506 : i32 to index
        %get3A_508 = arith.index_cast %mul3A_117 : i32 to index
        %get3A_509 = tpu.vector_load %arg8[%get3A_507, %get3A_508] {strides = array<i32>} : memref<40x256xf32, #tpu.memory_space<vmem>>, vector<16xf32>,
        %get3A_510 = arith.constant 24 : i32
        %get3A_511 = arith.index_cast %get3A_510 : i32 to index
        %get3A_512 = arith.index_cast %mul3A_117 : i32 to index
        %get3A_513 = tpu.vector_load %arg10[%get3A_511, %get3A_512] {strides = array<i32>} : memref<40x256xf32, #tpu.memory_space<vmem>>, vector<16xf32>,
        %exp3A_514 = math.exp %get3A_513 : vector<16xf32>
        %gt3A_515 = arith.cmpf ogt, %get3A_509, %select_n3A_500 : vector<16xf32>
        %select_n3A_516 = arith.select %gt3A_515, %get3A_509, %select_n3A_500 : vector<16xi1>, vector<16xf32>
        %add3A_517 = arith.constant 24 : i32
        %add3A_518 = arith.addi %mul3A_78, %add3A_517 : i32
        %broadcast_in_dim3A_519 = vector.broadcast %add3A_518 : i32 to vector<16xi32>
        %select_n3A_520 = arith.select %gt3A_515, %broadcast_in_dim3A_519, %select_n3A_504 : vector<16xi1>, vector<16xi32>
        %select_n3A_521 = arith.select %gt3A_515, %get3A_513, %select_n3A_505 : vector<16xi1>, vector<16xf32>
        %get3A_522 = arith.constant 25 : i32
        %get3A_523 = arith.index_cast %get3A_522 : i32 to index
        %get3A_524 = arith.index_cast %mul3A_117 : i32 to index
        %get3A_525 = tpu.vector_load %arg8[%get3A_523, %get3A_524] {strides = array<i32>} : memref<40x256xf32, #tpu.memory_space<vmem>>, vector<16xf32>,
        %get3A_526 = arith.constant 25 : i32
        %get3A_527 = arith.index_cast %get3A_526 : i32 to index
        %get3A_528 = arith.index_cast %mul3A_117 : i32 to index
        %get3A_529 = tpu.vector_load %arg10[%get3A_527, %get3A_528] {strides = array<i32>} : memref<40x256xf32, #tpu.memory_space<vmem>>, vector<16xf32>,
        %exp3A_530 = math.exp %get3A_529 : vector<16xf32>
        %gt3A_531 = arith.cmpf ogt, %get3A_525, %select_n3A_516 : vector<16xf32>
        %select_n3A_532 = arith.select %gt3A_531, %get3A_525, %select_n3A_516 : vector<16xi1>, vector<16xf32>
        %add3A_533 = arith.constant 25 : i32
        %add3A_534 = arith.addi %mul3A_78, %add3A_533 : i32
        %broadcast_in_dim3A_535 = vector.broadcast %add3A_534 : i32 to vector<16xi32>
        %select_n3A_536 = arith.select %gt3A_531, %broadcast_in_dim3A_535, %select_n3A_520 : vector<16xi1>, vector<16xi32>
        %select_n3A_537 = arith.select %gt3A_531, %get3A_529, %select_n3A_521 : vector<16xi1>, vector<16xf32>
        %get3A_538 = arith.constant 26 : i32
        %get3A_539 = arith.index_cast %get3A_538 : i32 to index
        %get3A_540 = arith.index_cast %mul3A_117 : i32 to index
        %get3A_541 = tpu.vector_load %arg8[%get3A_539, %get3A_540] {strides = array<i32>} : memref<40x256xf32, #tpu.memory_space<vmem>>, vector<16xf32>,
        %get3A_542 = arith.constant 26 : i32
        %get3A_543 = arith.index_cast %get3A_542 : i32 to index
        %get3A_544 = arith.index_cast %mul3A_117 : i32 to index
        %get3A_545 = tpu.vector_load %arg10[%get3A_543, %get3A_544] {strides = array<i32>} : memref<40x256xf32, #tpu.memory_space<vmem>>, vector<16xf32>,
        %exp3A_546 = math.exp %get3A_545 : vector<16xf32>
        %gt3A_547 = arith.cmpf ogt, %get3A_541, %select_n3A_532 : vector<16xf32>
        %select_n3A_548 = arith.select %gt3A_547, %get3A_541, %select_n3A_532 : vector<16xi1>, vector<16xf32>
        %add3A_549 = arith.constant 26 : i32
        %add3A_550 = arith.addi %mul3A_78, %add3A_549 : i32
        %broadcast_in_dim3A_551 = vector.broadcast %add3A_550 : i32 to vector<16xi32>
        %select_n3A_552 = arith.select %gt3A_547, %broadcast_in_dim3A_551, %select_n3A_536 : vector<16xi1>, vector<16xi32>
        %select_n3A_553 = arith.select %gt3A_547, %get3A_545, %select_n3A_537 : vector<16xi1>, vector<16xf32>
        %get3A_554 = arith.constant 27 : i32
        %get3A_555 = arith.index_cast %get3A_554 : i32 to index
        %get3A_556 = arith.index_cast %mul3A_117 : i32 to index
        %get3A_557 = tpu.vector_load %arg8[%get3A_555, %get3A_556] {strides = array<i32>} : memref<40x256xf32, #tpu.memory_space<vmem>>, vector<16xf32>,
        %get3A_558 = arith.constant 27 : i32
        %get3A_559 = arith.index_cast %get3A_558 : i32 to index
        %get3A_560 = arith.index_cast %mul3A_117 : i32 to index
        %get3A_561 = tpu.vector_load %arg10[%get3A_559, %get3A_560] {strides = array<i32>} : memref<40x256xf32, #tpu.memory_space<vmem>>, vector<16xf32>,
        %exp3A_562 = math.exp %get3A_561 : vector<16xf32>
        %gt3A_563 = arith.cmpf ogt, %get3A_557, %select_n3A_548 : vector<16xf32>
        %select_n3A_564 = arith.select %gt3A_563, %get3A_557, %select_n3A_548 : vector<16xi1>, vector<16xf32>
        %add3A_565 = arith.constant 27 : i32
        %add3A_566 = arith.addi %mul3A_78, %add3A_565 : i32
        %broadcast_in_dim3A_567 = vector.broadcast %add3A_566 : i32 to vector<16xi32>
        %select_n3A_568 = arith.select %gt3A_563, %broadcast_in_dim3A_567, %select_n3A_552 : vector<16xi1>, vector<16xi32>
        %select_n3A_569 = arith.select %gt3A_563, %get3A_561, %select_n3A_553 : vector<16xi1>, vector<16xf32>
        %get3A_570 = arith.constant 28 : i32
        %get3A_571 = arith.index_cast %get3A_570 : i32 to index
        %get3A_572 = arith.index_cast %mul3A_117 : i32 to index
        %get3A_573 = tpu.vector_load %arg8[%get3A_571, %get3A_572] {strides = array<i32>} : memref<40x256xf32, #tpu.memory_space<vmem>>, vector<16xf32>,
        %get3A_574 = arith.constant 28 : i32
        %get3A_575 = arith.index_cast %get3A_574 : i32 to index
        %get3A_576 = arith.index_cast %mul3A_117 : i32 to index
        %get3A_577 = tpu.vector_load %arg10[%get3A_575, %get3A_576] {strides = array<i32>} : memref<40x256xf32, #tpu.memory_space<vmem>>, vector<16xf32>,
        %exp3A_578 = math.exp %get3A_577 : vector<16xf32>
        %gt3A_579 = arith.cmpf ogt, %get3A_573, %select_n3A_564 : vector<16xf32>
        %select_n3A_580 = arith.select %gt3A_579, %get3A_573, %select_n3A_564 : vector<16xi1>, vector<16xf32>
        %add3A_581 = arith.constant 28 : i32
        %add3A_582 = arith.addi %mul3A_78, %add3A_581 : i32
        %broadcast_in_dim3A_583 = vector.broadcast %add3A_582 : i32 to vector<16xi32>
        %select_n3A_584 = arith.select %gt3A_579, %broadcast_in_dim3A_583, %select_n3A_568 : vector<16xi1>, vector<16xi32>
        %select_n3A_585 = arith.select %gt3A_579, %get3A_577, %select_n3A_569 : vector<16xi1>, vector<16xf32>
        %get3A_586 = arith.constant 29 : i32
        %get3A_587 = arith.index_cast %get3A_586 : i32 to index
        %get3A_588 = arith.index_cast %mul3A_117 : i32 to index
        %get3A_589 = tpu.vector_load %arg8[%get3A_587, %get3A_588] {strides = array<i32>} : memref<40x256xf32, #tpu.memory_space<vmem>>, vector<16xf32>,
        %get3A_590 = arith.constant 29 : i32
        %get3A_591 = arith.index_cast %get3A_590 : i32 to index
        %get3A_592 = arith.index_cast %mul3A_117 : i32 to index
        %get3A_593 = tpu.vector_load %arg10[%get3A_591, %get3A_592] {strides = array<i32>} : memref<40x256xf32, #tpu.memory_space<vmem>>, vector<16xf32>,
        %exp3A_594 = math.exp %get3A_593 : vector<16xf32>
        %gt3A_595 = arith.cmpf ogt, %get3A_589, %select_n3A_580 : vector<16xf32>
        %select_n3A_596 = arith.select %gt3A_595, %get3A_589, %select_n3A_580 : vector<16xi1>, vector<16xf32>
        %add3A_597 = arith.constant 29 : i32
        %add3A_598 = arith.addi %mul3A_78, %add3A_597 : i32
        %broadcast_in_dim3A_599 = vector.broadcast %add3A_598 : i32 to vector<16xi32>
        %select_n3A_600 = arith.select %gt3A_595, %broadcast_in_dim3A_599, %select_n3A_584 : vector<16xi1>, vector<16xi32>
        %select_n3A_601 = arith.select %gt3A_595, %get3A_593, %select_n3A_585 : vector<16xi1>, vector<16xf32>
        %get3A_602 = arith.constant 30 : i32
        %get3A_603 = arith.index_cast %get3A_602 : i32 to index
        %get3A_604 = arith.index_cast %mul3A_117 : i32 to index
        %get3A_605 = tpu.vector_load %arg8[%get3A_603, %get3A_604] {strides = array<i32>} : memref<40x256xf32, #tpu.memory_space<vmem>>, vector<16xf32>,
        %get3A_606 = arith.constant 30 : i32
        %get3A_607 = arith.index_cast %get3A_606 : i32 to index
        %get3A_608 = arith.index_cast %mul3A_117 : i32 to index
        %get3A_609 = tpu.vector_load %arg10[%get3A_607, %get3A_608] {strides = array<i32>} : memref<40x256xf32, #tpu.memory_space<vmem>>, vector<16xf32>,
        %exp3A_610 = math.exp %get3A_609 : vector<16xf32>
        %gt3A_611 = arith.cmpf ogt, %get3A_605, %select_n3A_596 : vector<16xf32>
        %select_n3A_612 = arith.select %gt3A_611, %get3A_605, %select_n3A_596 : vector<16xi1>, vector<16xf32>
        %add3A_613 = arith.constant 30 : i32
        %add3A_614 = arith.addi %mul3A_78, %add3A_613 : i32
        %broadcast_in_dim3A_615 = vector.broadcast %add3A_614 : i32 to vector<16xi32>
        %select_n3A_616 = arith.select %gt3A_611, %broadcast_in_dim3A_615, %select_n3A_600 : vector<16xi1>, vector<16xi32>
        %select_n3A_617 = arith.select %gt3A_611, %get3A_609, %select_n3A_601 : vector<16xi1>, vector<16xf32>
        %get3A_618 = arith.constant 31 : i32
        %get3A_619 = arith.index_cast %get3A_618 : i32 to index
        %get3A_620 = arith.index_cast %mul3A_117 : i32 to index
        %get3A_621 = tpu.vector_load %arg8[%get3A_619, %get3A_620] {strides = array<i32>} : memref<40x256xf32, #tpu.memory_space<vmem>>, vector<16xf32>,
        %get3A_622 = arith.constant 31 : i32
        %get3A_623 = arith.index_cast %get3A_622 : i32 to index
        %get3A_624 = arith.index_cast %mul3A_117 : i32 to index
        %get3A_625 = tpu.vector_load %arg10[%get3A_623, %get3A_624] {strides = array<i32>} : memref<40x256xf32, #tpu.memory_space<vmem>>, vector<16xf32>,
        %exp3A_626 = math.exp %get3A_625 : vector<16xf32>
        %gt3A_627 = arith.cmpf ogt, %get3A_621, %select_n3A_612 : vector<16xf32>
        %select_n3A_628 = arith.select %gt3A_627, %get3A_621, %select_n3A_612 : vector<16xi1>, vector<16xf32>
        %add3A_629 = arith.constant 31 : i32
        %add3A_630 = arith.addi %mul3A_78, %add3A_629 : i32
        %broadcast_in_dim3A_631 = vector.broadcast %add3A_630 : i32 to vector<16xi32>
        %select_n3A_632 = arith.select %gt3A_627, %broadcast_in_dim3A_631, %select_n3A_616 : vector<16xi1>, vector<16xi32>
        %select_n3A_633 = arith.select %gt3A_627, %get3A_625, %select_n3A_617 : vector<16xi1>, vector<16xf32>
        %get3A_634 = arith.constant 32 : i32
        %get3A_635 = arith.index_cast %get3A_634 : i32 to index
        %get3A_636 = arith.index_cast %mul3A_117 : i32 to index
        %get3A_637 = tpu.vector_load %arg8[%get3A_635, %get3A_636] {strides = array<i32>} : memref<40x256xf32, #tpu.memory_space<vmem>>, vector<16xf32>,
        %get3A_638 = arith.constant 32 : i32
        %get3A_639 = arith.index_cast %get3A_638 : i32 to index
        %get3A_640 = arith.index_cast %mul3A_117 : i32 to index
        %get3A_641 = tpu.vector_load %arg10[%get3A_639, %get3A_640] {strides = array<i32>} : memref<40x256xf32, #tpu.memory_space<vmem>>, vector<16xf32>,
        %exp3A_642 = math.exp %get3A_641 : vector<16xf32>
        %gt3A_643 = arith.cmpf ogt, %get3A_637, %select_n3A_628 : vector<16xf32>
        %select_n3A_644 = arith.select %gt3A_643, %get3A_637, %select_n3A_628 : vector<16xi1>, vector<16xf32>
        %add3A_645 = arith.constant 32 : i32
        %add3A_646 = arith.addi %mul3A_78, %add3A_645 : i32
        %broadcast_in_dim3A_647 = vector.broadcast %add3A_646 : i32 to vector<16xi32>
        %select_n3A_648 = arith.select %gt3A_643, %broadcast_in_dim3A_647, %select_n3A_632 : vector<16xi1>, vector<16xi32>
        %select_n3A_649 = arith.select %gt3A_643, %get3A_641, %select_n3A_633 : vector<16xi1>, vector<16xf32>
        %get3A_650 = arith.constant 33 : i32
        %get3A_651 = arith.index_cast %get3A_650 : i32 to index
        %get3A_652 = arith.index_cast %mul3A_117 : i32 to index
        %get3A_653 = tpu.vector_load %arg8[%get3A_651, %get3A_652] {strides = array<i32>} : memref<40x256xf32, #tpu.memory_space<vmem>>, vector<16xf32>,
        %get3A_654 = arith.constant 33 : i32
        %get3A_655 = arith.index_cast %get3A_654 : i32 to index
        %get3A_656 = arith.index_cast %mul3A_117 : i32 to index
        %get3A_657 = tpu.vector_load %arg10[%get3A_655, %get3A_656] {strides = array<i32>} : memref<40x256xf32, #tpu.memory_space<vmem>>, vector<16xf32>,
        %exp3A_658 = math.exp %get3A_657 : vector<16xf32>
        %gt3A_659 = arith.cmpf ogt, %get3A_653, %select_n3A_644 : vector<16xf32>
        %select_n3A_660 = arith.select %gt3A_659, %get3A_653, %select_n3A_644 : vector<16xi1>, vector<16xf32>
        %add3A_661 = arith.constant 33 : i32
        %add3A_662 = arith.addi %mul3A_78, %add3A_661 : i32
        %broadcast_in_dim3A_663 = vector.broadcast %add3A_662 : i32 to vector<16xi32>
        %select_n3A_664 = arith.select %gt3A_659, %broadcast_in_dim3A_663, %select_n3A_648 : vector<16xi1>, vector<16xi32>
        %select_n3A_665 = arith.select %gt3A_659, %get3A_657, %select_n3A_649 : vector<16xi1>, vector<16xf32>
        %get3A_666 = arith.constant 34 : i32
        %get3A_667 = arith.index_cast %get3A_666 : i32 to index
        %get3A_668 = arith.index_cast %mul3A_117 : i32 to index
        %get3A_669 = tpu.vector_load %arg8[%get3A_667, %get3A_668] {strides = array<i32>} : memref<40x256xf32, #tpu.memory_space<vmem>>, vector<16xf32>,
        %get3A_670 = arith.constant 34 : i32
        %get3A_671 = arith.index_cast %get3A_670 : i32 to index
        %get3A_672 = arith.index_cast %mul3A_117 : i32 to index
        %get3A_673 = tpu.vector_load %arg10[%get3A_671, %get3A_672] {strides = array<i32>} : memref<40x256xf32, #tpu.memory_space<vmem>>, vector<16xf32>,
        %exp3A_674 = math.exp %get3A_673 : vector<16xf32>
        %gt3A_675 = arith.cmpf ogt, %get3A_669, %select_n3A_660 : vector<16xf32>
        %select_n3A_676 = arith.select %gt3A_675, %get3A_669, %select_n3A_660 : vector<16xi1>, vector<16xf32>
        %add3A_677 = arith.constant 34 : i32
        %add3A_678 = arith.addi %mul3A_78, %add3A_677 : i32
        %broadcast_in_dim3A_679 = vector.broadcast %add3A_678 : i32 to vector<16xi32>
        %select_n3A_680 = arith.select %gt3A_675, %broadcast_in_dim3A_679, %select_n3A_664 : vector<16xi1>, vector<16xi32>
        %select_n3A_681 = arith.select %gt3A_675, %get3A_673, %select_n3A_665 : vector<16xi1>, vector<16xf32>
        %get3A_682 = arith.constant 35 : i32
        %get3A_683 = arith.index_cast %get3A_682 : i32 to index
        %get3A_684 = arith.index_cast %mul3A_117 : i32 to index
        %get3A_685 = tpu.vector_load %arg8[%get3A_683, %get3A_684] {strides = array<i32>} : memref<40x256xf32, #tpu.memory_space<vmem>>, vector<16xf32>,
        %get3A_686 = arith.constant 35 : i32
        %get3A_687 = arith.index_cast %get3A_686 : i32 to index
        %get3A_688 = arith.index_cast %mul3A_117 : i32 to index
        %get3A_689 = tpu.vector_load %arg10[%get3A_687, %get3A_688] {strides = array<i32>} : memref<40x256xf32, #tpu.memory_space<vmem>>, vector<16xf32>,
        %exp3A_690 = math.exp %get3A_689 : vector<16xf32>
        %gt3A_691 = arith.cmpf ogt, %get3A_685, %select_n3A_676 : vector<16xf32>
        %select_n3A_692 = arith.select %gt3A_691, %get3A_685, %select_n3A_676 : vector<16xi1>, vector<16xf32>
        %add3A_693 = arith.constant 35 : i32
        %add3A_694 = arith.addi %mul3A_78, %add3A_693 : i32
        %broadcast_in_dim3A_695 = vector.broadcast %add3A_694 : i32 to vector<16xi32>
        %select_n3A_696 = arith.select %gt3A_691, %broadcast_in_dim3A_695, %select_n3A_680 : vector<16xi1>, vector<16xi32>
        %select_n3A_697 = arith.select %gt3A_691, %get3A_689, %select_n3A_681 : vector<16xi1>, vector<16xf32>
        %get3A_698 = arith.constant 36 : i32
        %get3A_699 = arith.index_cast %get3A_698 : i32 to index
        %get3A_700 = arith.index_cast %mul3A_117 : i32 to index
        %get3A_701 = tpu.vector_load %arg8[%get3A_699, %get3A_700] {strides = array<i32>} : memref<40x256xf32, #tpu.memory_space<vmem>>, vector<16xf32>,
        %get3A_702 = arith.constant 36 : i32
        %get3A_703 = arith.index_cast %get3A_702 : i32 to index
        %get3A_704 = arith.index_cast %mul3A_117 : i32 to index
        %get3A_705 = tpu.vector_load %arg10[%get3A_703, %get3A_704] {strides = array<i32>} : memref<40x256xf32, #tpu.memory_space<vmem>>, vector<16xf32>,
        %exp3A_706 = math.exp %get3A_705 : vector<16xf32>
        %gt3A_707 = arith.cmpf ogt, %get3A_701, %select_n3A_692 : vector<16xf32>
        %select_n3A_708 = arith.select %gt3A_707, %get3A_701, %select_n3A_692 : vector<16xi1>, vector<16xf32>
        %add3A_709 = arith.constant 36 : i32
        %add3A_710 = arith.addi %mul3A_78, %add3A_709 : i32
        %broadcast_in_dim3A_711 = vector.broadcast %add3A_710 : i32 to vector<16xi32>
        %select_n3A_712 = arith.select %gt3A_707, %broadcast_in_dim3A_711, %select_n3A_696 : vector<16xi1>, vector<16xi32>
        %select_n3A_713 = arith.select %gt3A_707, %get3A_705, %select_n3A_697 : vector<16xi1>, vector<16xf32>
        %get3A_714 = arith.constant 37 : i32
        %get3A_715 = arith.index_cast %get3A_714 : i32 to index
        %get3A_716 = arith.index_cast %mul3A_117 : i32 to index
        %get3A_717 = tpu.vector_load %arg8[%get3A_715, %get3A_716] {strides = array<i32>} : memref<40x256xf32, #tpu.memory_space<vmem>>, vector<16xf32>,
        %get3A_718 = arith.constant 37 : i32
        %get3A_719 = arith.index_cast %get3A_718 : i32 to index
        %get3A_720 = arith.index_cast %mul3A_117 : i32 to index
        %get3A_721 = tpu.vector_load %arg10[%get3A_719, %get3A_720] {strides = array<i32>} : memref<40x256xf32, #tpu.memory_space<vmem>>, vector<16xf32>,
        %exp3A_722 = math.exp %get3A_721 : vector<16xf32>
        %gt3A_723 = arith.cmpf ogt, %get3A_717, %select_n3A_708 : vector<16xf32>
        %select_n3A_724 = arith.select %gt3A_723, %get3A_717, %select_n3A_708 : vector<16xi1>, vector<16xf32>
        %add3A_725 = arith.constant 37 : i32
        %add3A_726 = arith.addi %mul3A_78, %add3A_725 : i32
        %broadcast_in_dim3A_727 = vector.broadcast %add3A_726 : i32 to vector<16xi32>
        %select_n3A_728 = arith.select %gt3A_723, %broadcast_in_dim3A_727, %select_n3A_712 : vector<16xi1>, vector<16xi32>
        %select_n3A_729 = arith.select %gt3A_723, %get3A_721, %select_n3A_713 : vector<16xi1>, vector<16xf32>
        %get3A_730 = arith.constant 38 : i32
        %get3A_731 = arith.index_cast %get3A_730 : i32 to index
        %get3A_732 = arith.index_cast %mul3A_117 : i32 to index
        %get3A_733 = tpu.vector_load %arg8[%get3A_731, %get3A_732] {strides = array<i32>} : memref<40x256xf32, #tpu.memory_space<vmem>>, vector<16xf32>,
        %get3A_734 = arith.constant 38 : i32
        %get3A_735 = arith.index_cast %get3A_734 : i32 to index
        %get3A_736 = arith.index_cast %mul3A_117 : i32 to index
        %get3A_737 = tpu.vector_load %arg10[%get3A_735, %get3A_736] {strides = array<i32>} : memref<40x256xf32, #tpu.memory_space<vmem>>, vector<16xf32>,
        %exp3A_738 = math.exp %get3A_737 : vector<16xf32>
        %gt3A_739 = arith.cmpf ogt, %get3A_733, %select_n3A_724 : vector<16xf32>
        %select_n3A_740 = arith.select %gt3A_739, %get3A_733, %select_n3A_724 : vector<16xi1>, vector<16xf32>
        %add3A_741 = arith.constant 38 : i32
        %add3A_742 = arith.addi %mul3A_78, %add3A_741 : i32
        %broadcast_in_dim3A_743 = vector.broadcast %add3A_742 : i32 to vector<16xi32>
        %select_n3A_744 = arith.select %gt3A_739, %broadcast_in_dim3A_743, %select_n3A_728 : vector<16xi1>, vector<16xi32>
        %select_n3A_745 = arith.select %gt3A_739, %get3A_737, %select_n3A_729 : vector<16xi1>, vector<16xf32>
        %get3A_746 = arith.constant 39 : i32
        %get3A_747 = arith.index_cast %get3A_746 : i32 to index
        %get3A_748 = arith.index_cast %mul3A_117 : i32 to index
        %get3A_749 = tpu.vector_load %arg8[%get3A_747, %get3A_748] {strides = array<i32>} : memref<40x256xf32, #tpu.memory_space<vmem>>, vector<16xf32>,
        %get3A_750 = arith.constant 39 : i32
        %get3A_751 = arith.index_cast %get3A_750 : i32 to index
        %get3A_752 = arith.index_cast %mul3A_117 : i32 to index
        %get3A_753 = tpu.vector_load %arg10[%get3A_751, %get3A_752] {strides = array<i32>} : memref<40x256xf32, #tpu.memory_space<vmem>>, vector<16xf32>,
        %exp3A_754 = math.exp %get3A_753 : vector<16xf32>
        %gt3A_755 = arith.cmpf ogt, %get3A_749, %select_n3A_740 : vector<16xf32>
        %select_n3A_756 = arith.select %gt3A_755, %get3A_749, %select_n3A_740 : vector<16xi1>, vector<16xf32>
        %add3A_757 = arith.constant 39 : i32
        %add3A_758 = arith.addi %mul3A_78, %add3A_757 : i32
        %broadcast_in_dim3A_759 = vector.broadcast %add3A_758 : i32 to vector<16xi32>
        %select_n3A_760 = arith.select %gt3A_755, %broadcast_in_dim3A_759, %select_n3A_744 : vector<16xi1>, vector<16xi32>
        %select_n3A_761 = arith.select %gt3A_755, %get3A_753, %select_n3A_745 : vector<16xi1>, vector<16xf32>
        %add3A_762 = arith.addf %exp3A, %exp3A_146 : vector<16xf32>
        %add3A_763 = arith.addf %exp3A_162, %exp3A_178 : vector<16xf32>
        %add3A_764 = arith.addf %exp3A_194, %exp3A_210 : vector<16xf32>
        %add3A_765 = arith.addf %exp3A_226, %exp3A_242 : vector<16xf32>
        %add3A_766 = arith.addf %exp3A_258, %exp3A_274 : vector<16xf32>
        %add3A_767 = arith.addf %exp3A_290, %exp3A_306 : vector<16xf32>
        %add3A_768 = arith.addf %exp3A_322, %exp3A_338 : vector<16xf32>
        %add3A_769 = arith.addf %exp3A_354, %exp3A_370 : vector<16xf32>
        %add3A_770 = arith.addf %exp3A_386, %exp3A_402 : vector<16xf32>
        %add3A_771 = arith.addf %exp3A_418, %exp3A_434 : vector<16xf32>
        %add3A_772 = arith.addf %exp3A_450, %exp3A_466 : vector<16xf32>
        %add3A_773 = arith.addf %exp3A_482, %exp3A_498 : vector<16xf32>
        %add3A_774 = arith.addf %exp3A_514, %exp3A_530 : vector<16xf32>
        %add3A_775 = arith.addf %exp3A_546, %exp3A_562 : vector<16xf32>
        %add3A_776 = arith.addf %exp3A_578, %exp3A_594 : vector<16xf32>
        %add3A_777 = arith.addf %exp3A_610, %exp3A_626 : vector<16xf32>
        %add3A_778 = arith.addf %exp3A_642, %exp3A_658 : vector<16xf32>
        %add3A_779 = arith.addf %exp3A_674, %exp3A_690 : vector<16xf32>
        %add3A_780 = arith.addf %exp3A_706, %exp3A_722 : vector<16xf32>
        %add3A_781 = arith.addf %exp3A_738, %exp3A_754 : vector<16xf32>
        %add3A_782 = arith.addf %add3A_762, %add3A_763 : vector<16xf32>
        %add3A_783 = arith.addf %add3A_764, %add3A_765 : vector<16xf32>
        %add3A_784 = arith.addf %add3A_766, %add3A_767 : vector<16xf32>
        %add3A_785 = arith.addf %add3A_768, %add3A_769 : vector<16xf32>
        %add3A_786 = arith.addf %add3A_770, %add3A_771 : vector<16xf32>
        %add3A_787 = arith.addf %add3A_772, %add3A_773 : vector<16xf32>
        %add3A_788 = arith.addf %add3A_774, %add3A_775 : vector<16xf32>
        %add3A_789 = arith.addf %add3A_776, %add3A_777 : vector<16xf32>
        %add3A_790 = arith.addf %add3A_778, %add3A_779 : vector<16xf32>
        %add3A_791 = arith.addf %add3A_780, %add3A_781 : vector<16xf32>
        %add3A_792 = arith.addf %add3A_782, %add3A_783 : vector<16xf32>
        %add3A_793 = arith.addf %add3A_784, %add3A_785 : vector<16xf32>
        %add3A_794 = arith.addf %add3A_786, %add3A_787 : vector<16xf32>
        %add3A_795 = arith.addf %add3A_788, %add3A_789 : vector<16xf32>
        %add3A_796 = arith.addf %add3A_790, %add3A_791 : vector<16xf32>
        %add3A_797 = arith.addf %add3A_792, %add3A_793 : vector<16xf32>
        %add3A_798 = arith.addf %add3A_794, %add3A_795 : vector<16xf32>
        %add3A_799 = arith.addf %add3A_797, %add3A_798 : vector<16xf32>
        %add3A_800 = arith.addf %add3A_799, %add3A_796 : vector<16xf32>
        %add3A_801 = arith.addf %get3A_124, %add3A_800 : vector<16xf32>
        %swap3A_802 = arith.index_cast %mul3A_117 : i32 to index
        %swap3A_803 = tpu.vector_load %arg12[%swap3A_802] {strides = array<i32>} : memref<256xf32, #tpu.memory_space<vmem>>, vector<16xf32>,
        tpu.vector_store %arg12[%swap3A_802], %select_n3A_756 {strides = array<i32>} : memref<256xf32, #tpu.memory_space<vmem>>, vector<16xf32>,
        %swap3A_804 = arith.index_cast %mul3A_117 : i32 to index
        %swap3A_805 = tpu.vector_load %arg13[%swap3A_804] {strides = array<i32>} : memref<256xi32, #tpu.memory_space<vmem>>, vector<16xi32>,
        tpu.vector_store %arg13[%swap3A_804], %select_n3A_760 {strides = array<i32>} : memref<256xi32, #tpu.memory_space<vmem>>, vector<16xi32>,
        %swap3A_806 = arith.index_cast %mul3A_117 : i32 to index
        %swap3A_807 = tpu.vector_load %arg14[%swap3A_806] {strides = array<i32>} : memref<256xf32, #tpu.memory_space<vmem>>, vector<16xf32>,
        tpu.vector_store %arg14[%swap3A_806], %select_n3A_761 {strides = array<i32>} : memref<256xf32, #tpu.memory_space<vmem>>, vector<16xf32>,
        %swap3A_808 = arith.index_cast %mul3A_117 : i32 to index
        %swap3A_809 = tpu.vector_load %arg15[%swap3A_808] {strides = array<i32>} : memref<256xf32, #tpu.memory_space<vmem>>, vector<16xf32>,
        tpu.vector_store %arg15[%swap3A_808], %add3A_801 {strides = array<i32>} : memref<256xf32, #tpu.memory_space<vmem>>, vector<16xf32>,
      }
      %scan3A_84 = arith.constant 16 : i32
      %add3A_85 = arith.constant 2 : i32
      %add3A_86 = arith.addi %mul3A_56, %add3A_85 : i32
      %mul3A_87 = arith.constant 40 : i32
      %mul3A_88 = arith.muli %add3A_86, %mul3A_87 : i32
      %dma_start3A_89 = tpu.memref_slice %arg2[%mul3A_88, %mul3A_2] : memref<1000x16384xf32, #tpu.memory_space<hbm>> -> memref<40x256xf32, #tpu.memory_space<hbm>>
      %dma_start3A_90 = tpu.memref_slice %arg2[%mul3A_88, %mul3A_2] : memref<1000x16384xf32, #tpu.memory_space<hbm>> -> memref<40x256xf32, #tpu.memory_space<hbm>>
      tpu.enqueue_dma source(%dma_start3A_90 : memref<40x256xf32, #tpu.memory_space<hbm>>) target(%arg8 : memref<40x256xf32, #tpu.memory_space<vmem>>) target_semaphore(%arg18 : memref<!tpu.dma_semaphore, #tpu.memory_space<semaphore_mem>>)
      %dma_start3A_91 = tpu.memref_slice %arg3[%mul3A_88, %mul3A_2] : memref<1000x16384xf32, #tpu.memory_space<hbm>> -> memref<40x256xf32, #tpu.memory_space<hbm>>
      %dma_start3A_92 = tpu.memref_slice %arg3[%mul3A_88, %mul3A_2] : memref<1000x16384xf32, #tpu.memory_space<hbm>> -> memref<40x256xf32, #tpu.memory_space<hbm>>
      tpu.enqueue_dma source(%dma_start3A_92 : memref<40x256xf32, #tpu.memory_space<hbm>>) target(%arg10 : memref<40x256xf32, #tpu.memory_space<vmem>>) target_semaphore(%arg18 : memref<!tpu.dma_semaphore, #tpu.memory_space<semaphore_mem>>)
      %dma_wait3A_93 = arith.constant 0 : i32
      %dma_wait3A_94 = arith.constant 0 : i32
      %dma_wait3A_95 = tpu.memref_slice %arg2[%dma_wait3A_93, %dma_wait3A_94] : memref<1000x16384xf32, #tpu.memory_space<hbm>> -> memref<40x256xf32, #tpu.memory_space<hbm>>
      %dma_wait3A_96 = arith.constant 0 : i32
      %dma_wait3A_97 = arith.constant 0 : i32
      %dma_wait3A_98 = tpu.memref_slice %arg2[%dma_wait3A_96, %dma_wait3A_97] : memref<1000x16384xf32, #tpu.memory_space<hbm>> -> memref<40x256xf32, #tpu.memory_space<hbm>>
      tpu.wait_dma2 semaphore(%arg19 : memref<!tpu.dma_semaphore, #tpu.memory_space<semaphore_mem>>) src(%dma_wait3A_98 : memref<40x256xf32, #tpu.memory_space<hbm>>) dst(%arg9 : memref<40x256xf32, #tpu.memory_space<vmem>>)
      %dma_wait3A_99 = arith.constant 0 : i32
      %dma_wait3A_100 = arith.constant 0 : i32
      %dma_wait3A_101 = tpu.memref_slice %arg2[%dma_wait3A_99, %dma_wait3A_100] : memref<1000x16384xf32, #tpu.memory_space<hbm>> -> memref<40x256xf32, #tpu.memory_space<hbm>>
      %dma_wait3A_102 = arith.constant 0 : i32
      %dma_wait3A_103 = arith.constant 0 : i32
      %dma_wait3A_104 = tpu.memref_slice %arg2[%dma_wait3A_102, %dma_wait3A_103] : memref<1000x16384xf32, #tpu.memory_space<hbm>> -> memref<40x256xf32, #tpu.memory_space<hbm>>
      tpu.wait_dma2 semaphore(%arg19 : memref<!tpu.dma_semaphore, #tpu.memory_space<semaphore_mem>>) src(%dma_wait3A_104 : memref<40x256xf32, #tpu.memory_space<hbm>>) dst(%arg11 : memref<40x256xf32, #tpu.memory_space<vmem>>)
      %add3A_105 = arith.constant 1 : i32
      %add3A_106 = arith.addi %mul3A_56, %add3A_105 : i32
      %mul3A_107 = arith.constant 40 : i32
      %mul3A_108 = arith.muli %add3A_106, %mul3A_107 : i32
      %scan3A_109 = arith.constant 0 : i32
      %scan3A_110 = arith.constant 0 : i32
      %scan3A_111 = arith.constant 16 : i32
      %scan3A_112 = arith.addi %scan3A_110, %scan3A_111 : i32
      %scan3A_113 = arith.constant 1 : i32
      scf.for %scan3A_115 = %scan3A_110 to %scan3A_112 step %scan3A_113  : i32 {
        %mul3A_116 = arith.constant 16 : i32
        %mul3A_117 = arith.muli %scan3A_115, %mul3A_116 : i32
        %get3A = arith.index_cast %mul3A_117 : i32 to index
        %get3A_118 = tpu.vector_load %arg12[%get3A] {strides = array<i32>} : memref<256xf32, #tpu.memory_space<vmem>>, vector<16xf32>,
        %get3A_119 = arith.index_cast %mul3A_117 : i32 to index
        %get3A_120 = tpu.vector_load %arg13[%get3A_119] {strides = array<i32>} : memref<256xi32, #tpu.memory_space<vmem>>, vector<16xi32>,
        %get3A_121 = arith.index_cast %mul3A_117 : i32 to index
        %get3A_122 = tpu.vector_load %arg14[%get3A_121] {strides = array<i32>} : memref<256xf32, #tpu.memory_space<vmem>>, vector<16xf32>,
        %get3A_123 = arith.index_cast %mul3A_117 : i32 to index
        %get3A_124 = tpu.vector_load %arg15[%get3A_123] {strides = array<i32>} : memref<256xf32, #tpu.memory_space<vmem>>, vector<16xf32>,
        %get3A_125 = arith.constant 0 : i32
        %get3A_126 = arith.index_cast %get3A_125 : i32 to index
        %get3A_127 = arith.index_cast %mul3A_117 : i32 to index
        %get3A_128 = tpu.vector_load %arg9[%get3A_126, %get3A_127] {strides = array<i32>} : memref<40x256xf32, #tpu.memory_space<vmem>>, vector<16xf32>,
        %get3A_129 = arith.constant 0 : i32
        %get3A_130 = arith.index_cast %get3A_129 : i32 to index
        %get3A_131 = arith.index_cast %mul3A_117 : i32 to index
        %get3A_132 = tpu.vector_load %arg11[%get3A_130, %get3A_131] {strides = array<i32>} : memref<40x256xf32, #tpu.memory_space<vmem>>, vector<16xf32>,
        %exp3A = math.exp %get3A_132 : vector<16xf32>
        %gt3A = arith.cmpf ogt, %get3A_128, %get3A_118 : vector<16xf32>
        %select_n3A = arith.select %gt3A, %get3A_128, %get3A_118 : vector<16xi1>, vector<16xf32>
        %add3A_133 = arith.constant 0 : i32
        %add3A_134 = arith.addi %mul3A_108, %add3A_133 : i32
        %broadcast_in_dim3A_135 = vector.broadcast %add3A_134 : i32 to vector<16xi32>
        %select_n3A_136 = arith.select %gt3A, %broadcast_in_dim3A_135, %get3A_120 : vector<16xi1>, vector<16xi32>
        %select_n3A_137 = arith.select %gt3A, %get3A_132, %get3A_122 : vector<16xi1>, vector<16xf32>
        %get3A_138 = arith.constant 1 : i32
        %get3A_139 = arith.index_cast %get3A_138 : i32 to index
        %get3A_140 = arith.index_cast %mul3A_117 : i32 to index
        %get3A_141 = tpu.vector_load %arg9[%get3A_139, %get3A_140] {strides = array<i32>} : memref<40x256xf32, #tpu.memory_space<vmem>>, vector<16xf32>,
        %get3A_142 = arith.constant 1 : i32
        %get3A_143 = arith.index_cast %get3A_142 : i32 to index
        %get3A_144 = arith.index_cast %mul3A_117 : i32 to index
        %get3A_145 = tpu.vector_load %arg11[%get3A_143, %get3A_144] {strides = array<i32>} : memref<40x256xf32, #tpu.memory_space<vmem>>, vector<16xf32>,
        %exp3A_146 = math.exp %get3A_145 : vector<16xf32>
        %gt3A_147 = arith.cmpf ogt, %get3A_141, %select_n3A : vector<16xf32>
        %select_n3A_148 = arith.select %gt3A_147, %get3A_141, %select_n3A : vector<16xi1>, vector<16xf32>
        %add3A_149 = arith.constant 1 : i32
        %add3A_150 = arith.addi %mul3A_108, %add3A_149 : i32
        %broadcast_in_dim3A_151 = vector.broadcast %add3A_150 : i32 to vector<16xi32>
        %select_n3A_152 = arith.select %gt3A_147, %broadcast_in_dim3A_151, %select_n3A_136 : vector<16xi1>, vector<16xi32>
        %select_n3A_153 = arith.select %gt3A_147, %get3A_145, %select_n3A_137 : vector<16xi1>, vector<16xf32>
        %get3A_154 = arith.constant 2 : i32
        %get3A_155 = arith.index_cast %get3A_154 : i32 to index
        %get3A_156 = arith.index_cast %mul3A_117 : i32 to index
        %get3A_157 = tpu.vector_load %arg9[%get3A_155, %get3A_156] {strides = array<i32>} : memref<40x256xf32, #tpu.memory_space<vmem>>, vector<16xf32>,
        %get3A_158 = arith.constant 2 : i32
        %get3A_159 = arith.index_cast %get3A_158 : i32 to index
        %get3A_160 = arith.index_cast %mul3A_117 : i32 to index
        %get3A_161 = tpu.vector_load %arg11[%get3A_159, %get3A_160] {strides = array<i32>} : memref<40x256xf32, #tpu.memory_space<vmem>>, vector<16xf32>,
        %exp3A_162 = math.exp %get3A_161 : vector<16xf32>
        %gt3A_163 = arith.cmpf ogt, %get3A_157, %select_n3A_148 : vector<16xf32>
        %select_n3A_164 = arith.select %gt3A_163, %get3A_157, %select_n3A_148 : vector<16xi1>, vector<16xf32>
        %add3A_165 = arith.constant 2 : i32
        %add3A_166 = arith.addi %mul3A_108, %add3A_165 : i32
        %broadcast_in_dim3A_167 = vector.broadcast %add3A_166 : i32 to vector<16xi32>
        %select_n3A_168 = arith.select %gt3A_163, %broadcast_in_dim3A_167, %select_n3A_152 : vector<16xi1>, vector<16xi32>
        %select_n3A_169 = arith.select %gt3A_163, %get3A_161, %select_n3A_153 : vector<16xi1>, vector<16xf32>
        %get3A_170 = arith.constant 3 : i32
        %get3A_171 = arith.index_cast %get3A_170 : i32 to index
        %get3A_172 = arith.index_cast %mul3A_117 : i32 to index
        %get3A_173 = tpu.vector_load %arg9[%get3A_171, %get3A_172] {strides = array<i32>} : memref<40x256xf32, #tpu.memory_space<vmem>>, vector<16xf32>,
        %get3A_174 = arith.constant 3 : i32
        %get3A_175 = arith.index_cast %get3A_174 : i32 to index
        %get3A_176 = arith.index_cast %mul3A_117 : i32 to index
        %get3A_177 = tpu.vector_load %arg11[%get3A_175, %get3A_176] {strides = array<i32>} : memref<40x256xf32, #tpu.memory_space<vmem>>, vector<16xf32>,
        %exp3A_178 = math.exp %get3A_177 : vector<16xf32>
        %gt3A_179 = arith.cmpf ogt, %get3A_173, %select_n3A_164 : vector<16xf32>
        %select_n3A_180 = arith.select %gt3A_179, %get3A_173, %select_n3A_164 : vector<16xi1>, vector<16xf32>
        %add3A_181 = arith.constant 3 : i32
        %add3A_182 = arith.addi %mul3A_108, %add3A_181 : i32
        %broadcast_in_dim3A_183 = vector.broadcast %add3A_182 : i32 to vector<16xi32>
        %select_n3A_184 = arith.select %gt3A_179, %broadcast_in_dim3A_183, %select_n3A_168 : vector<16xi1>, vector<16xi32>
        %select_n3A_185 = arith.select %gt3A_179, %get3A_177, %select_n3A_169 : vector<16xi1>, vector<16xf32>
        %get3A_186 = arith.constant 4 : i32
        %get3A_187 = arith.index_cast %get3A_186 : i32 to index
        %get3A_188 = arith.index_cast %mul3A_117 : i32 to index
        %get3A_189 = tpu.vector_load %arg9[%get3A_187, %get3A_188] {strides = array<i32>} : memref<40x256xf32, #tpu.memory_space<vmem>>, vector<16xf32>,
        %get3A_190 = arith.constant 4 : i32
        %get3A_191 = arith.index_cast %get3A_190 : i32 to index
        %get3A_192 = arith.index_cast %mul3A_117 : i32 to index
        %get3A_193 = tpu.vector_load %arg11[%get3A_191, %get3A_192] {strides = array<i32>} : memref<40x256xf32, #tpu.memory_space<vmem>>, vector<16xf32>,
        %exp3A_194 = math.exp %get3A_193 : vector<16xf32>
        %gt3A_195 = arith.cmpf ogt, %get3A_189, %select_n3A_180 : vector<16xf32>
        %select_n3A_196 = arith.select %gt3A_195, %get3A_189, %select_n3A_180 : vector<16xi1>, vector<16xf32>
        %add3A_197 = arith.constant 4 : i32
        %add3A_198 = arith.addi %mul3A_108, %add3A_197 : i32
        %broadcast_in_dim3A_199 = vector.broadcast %add3A_198 : i32 to vector<16xi32>
        %select_n3A_200 = arith.select %gt3A_195, %broadcast_in_dim3A_199, %select_n3A_184 : vector<16xi1>, vector<16xi32>
        %select_n3A_201 = arith.select %gt3A_195, %get3A_193, %select_n3A_185 : vector<16xi1>, vector<16xf32>
        %get3A_202 = arith.constant 5 : i32
        %get3A_203 = arith.index_cast %get3A_202 : i32 to index
        %get3A_204 = arith.index_cast %mul3A_117 : i32 to index
        %get3A_205 = tpu.vector_load %arg9[%get3A_203, %get3A_204] {strides = array<i32>} : memref<40x256xf32, #tpu.memory_space<vmem>>, vector<16xf32>,
        %get3A_206 = arith.constant 5 : i32
        %get3A_207 = arith.index_cast %get3A_206 : i32 to index
        %get3A_208 = arith.index_cast %mul3A_117 : i32 to index
        %get3A_209 = tpu.vector_load %arg11[%get3A_207, %get3A_208] {strides = array<i32>} : memref<40x256xf32, #tpu.memory_space<vmem>>, vector<16xf32>,
        %exp3A_210 = math.exp %get3A_209 : vector<16xf32>
        %gt3A_211 = arith.cmpf ogt, %get3A_205, %select_n3A_196 : vector<16xf32>
        %select_n3A_212 = arith.select %gt3A_211, %get3A_205, %select_n3A_196 : vector<16xi1>, vector<16xf32>
        %add3A_213 = arith.constant 5 : i32
        %add3A_214 = arith.addi %mul3A_108, %add3A_213 : i32
        %broadcast_in_dim3A_215 = vector.broadcast %add3A_214 : i32 to vector<16xi32>
        %select_n3A_216 = arith.select %gt3A_211, %broadcast_in_dim3A_215, %select_n3A_200 : vector<16xi1>, vector<16xi32>
        %select_n3A_217 = arith.select %gt3A_211, %get3A_209, %select_n3A_201 : vector<16xi1>, vector<16xf32>
        %get3A_218 = arith.constant 6 : i32
        %get3A_219 = arith.index_cast %get3A_218 : i32 to index
        %get3A_220 = arith.index_cast %mul3A_117 : i32 to index
        %get3A_221 = tpu.vector_load %arg9[%get3A_219, %get3A_220] {strides = array<i32>} : memref<40x256xf32, #tpu.memory_space<vmem>>, vector<16xf32>,
        %get3A_222 = arith.constant 6 : i32
        %get3A_223 = arith.index_cast %get3A_222 : i32 to index
        %get3A_224 = arith.index_cast %mul3A_117 : i32 to index
        %get3A_225 = tpu.vector_load %arg11[%get3A_223, %get3A_224] {strides = array<i32>} : memref<40x256xf32, #tpu.memory_space<vmem>>, vector<16xf32>,
        %exp3A_226 = math.exp %get3A_225 : vector<16xf32>
        %gt3A_227 = arith.cmpf ogt, %get3A_221, %select_n3A_212 : vector<16xf32>
        %select_n3A_228 = arith.select %gt3A_227, %get3A_221, %select_n3A_212 : vector<16xi1>, vector<16xf32>
        %add3A_229 = arith.constant 6 : i32
        %add3A_230 = arith.addi %mul3A_108, %add3A_229 : i32
        %broadcast_in_dim3A_231 = vector.broadcast %add3A_230 : i32 to vector<16xi32>
        %select_n3A_232 = arith.select %gt3A_227, %broadcast_in_dim3A_231, %select_n3A_216 : vector<16xi1>, vector<16xi32>
        %select_n3A_233 = arith.select %gt3A_227, %get3A_225, %select_n3A_217 : vector<16xi1>, vector<16xf32>
        %get3A_234 = arith.constant 7 : i32
        %get3A_235 = arith.index_cast %get3A_234 : i32 to index
        %get3A_236 = arith.index_cast %mul3A_117 : i32 to index
        %get3A_237 = tpu.vector_load %arg9[%get3A_235, %get3A_236] {strides = array<i32>} : memref<40x256xf32, #tpu.memory_space<vmem>>, vector<16xf32>,
        %get3A_238 = arith.constant 7 : i32
        %get3A_239 = arith.index_cast %get3A_238 : i32 to index
        %get3A_240 = arith.index_cast %mul3A_117 : i32 to index
        %get3A_241 = tpu.vector_load %arg11[%get3A_239, %get3A_240] {strides = array<i32>} : memref<40x256xf32, #tpu.memory_space<vmem>>, vector<16xf32>,
        %exp3A_242 = math.exp %get3A_241 : vector<16xf32>
        %gt3A_243 = arith.cmpf ogt, %get3A_237, %select_n3A_228 : vector<16xf32>
        %select_n3A_244 = arith.select %gt3A_243, %get3A_237, %select_n3A_228 : vector<16xi1>, vector<16xf32>
        %add3A_245 = arith.constant 7 : i32
        %add3A_246 = arith.addi %mul3A_108, %add3A_245 : i32
        %broadcast_in_dim3A_247 = vector.broadcast %add3A_246 : i32 to vector<16xi32>
        %select_n3A_248 = arith.select %gt3A_243, %broadcast_in_dim3A_247, %select_n3A_232 : vector<16xi1>, vector<16xi32>
        %select_n3A_249 = arith.select %gt3A_243, %get3A_241, %select_n3A_233 : vector<16xi1>, vector<16xf32>
        %get3A_250 = arith.constant 8 : i32
        %get3A_251 = arith.index_cast %get3A_250 : i32 to index
        %get3A_252 = arith.index_cast %mul3A_117 : i32 to index
        %get3A_253 = tpu.vector_load %arg9[%get3A_251, %get3A_252] {strides = array<i32>} : memref<40x256xf32, #tpu.memory_space<vmem>>, vector<16xf32>,
        %get3A_254 = arith.constant 8 : i32
        %get3A_255 = arith.index_cast %get3A_254 : i32 to index
        %get3A_256 = arith.index_cast %mul3A_117 : i32 to index
        %get3A_257 = tpu.vector_load %arg11[%get3A_255, %get3A_256] {strides = array<i32>} : memref<40x256xf32, #tpu.memory_space<vmem>>, vector<16xf32>,
        %exp3A_258 = math.exp %get3A_257 : vector<16xf32>
        %gt3A_259 = arith.cmpf ogt, %get3A_253, %select_n3A_244 : vector<16xf32>
        %select_n3A_260 = arith.select %gt3A_259, %get3A_253, %select_n3A_244 : vector<16xi1>, vector<16xf32>
        %add3A_261 = arith.constant 8 : i32
        %add3A_262 = arith.addi %mul3A_108, %add3A_261 : i32
        %broadcast_in_dim3A_263 = vector.broadcast %add3A_262 : i32 to vector<16xi32>
        %select_n3A_264 = arith.select %gt3A_259, %broadcast_in_dim3A_263, %select_n3A_248 : vector<16xi1>, vector<16xi32>
        %select_n3A_265 = arith.select %gt3A_259, %get3A_257, %select_n3A_249 : vector<16xi1>, vector<16xf32>
        %get3A_266 = arith.constant 9 : i32
        %get3A_267 = arith.index_cast %get3A_266 : i32 to index
        %get3A_268 = arith.index_cast %mul3A_117 : i32 to index
        %get3A_269 = tpu.vector_load %arg9[%get3A_267, %get3A_268] {strides = array<i32>} : memref<40x256xf32, #tpu.memory_space<vmem>>, vector<16xf32>,
        %get3A_270 = arith.constant 9 : i32
        %get3A_271 = arith.index_cast %get3A_270 : i32 to index
        %get3A_272 = arith.index_cast %mul3A_117 : i32 to index
        %get3A_273 = tpu.vector_load %arg11[%get3A_271, %get3A_272] {strides = array<i32>} : memref<40x256xf32, #tpu.memory_space<vmem>>, vector<16xf32>,
        %exp3A_274 = math.exp %get3A_273 : vector<16xf32>
        %gt3A_275 = arith.cmpf ogt, %get3A_269, %select_n3A_260 : vector<16xf32>
        %select_n3A_276 = arith.select %gt3A_275, %get3A_269, %select_n3A_260 : vector<16xi1>, vector<16xf32>
        %add3A_277 = arith.constant 9 : i32
        %add3A_278 = arith.addi %mul3A_108, %add3A_277 : i32
        %broadcast_in_dim3A_279 = vector.broadcast %add3A_278 : i32 to vector<16xi32>
        %select_n3A_280 = arith.select %gt3A_275, %broadcast_in_dim3A_279, %select_n3A_264 : vector<16xi1>, vector<16xi32>
        %select_n3A_281 = arith.select %gt3A_275, %get3A_273, %select_n3A_265 : vector<16xi1>, vector<16xf32>
        %get3A_282 = arith.constant 10 : i32
        %get3A_283 = arith.index_cast %get3A_282 : i32 to index
        %get3A_284 = arith.index_cast %mul3A_117 : i32 to index
        %get3A_285 = tpu.vector_load %arg9[%get3A_283, %get3A_284] {strides = array<i32>} : memref<40x256xf32, #tpu.memory_space<vmem>>, vector<16xf32>,
        %get3A_286 = arith.constant 10 : i32
        %get3A_287 = arith.index_cast %get3A_286 : i32 to index
        %get3A_288 = arith.index_cast %mul3A_117 : i32 to index
        %get3A_289 = tpu.vector_load %arg11[%get3A_287, %get3A_288] {strides = array<i32>} : memref<40x256xf32, #tpu.memory_space<vmem>>, vector<16xf32>,
        %exp3A_290 = math.exp %get3A_289 : vector<16xf32>
        %gt3A_291 = arith.cmpf ogt, %get3A_285, %select_n3A_276 : vector<16xf32>
        %select_n3A_292 = arith.select %gt3A_291, %get3A_285, %select_n3A_276 : vector<16xi1>, vector<16xf32>
        %add3A_293 = arith.constant 10 : i32
        %add3A_294 = arith.addi %mul3A_108, %add3A_293 : i32
        %broadcast_in_dim3A_295 = vector.broadcast %add3A_294 : i32 to vector<16xi32>
        %select_n3A_296 = arith.select %gt3A_291, %broadcast_in_dim3A_295, %select_n3A_280 : vector<16xi1>, vector<16xi32>
        %select_n3A_297 = arith.select %gt3A_291, %get3A_289, %select_n3A_281 : vector<16xi1>, vector<16xf32>
        %get3A_298 = arith.constant 11 : i32
        %get3A_299 = arith.index_cast %get3A_298 : i32 to index
        %get3A_300 = arith.index_cast %mul3A_117 : i32 to index
        %get3A_301 = tpu.vector_load %arg9[%get3A_299, %get3A_300] {strides = array<i32>} : memref<40x256xf32, #tpu.memory_space<vmem>>, vector<16xf32>,
        %get3A_302 = arith.constant 11 : i32
        %get3A_303 = arith.index_cast %get3A_302 : i32 to index
        %get3A_304 = arith.index_cast %mul3A_117 : i32 to index
        %get3A_305 = tpu.vector_load %arg11[%get3A_303, %get3A_304] {strides = array<i32>} : memref<40x256xf32, #tpu.memory_space<vmem>>, vector<16xf32>,
        %exp3A_306 = math.exp %get3A_305 : vector<16xf32>
        %gt3A_307 = arith.cmpf ogt, %get3A_301, %select_n3A_292 : vector<16xf32>
        %select_n3A_308 = arith.select %gt3A_307, %get3A_301, %select_n3A_292 : vector<16xi1>, vector<16xf32>
        %add3A_309 = arith.constant 11 : i32
        %add3A_310 = arith.addi %mul3A_108, %add3A_309 : i32
        %broadcast_in_dim3A_311 = vector.broadcast %add3A_310 : i32 to vector<16xi32>
        %select_n3A_312 = arith.select %gt3A_307, %broadcast_in_dim3A_311, %select_n3A_296 : vector<16xi1>, vector<16xi32>
        %select_n3A_313 = arith.select %gt3A_307, %get3A_305, %select_n3A_297 : vector<16xi1>, vector<16xf32>
        %get3A_314 = arith.constant 12 : i32
        %get3A_315 = arith.index_cast %get3A_314 : i32 to index
        %get3A_316 = arith.index_cast %mul3A_117 : i32 to index
        %get3A_317 = tpu.vector_load %arg9[%get3A_315, %get3A_316] {strides = array<i32>} : memref<40x256xf32, #tpu.memory_space<vmem>>, vector<16xf32>,
        %get3A_318 = arith.constant 12 : i32
        %get3A_319 = arith.index_cast %get3A_318 : i32 to index
        %get3A_320 = arith.index_cast %mul3A_117 : i32 to index
        %get3A_321 = tpu.vector_load %arg11[%get3A_319, %get3A_320] {strides = array<i32>} : memref<40x256xf32, #tpu.memory_space<vmem>>, vector<16xf32>,
        %exp3A_322 = math.exp %get3A_321 : vector<16xf32>
        %gt3A_323 = arith.cmpf ogt, %get3A_317, %select_n3A_308 : vector<16xf32>
        %select_n3A_324 = arith.select %gt3A_323, %get3A_317, %select_n3A_308 : vector<16xi1>, vector<16xf32>
        %add3A_325 = arith.constant 12 : i32
        %add3A_326 = arith.addi %mul3A_108, %add3A_325 : i32
        %broadcast_in_dim3A_327 = vector.broadcast %add3A_326 : i32 to vector<16xi32>
        %select_n3A_328 = arith.select %gt3A_323, %broadcast_in_dim3A_327, %select_n3A_312 : vector<16xi1>, vector<16xi32>
        %select_n3A_329 = arith.select %gt3A_323, %get3A_321, %select_n3A_313 : vector<16xi1>, vector<16xf32>
        %get3A_330 = arith.constant 13 : i32
        %get3A_331 = arith.index_cast %get3A_330 : i32 to index
        %get3A_332 = arith.index_cast %mul3A_117 : i32 to index
        %get3A_333 = tpu.vector_load %arg9[%get3A_331, %get3A_332] {strides = array<i32>} : memref<40x256xf32, #tpu.memory_space<vmem>>, vector<16xf32>,
        %get3A_334 = arith.constant 13 : i32
        %get3A_335 = arith.index_cast %get3A_334 : i32 to index
        %get3A_336 = arith.index_cast %mul3A_117 : i32 to index
        %get3A_337 = tpu.vector_load %arg11[%get3A_335, %get3A_336] {strides = array<i32>} : memref<40x256xf32, #tpu.memory_space<vmem>>, vector<16xf32>,
        %exp3A_338 = math.exp %get3A_337 : vector<16xf32>
        %gt3A_339 = arith.cmpf ogt, %get3A_333, %select_n3A_324 : vector<16xf32>
        %select_n3A_340 = arith.select %gt3A_339, %get3A_333, %select_n3A_324 : vector<16xi1>, vector<16xf32>
        %add3A_341 = arith.constant 13 : i32
        %add3A_342 = arith.addi %mul3A_108, %add3A_341 : i32
        %broadcast_in_dim3A_343 = vector.broadcast %add3A_342 : i32 to vector<16xi32>
        %select_n3A_344 = arith.select %gt3A_339, %broadcast_in_dim3A_343, %select_n3A_328 : vector<16xi1>, vector<16xi32>
        %select_n3A_345 = arith.select %gt3A_339, %get3A_337, %select_n3A_329 : vector<16xi1>, vector<16xf32>
        %get3A_346 = arith.constant 14 : i32
        %get3A_347 = arith.index_cast %get3A_346 : i32 to index
        %get3A_348 = arith.index_cast %mul3A_117 : i32 to index
        %get3A_349 = tpu.vector_load %arg9[%get3A_347, %get3A_348] {strides = array<i32>} : memref<40x256xf32, #tpu.memory_space<vmem>>, vector<16xf32>,
        %get3A_350 = arith.constant 14 : i32
        %get3A_351 = arith.index_cast %get3A_350 : i32 to index
        %get3A_352 = arith.index_cast %mul3A_117 : i32 to index
        %get3A_353 = tpu.vector_load %arg11[%get3A_351, %get3A_352] {strides = array<i32>} : memref<40x256xf32, #tpu.memory_space<vmem>>, vector<16xf32>,
        %exp3A_354 = math.exp %get3A_353 : vector<16xf32>
        %gt3A_355 = arith.cmpf ogt, %get3A_349, %select_n3A_340 : vector<16xf32>
        %select_n3A_356 = arith.select %gt3A_355, %get3A_349, %select_n3A_340 : vector<16xi1>, vector<16xf32>
        %add3A_357 = arith.constant 14 : i32
        %add3A_358 = arith.addi %mul3A_108, %add3A_357 : i32
        %broadcast_in_dim3A_359 = vector.broadcast %add3A_358 : i32 to vector<16xi32>
        %select_n3A_360 = arith.select %gt3A_355, %broadcast_in_dim3A_359, %select_n3A_344 : vector<16xi1>, vector<16xi32>
        %select_n3A_361 = arith.select %gt3A_355, %get3A_353, %select_n3A_345 : vector<16xi1>, vector<16xf32>
        %get3A_362 = arith.constant 15 : i32
        %get3A_363 = arith.index_cast %get3A_362 : i32 to index
        %get3A_364 = arith.index_cast %mul3A_117 : i32 to index
        %get3A_365 = tpu.vector_load %arg9[%get3A_363, %get3A_364] {strides = array<i32>} : memref<40x256xf32, #tpu.memory_space<vmem>>, vector<16xf32>,
        %get3A_366 = arith.constant 15 : i32
        %get3A_367 = arith.index_cast %get3A_366 : i32 to index
        %get3A_368 = arith.index_cast %mul3A_117 : i32 to index
        %get3A_369 = tpu.vector_load %arg11[%get3A_367, %get3A_368] {strides = array<i32>} : memref<40x256xf32, #tpu.memory_space<vmem>>, vector<16xf32>,
        %exp3A_370 = math.exp %get3A_369 : vector<16xf32>
        %gt3A_371 = arith.cmpf ogt, %get3A_365, %select_n3A_356 : vector<16xf32>
        %select_n3A_372 = arith.select %gt3A_371, %get3A_365, %select_n3A_356 : vector<16xi1>, vector<16xf32>
        %add3A_373 = arith.constant 15 : i32
        %add3A_374 = arith.addi %mul3A_108, %add3A_373 : i32
        %broadcast_in_dim3A_375 = vector.broadcast %add3A_374 : i32 to vector<16xi32>
        %select_n3A_376 = arith.select %gt3A_371, %broadcast_in_dim3A_375, %select_n3A_360 : vector<16xi1>, vector<16xi32>
        %select_n3A_377 = arith.select %gt3A_371, %get3A_369, %select_n3A_361 : vector<16xi1>, vector<16xf32>
        %get3A_378 = arith.constant 16 : i32
        %get3A_379 = arith.index_cast %get3A_378 : i32 to index
        %get3A_380 = arith.index_cast %mul3A_117 : i32 to index
        %get3A_381 = tpu.vector_load %arg9[%get3A_379, %get3A_380] {strides = array<i32>} : memref<40x256xf32, #tpu.memory_space<vmem>>, vector<16xf32>,
        %get3A_382 = arith.constant 16 : i32
        %get3A_383 = arith.index_cast %get3A_382 : i32 to index
        %get3A_384 = arith.index_cast %mul3A_117 : i32 to index
        %get3A_385 = tpu.vector_load %arg11[%get3A_383, %get3A_384] {strides = array<i32>} : memref<40x256xf32, #tpu.memory_space<vmem>>, vector<16xf32>,
        %exp3A_386 = math.exp %get3A_385 : vector<16xf32>
        %gt3A_387 = arith.cmpf ogt, %get3A_381, %select_n3A_372 : vector<16xf32>
        %select_n3A_388 = arith.select %gt3A_387, %get3A_381, %select_n3A_372 : vector<16xi1>, vector<16xf32>
        %add3A_389 = arith.constant 16 : i32
        %add3A_390 = arith.addi %mul3A_108, %add3A_389 : i32
        %broadcast_in_dim3A_391 = vector.broadcast %add3A_390 : i32 to vector<16xi32>
        %select_n3A_392 = arith.select %gt3A_387, %broadcast_in_dim3A_391, %select_n3A_376 : vector<16xi1>, vector<16xi32>
        %select_n3A_393 = arith.select %gt3A_387, %get3A_385, %select_n3A_377 : vector<16xi1>, vector<16xf32>
        %get3A_394 = arith.constant 17 : i32
        %get3A_395 = arith.index_cast %get3A_394 : i32 to index
        %get3A_396 = arith.index_cast %mul3A_117 : i32 to index
        %get3A_397 = tpu.vector_load %arg9[%get3A_395, %get3A_396] {strides = array<i32>} : memref<40x256xf32, #tpu.memory_space<vmem>>, vector<16xf32>,
        %get3A_398 = arith.constant 17 : i32
        %get3A_399 = arith.index_cast %get3A_398 : i32 to index
        %get3A_400 = arith.index_cast %mul3A_117 : i32 to index
        %get3A_401 = tpu.vector_load %arg11[%get3A_399, %get3A_400] {strides = array<i32>} : memref<40x256xf32, #tpu.memory_space<vmem>>, vector<16xf32>,
        %exp3A_402 = math.exp %get3A_401 : vector<16xf32>
        %gt3A_403 = arith.cmpf ogt, %get3A_397, %select_n3A_388 : vector<16xf32>
        %select_n3A_404 = arith.select %gt3A_403, %get3A_397, %select_n3A_388 : vector<16xi1>, vector<16xf32>
        %add3A_405 = arith.constant 17 : i32
        %add3A_406 = arith.addi %mul3A_108, %add3A_405 : i32
        %broadcast_in_dim3A_407 = vector.broadcast %add3A_406 : i32 to vector<16xi32>
        %select_n3A_408 = arith.select %gt3A_403, %broadcast_in_dim3A_407, %select_n3A_392 : vector<16xi1>, vector<16xi32>
        %select_n3A_409 = arith.select %gt3A_403, %get3A_401, %select_n3A_393 : vector<16xi1>, vector<16xf32>
        %get3A_410 = arith.constant 18 : i32
        %get3A_411 = arith.index_cast %get3A_410 : i32 to index
        %get3A_412 = arith.index_cast %mul3A_117 : i32 to index
        %get3A_413 = tpu.vector_load %arg9[%get3A_411, %get3A_412] {strides = array<i32>} : memref<40x256xf32, #tpu.memory_space<vmem>>, vector<16xf32>,
        %get3A_414 = arith.constant 18 : i32
        %get3A_415 = arith.index_cast %get3A_414 : i32 to index
        %get3A_416 = arith.index_cast %mul3A_117 : i32 to index
        %get3A_417 = tpu.vector_load %arg11[%get3A_415, %get3A_416] {strides = array<i32>} : memref<40x256xf32, #tpu.memory_space<vmem>>, vector<16xf32>,
        %exp3A_418 = math.exp %get3A_417 : vector<16xf32>
        %gt3A_419 = arith.cmpf ogt, %get3A_413, %select_n3A_404 : vector<16xf32>
        %select_n3A_420 = arith.select %gt3A_419, %get3A_413, %select_n3A_404 : vector<16xi1>, vector<16xf32>
        %add3A_421 = arith.constant 18 : i32
        %add3A_422 = arith.addi %mul3A_108, %add3A_421 : i32
        %broadcast_in_dim3A_423 = vector.broadcast %add3A_422 : i32 to vector<16xi32>
        %select_n3A_424 = arith.select %gt3A_419, %broadcast_in_dim3A_423, %select_n3A_408 : vector<16xi1>, vector<16xi32>
        %select_n3A_425 = arith.select %gt3A_419, %get3A_417, %select_n3A_409 : vector<16xi1>, vector<16xf32>
        %get3A_426 = arith.constant 19 : i32
        %get3A_427 = arith.index_cast %get3A_426 : i32 to index
        %get3A_428 = arith.index_cast %mul3A_117 : i32 to index
        %get3A_429 = tpu.vector_load %arg9[%get3A_427, %get3A_428] {strides = array<i32>} : memref<40x256xf32, #tpu.memory_space<vmem>>, vector<16xf32>,
        %get3A_430 = arith.constant 19 : i32
        %get3A_431 = arith.index_cast %get3A_430 : i32 to index
        %get3A_432 = arith.index_cast %mul3A_117 : i32 to index
        %get3A_433 = tpu.vector_load %arg11[%get3A_431, %get3A_432] {strides = array<i32>} : memref<40x256xf32, #tpu.memory_space<vmem>>, vector<16xf32>,
        %exp3A_434 = math.exp %get3A_433 : vector<16xf32>
        %gt3A_435 = arith.cmpf ogt, %get3A_429, %select_n3A_420 : vector<16xf32>
        %select_n3A_436 = arith.select %gt3A_435, %get3A_429, %select_n3A_420 : vector<16xi1>, vector<16xf32>
        %add3A_437 = arith.constant 19 : i32
        %add3A_438 = arith.addi %mul3A_108, %add3A_437 : i32
        %broadcast_in_dim3A_439 = vector.broadcast %add3A_438 : i32 to vector<16xi32>
        %select_n3A_440 = arith.select %gt3A_435, %broadcast_in_dim3A_439, %select_n3A_424 : vector<16xi1>, vector<16xi32>
        %select_n3A_441 = arith.select %gt3A_435, %get3A_433, %select_n3A_425 : vector<16xi1>, vector<16xf32>
        %get3A_442 = arith.constant 20 : i32
        %get3A_443 = arith.index_cast %get3A_442 : i32 to index
        %get3A_444 = arith.index_cast %mul3A_117 : i32 to index
        %get3A_445 = tpu.vector_load %arg9[%get3A_443, %get3A_444] {strides = array<i32>} : memref<40x256xf32, #tpu.memory_space<vmem>>, vector<16xf32>,
        %get3A_446 = arith.constant 20 : i32
        %get3A_447 = arith.index_cast %get3A_446 : i32 to index
        %get3A_448 = arith.index_cast %mul3A_117 : i32 to index
        %get3A_449 = tpu.vector_load %arg11[%get3A_447, %get3A_448] {strides = array<i32>} : memref<40x256xf32, #tpu.memory_space<vmem>>, vector<16xf32>,
        %exp3A_450 = math.exp %get3A_449 : vector<16xf32>
        %gt3A_451 = arith.cmpf ogt, %get3A_445, %select_n3A_436 : vector<16xf32>
        %select_n3A_452 = arith.select %gt3A_451, %get3A_445, %select_n3A_436 : vector<16xi1>, vector<16xf32>
        %add3A_453 = arith.constant 20 : i32
        %add3A_454 = arith.addi %mul3A_108, %add3A_453 : i32
        %broadcast_in_dim3A_455 = vector.broadcast %add3A_454 : i32 to vector<16xi32>
        %select_n3A_456 = arith.select %gt3A_451, %broadcast_in_dim3A_455, %select_n3A_440 : vector<16xi1>, vector<16xi32>
        %select_n3A_457 = arith.select %gt3A_451, %get3A_449, %select_n3A_441 : vector<16xi1>, vector<16xf32>
        %get3A_458 = arith.constant 21 : i32
        %get3A_459 = arith.index_cast %get3A_458 : i32 to index
        %get3A_460 = arith.index_cast %mul3A_117 : i32 to index
        %get3A_461 = tpu.vector_load %arg9[%get3A_459, %get3A_460] {strides = array<i32>} : memref<40x256xf32, #tpu.memory_space<vmem>>, vector<16xf32>,
        %get3A_462 = arith.constant 21 : i32
        %get3A_463 = arith.index_cast %get3A_462 : i32 to index
        %get3A_464 = arith.index_cast %mul3A_117 : i32 to index
        %get3A_465 = tpu.vector_load %arg11[%get3A_463, %get3A_464] {strides = array<i32>} : memref<40x256xf32, #tpu.memory_space<vmem>>, vector<16xf32>,
        %exp3A_466 = math.exp %get3A_465 : vector<16xf32>
        %gt3A_467 = arith.cmpf ogt, %get3A_461, %select_n3A_452 : vector<16xf32>
        %select_n3A_468 = arith.select %gt3A_467, %get3A_461, %select_n3A_452 : vector<16xi1>, vector<16xf32>
        %add3A_469 = arith.constant 21 : i32
        %add3A_470 = arith.addi %mul3A_108, %add3A_469 : i32
        %broadcast_in_dim3A_471 = vector.broadcast %add3A_470 : i32 to vector<16xi32>
        %select_n3A_472 = arith.select %gt3A_467, %broadcast_in_dim3A_471, %select_n3A_456 : vector<16xi1>, vector<16xi32>
        %select_n3A_473 = arith.select %gt3A_467, %get3A_465, %select_n3A_457 : vector<16xi1>, vector<16xf32>
        %get3A_474 = arith.constant 22 : i32
        %get3A_475 = arith.index_cast %get3A_474 : i32 to index
        %get3A_476 = arith.index_cast %mul3A_117 : i32 to index
        %get3A_477 = tpu.vector_load %arg9[%get3A_475, %get3A_476] {strides = array<i32>} : memref<40x256xf32, #tpu.memory_space<vmem>>, vector<16xf32>,
        %get3A_478 = arith.constant 22 : i32
        %get3A_479 = arith.index_cast %get3A_478 : i32 to index
        %get3A_480 = arith.index_cast %mul3A_117 : i32 to index
        %get3A_481 = tpu.vector_load %arg11[%get3A_479, %get3A_480] {strides = array<i32>} : memref<40x256xf32, #tpu.memory_space<vmem>>, vector<16xf32>,
        %exp3A_482 = math.exp %get3A_481 : vector<16xf32>
        %gt3A_483 = arith.cmpf ogt, %get3A_477, %select_n3A_468 : vector<16xf32>
        %select_n3A_484 = arith.select %gt3A_483, %get3A_477, %select_n3A_468 : vector<16xi1>, vector<16xf32>
        %add3A_485 = arith.constant 22 : i32
        %add3A_486 = arith.addi %mul3A_108, %add3A_485 : i32
        %broadcast_in_dim3A_487 = vector.broadcast %add3A_486 : i32 to vector<16xi32>
        %select_n3A_488 = arith.select %gt3A_483, %broadcast_in_dim3A_487, %select_n3A_472 : vector<16xi1>, vector<16xi32>
        %select_n3A_489 = arith.select %gt3A_483, %get3A_481, %select_n3A_473 : vector<16xi1>, vector<16xf32>
        %get3A_490 = arith.constant 23 : i32
        %get3A_491 = arith.index_cast %get3A_490 : i32 to index
        %get3A_492 = arith.index_cast %mul3A_117 : i32 to index
        %get3A_493 = tpu.vector_load %arg9[%get3A_491, %get3A_492] {strides = array<i32>} : memref<40x256xf32, #tpu.memory_space<vmem>>, vector<16xf32>,
        %get3A_494 = arith.constant 23 : i32
        %get3A_495 = arith.index_cast %get3A_494 : i32 to index
        %get3A_496 = arith.index_cast %mul3A_117 : i32 to index
        %get3A_497 = tpu.vector_load %arg11[%get3A_495, %get3A_496] {strides = array<i32>} : memref<40x256xf32, #tpu.memory_space<vmem>>, vector<16xf32>,
        %exp3A_498 = math.exp %get3A_497 : vector<16xf32>
        %gt3A_499 = arith.cmpf ogt, %get3A_493, %select_n3A_484 : vector<16xf32>
        %select_n3A_500 = arith.select %gt3A_499, %get3A_493, %select_n3A_484 : vector<16xi1>, vector<16xf32>
        %add3A_501 = arith.constant 23 : i32
        %add3A_502 = arith.addi %mul3A_108, %add3A_501 : i32
        %broadcast_in_dim3A_503 = vector.broadcast %add3A_502 : i32 to vector<16xi32>
        %select_n3A_504 = arith.select %gt3A_499, %broadcast_in_dim3A_503, %select_n3A_488 : vector<16xi1>, vector<16xi32>
        %select_n3A_505 = arith.select %gt3A_499, %get3A_497, %select_n3A_489 : vector<16xi1>, vector<16xf32>
        %get3A_506 = arith.constant 24 : i32
        %get3A_507 = arith.index_cast %get3A_506 : i32 to index
        %get3A_508 = arith.index_cast %mul3A_117 : i32 to index
        %get3A_509 = tpu.vector_load %arg9[%get3A_507, %get3A_508] {strides = array<i32>} : memref<40x256xf32, #tpu.memory_space<vmem>>, vector<16xf32>,
        %get3A_510 = arith.constant 24 : i32
        %get3A_511 = arith.index_cast %get3A_510 : i32 to index
        %get3A_512 = arith.index_cast %mul3A_117 : i32 to index
        %get3A_513 = tpu.vector_load %arg11[%get3A_511, %get3A_512] {strides = array<i32>} : memref<40x256xf32, #tpu.memory_space<vmem>>, vector<16xf32>,
        %exp3A_514 = math.exp %get3A_513 : vector<16xf32>
        %gt3A_515 = arith.cmpf ogt, %get3A_509, %select_n3A_500 : vector<16xf32>
        %select_n3A_516 = arith.select %gt3A_515, %get3A_509, %select_n3A_500 : vector<16xi1>, vector<16xf32>
        %add3A_517 = arith.constant 24 : i32
        %add3A_518 = arith.addi %mul3A_108, %add3A_517 : i32
        %broadcast_in_dim3A_519 = vector.broadcast %add3A_518 : i32 to vector<16xi32>
        %select_n3A_520 = arith.select %gt3A_515, %broadcast_in_dim3A_519, %select_n3A_504 : vector<16xi1>, vector<16xi32>
        %select_n3A_521 = arith.select %gt3A_515, %get3A_513, %select_n3A_505 : vector<16xi1>, vector<16xf32>
        %get3A_522 = arith.constant 25 : i32
        %get3A_523 = arith.index_cast %get3A_522 : i32 to index
        %get3A_524 = arith.index_cast %mul3A_117 : i32 to index
        %get3A_525 = tpu.vector_load %arg9[%get3A_523, %get3A_524] {strides = array<i32>} : memref<40x256xf32, #tpu.memory_space<vmem>>, vector<16xf32>,
        %get3A_526 = arith.constant 25 : i32
        %get3A_527 = arith.index_cast %get3A_526 : i32 to index
        %get3A_528 = arith.index_cast %mul3A_117 : i32 to index
        %get3A_529 = tpu.vector_load %arg11[%get3A_527, %get3A_528] {strides = array<i32>} : memref<40x256xf32, #tpu.memory_space<vmem>>, vector<16xf32>,
        %exp3A_530 = math.exp %get3A_529 : vector<16xf32>
        %gt3A_531 = arith.cmpf ogt, %get3A_525, %select_n3A_516 : vector<16xf32>
        %select_n3A_532 = arith.select %gt3A_531, %get3A_525, %select_n3A_516 : vector<16xi1>, vector<16xf32>
        %add3A_533 = arith.constant 25 : i32
        %add3A_534 = arith.addi %mul3A_108, %add3A_533 : i32
        %broadcast_in_dim3A_535 = vector.broadcast %add3A_534 : i32 to vector<16xi32>
        %select_n3A_536 = arith.select %gt3A_531, %broadcast_in_dim3A_535, %select_n3A_520 : vector<16xi1>, vector<16xi32>
        %select_n3A_537 = arith.select %gt3A_531, %get3A_529, %select_n3A_521 : vector<16xi1>, vector<16xf32>
        %get3A_538 = arith.constant 26 : i32
        %get3A_539 = arith.index_cast %get3A_538 : i32 to index
        %get3A_540 = arith.index_cast %mul3A_117 : i32 to index
        %get3A_541 = tpu.vector_load %arg9[%get3A_539, %get3A_540] {strides = array<i32>} : memref<40x256xf32, #tpu.memory_space<vmem>>, vector<16xf32>,
        %get3A_542 = arith.constant 26 : i32
        %get3A_543 = arith.index_cast %get3A_542 : i32 to index
        %get3A_544 = arith.index_cast %mul3A_117 : i32 to index
        %get3A_545 = tpu.vector_load %arg11[%get3A_543, %get3A_544] {strides = array<i32>} : memref<40x256xf32, #tpu.memory_space<vmem>>, vector<16xf32>,
        %exp3A_546 = math.exp %get3A_545 : vector<16xf32>
        %gt3A_547 = arith.cmpf ogt, %get3A_541, %select_n3A_532 : vector<16xf32>
        %select_n3A_548 = arith.select %gt3A_547, %get3A_541, %select_n3A_532 : vector<16xi1>, vector<16xf32>
        %add3A_549 = arith.constant 26 : i32
        %add3A_550 = arith.addi %mul3A_108, %add3A_549 : i32
        %broadcast_in_dim3A_551 = vector.broadcast %add3A_550 : i32 to vector<16xi32>
        %select_n3A_552 = arith.select %gt3A_547, %broadcast_in_dim3A_551, %select_n3A_536 : vector<16xi1>, vector<16xi32>
        %select_n3A_553 = arith.select %gt3A_547, %get3A_545, %select_n3A_537 : vector<16xi1>, vector<16xf32>
        %get3A_554 = arith.constant 27 : i32
        %get3A_555 = arith.index_cast %get3A_554 : i32 to index
        %get3A_556 = arith.index_cast %mul3A_117 : i32 to index
        %get3A_557 = tpu.vector_load %arg9[%get3A_555, %get3A_556] {strides = array<i32>} : memref<40x256xf32, #tpu.memory_space<vmem>>, vector<16xf32>,
        %get3A_558 = arith.constant 27 : i32
        %get3A_559 = arith.index_cast %get3A_558 : i32 to index
        %get3A_560 = arith.index_cast %mul3A_117 : i32 to index
        %get3A_561 = tpu.vector_load %arg11[%get3A_559, %get3A_560] {strides = array<i32>} : memref<40x256xf32, #tpu.memory_space<vmem>>, vector<16xf32>,
        %exp3A_562 = math.exp %get3A_561 : vector<16xf32>
        %gt3A_563 = arith.cmpf ogt, %get3A_557, %select_n3A_548 : vector<16xf32>
        %select_n3A_564 = arith.select %gt3A_563, %get3A_557, %select_n3A_548 : vector<16xi1>, vector<16xf32>
        %add3A_565 = arith.constant 27 : i32
        %add3A_566 = arith.addi %mul3A_108, %add3A_565 : i32
        %broadcast_in_dim3A_567 = vector.broadcast %add3A_566 : i32 to vector<16xi32>
        %select_n3A_568 = arith.select %gt3A_563, %broadcast_in_dim3A_567, %select_n3A_552 : vector<16xi1>, vector<16xi32>
        %select_n3A_569 = arith.select %gt3A_563, %get3A_561, %select_n3A_553 : vector<16xi1>, vector<16xf32>
        %get3A_570 = arith.constant 28 : i32
        %get3A_571 = arith.index_cast %get3A_570 : i32 to index
        %get3A_572 = arith.index_cast %mul3A_117 : i32 to index
        %get3A_573 = tpu.vector_load %arg9[%get3A_571, %get3A_572] {strides = array<i32>} : memref<40x256xf32, #tpu.memory_space<vmem>>, vector<16xf32>,
        %get3A_574 = arith.constant 28 : i32
        %get3A_575 = arith.index_cast %get3A_574 : i32 to index
        %get3A_576 = arith.index_cast %mul3A_117 : i32 to index
        %get3A_577 = tpu.vector_load %arg11[%get3A_575, %get3A_576] {strides = array<i32>} : memref<40x256xf32, #tpu.memory_space<vmem>>, vector<16xf32>,
        %exp3A_578 = math.exp %get3A_577 : vector<16xf32>
        %gt3A_579 = arith.cmpf ogt, %get3A_573, %select_n3A_564 : vector<16xf32>
        %select_n3A_580 = arith.select %gt3A_579, %get3A_573, %select_n3A_564 : vector<16xi1>, vector<16xf32>
        %add3A_581 = arith.constant 28 : i32
        %add3A_582 = arith.addi %mul3A_108, %add3A_581 : i32
        %broadcast_in_dim3A_583 = vector.broadcast %add3A_582 : i32 to vector<16xi32>
        %select_n3A_584 = arith.select %gt3A_579, %broadcast_in_dim3A_583, %select_n3A_568 : vector<16xi1>, vector<16xi32>
        %select_n3A_585 = arith.select %gt3A_579, %get3A_577, %select_n3A_569 : vector<16xi1>, vector<16xf32>
        %get3A_586 = arith.constant 29 : i32
        %get3A_587 = arith.index_cast %get3A_586 : i32 to index
        %get3A_588 = arith.index_cast %mul3A_117 : i32 to index
        %get3A_589 = tpu.vector_load %arg9[%get3A_587, %get3A_588] {strides = array<i32>} : memref<40x256xf32, #tpu.memory_space<vmem>>, vector<16xf32>,
        %get3A_590 = arith.constant 29 : i32
        %get3A_591 = arith.index_cast %get3A_590 : i32 to index
        %get3A_592 = arith.index_cast %mul3A_117 : i32 to index
        %get3A_593 = tpu.vector_load %arg11[%get3A_591, %get3A_592] {strides = array<i32>} : memref<40x256xf32, #tpu.memory_space<vmem>>, vector<16xf32>,
        %exp3A_594 = math.exp %get3A_593 : vector<16xf32>
        %gt3A_595 = arith.cmpf ogt, %get3A_589, %select_n3A_580 : vector<16xf32>
        %select_n3A_596 = arith.select %gt3A_595, %get3A_589, %select_n3A_580 : vector<16xi1>, vector<16xf32>
        %add3A_597 = arith.constant 29 : i32
        %add3A_598 = arith.addi %mul3A_108, %add3A_597 : i32
        %broadcast_in_dim3A_599 = vector.broadcast %add3A_598 : i32 to vector<16xi32>
        %select_n3A_600 = arith.select %gt3A_595, %broadcast_in_dim3A_599, %select_n3A_584 : vector<16xi1>, vector<16xi32>
        %select_n3A_601 = arith.select %gt3A_595, %get3A_593, %select_n3A_585 : vector<16xi1>, vector<16xf32>
        %get3A_602 = arith.constant 30 : i32
        %get3A_603 = arith.index_cast %get3A_602 : i32 to index
        %get3A_604 = arith.index_cast %mul3A_117 : i32 to index
        %get3A_605 = tpu.vector_load %arg9[%get3A_603, %get3A_604] {strides = array<i32>} : memref<40x256xf32, #tpu.memory_space<vmem>>, vector<16xf32>,
        %get3A_606 = arith.constant 30 : i32
        %get3A_607 = arith.index_cast %get3A_606 : i32 to index
        %get3A_608 = arith.index_cast %mul3A_117 : i32 to index
        %get3A_609 = tpu.vector_load %arg11[%get3A_607, %get3A_608] {strides = array<i32>} : memref<40x256xf32, #tpu.memory_space<vmem>>, vector<16xf32>,
        %exp3A_610 = math.exp %get3A_609 : vector<16xf32>
        %gt3A_611 = arith.cmpf ogt, %get3A_605, %select_n3A_596 : vector<16xf32>
        %select_n3A_612 = arith.select %gt3A_611, %get3A_605, %select_n3A_596 : vector<16xi1>, vector<16xf32>
        %add3A_613 = arith.constant 30 : i32
        %add3A_614 = arith.addi %mul3A_108, %add3A_613 : i32
        %broadcast_in_dim3A_615 = vector.broadcast %add3A_614 : i32 to vector<16xi32>
        %select_n3A_616 = arith.select %gt3A_611, %broadcast_in_dim3A_615, %select_n3A_600 : vector<16xi1>, vector<16xi32>
        %select_n3A_617 = arith.select %gt3A_611, %get3A_609, %select_n3A_601 : vector<16xi1>, vector<16xf32>
        %get3A_618 = arith.constant 31 : i32
        %get3A_619 = arith.index_cast %get3A_618 : i32 to index
        %get3A_620 = arith.index_cast %mul3A_117 : i32 to index
        %get3A_621 = tpu.vector_load %arg9[%get3A_619, %get3A_620] {strides = array<i32>} : memref<40x256xf32, #tpu.memory_space<vmem>>, vector<16xf32>,
        %get3A_622 = arith.constant 31 : i32
        %get3A_623 = arith.index_cast %get3A_622 : i32 to index
        %get3A_624 = arith.index_cast %mul3A_117 : i32 to index
        %get3A_625 = tpu.vector_load %arg11[%get3A_623, %get3A_624] {strides = array<i32>} : memref<40x256xf32, #tpu.memory_space<vmem>>, vector<16xf32>,
        %exp3A_626 = math.exp %get3A_625 : vector<16xf32>
        %gt3A_627 = arith.cmpf ogt, %get3A_621, %select_n3A_612 : vector<16xf32>
        %select_n3A_628 = arith.select %gt3A_627, %get3A_621, %select_n3A_612 : vector<16xi1>, vector<16xf32>
        %add3A_629 = arith.constant 31 : i32
        %add3A_630 = arith.addi %mul3A_108, %add3A_629 : i32
        %broadcast_in_dim3A_631 = vector.broadcast %add3A_630 : i32 to vector<16xi32>
        %select_n3A_632 = arith.select %gt3A_627, %broadcast_in_dim3A_631, %select_n3A_616 : vector<16xi1>, vector<16xi32>
        %select_n3A_633 = arith.select %gt3A_627, %get3A_625, %select_n3A_617 : vector<16xi1>, vector<16xf32>
        %get3A_634 = arith.constant 32 : i32
        %get3A_635 = arith.index_cast %get3A_634 : i32 to index
        %get3A_636 = arith.index_cast %mul3A_117 : i32 to index
        %get3A_637 = tpu.vector_load %arg9[%get3A_635, %get3A_636] {strides = array<i32>} : memref<40x256xf32, #tpu.memory_space<vmem>>, vector<16xf32>,
        %get3A_638 = arith.constant 32 : i32
        %get3A_639 = arith.index_cast %get3A_638 : i32 to index
        %get3A_640 = arith.index_cast %mul3A_117 : i32 to index
        %get3A_641 = tpu.vector_load %arg11[%get3A_639, %get3A_640] {strides = array<i32>} : memref<40x256xf32, #tpu.memory_space<vmem>>, vector<16xf32>,
        %exp3A_642 = math.exp %get3A_641 : vector<16xf32>
        %gt3A_643 = arith.cmpf ogt, %get3A_637, %select_n3A_628 : vector<16xf32>
        %select_n3A_644 = arith.select %gt3A_643, %get3A_637, %select_n3A_628 : vector<16xi1>, vector<16xf32>
        %add3A_645 = arith.constant 32 : i32
        %add3A_646 = arith.addi %mul3A_108, %add3A_645 : i32
        %broadcast_in_dim3A_647 = vector.broadcast %add3A_646 : i32 to vector<16xi32>
        %select_n3A_648 = arith.select %gt3A_643, %broadcast_in_dim3A_647, %select_n3A_632 : vector<16xi1>, vector<16xi32>
        %select_n3A_649 = arith.select %gt3A_643, %get3A_641, %select_n3A_633 : vector<16xi1>, vector<16xf32>
        %get3A_650 = arith.constant 33 : i32
        %get3A_651 = arith.index_cast %get3A_650 : i32 to index
        %get3A_652 = arith.index_cast %mul3A_117 : i32 to index
        %get3A_653 = tpu.vector_load %arg9[%get3A_651, %get3A_652] {strides = array<i32>} : memref<40x256xf32, #tpu.memory_space<vmem>>, vector<16xf32>,
        %get3A_654 = arith.constant 33 : i32
        %get3A_655 = arith.index_cast %get3A_654 : i32 to index
        %get3A_656 = arith.index_cast %mul3A_117 : i32 to index
        %get3A_657 = tpu.vector_load %arg11[%get3A_655, %get3A_656] {strides = array<i32>} : memref<40x256xf32, #tpu.memory_space<vmem>>, vector<16xf32>,
        %exp3A_658 = math.exp %get3A_657 : vector<16xf32>
        %gt3A_659 = arith.cmpf ogt, %get3A_653, %select_n3A_644 : vector<16xf32>
        %select_n3A_660 = arith.select %gt3A_659, %get3A_653, %select_n3A_644 : vector<16xi1>, vector<16xf32>
        %add3A_661 = arith.constant 33 : i32
        %add3A_662 = arith.addi %mul3A_108, %add3A_661 : i32
        %broadcast_in_dim3A_663 = vector.broadcast %add3A_662 : i32 to vector<16xi32>
        %select_n3A_664 = arith.select %gt3A_659, %broadcast_in_dim3A_663, %select_n3A_648 : vector<16xi1>, vector<16xi32>
        %select_n3A_665 = arith.select %gt3A_659, %get3A_657, %select_n3A_649 : vector<16xi1>, vector<16xf32>
        %get3A_666 = arith.constant 34 : i32
        %get3A_667 = arith.index_cast %get3A_666 : i32 to index
        %get3A_668 = arith.index_cast %mul3A_117 : i32 to index
        %get3A_669 = tpu.vector_load %arg9[%get3A_667, %get3A_668] {strides = array<i32>} : memref<40x256xf32, #tpu.memory_space<vmem>>, vector<16xf32>,
        %get3A_670 = arith.constant 34 : i32
        %get3A_671 = arith.index_cast %get3A_670 : i32 to index
        %get3A_672 = arith.index_cast %mul3A_117 : i32 to index
        %get3A_673 = tpu.vector_load %arg11[%get3A_671, %get3A_672] {strides = array<i32>} : memref<40x256xf32, #tpu.memory_space<vmem>>, vector<16xf32>,
        %exp3A_674 = math.exp %get3A_673 : vector<16xf32>
        %gt3A_675 = arith.cmpf ogt, %get3A_669, %select_n3A_660 : vector<16xf32>
        %select_n3A_676 = arith.select %gt3A_675, %get3A_669, %select_n3A_660 : vector<16xi1>, vector<16xf32>
        %add3A_677 = arith.constant 34 : i32
        %add3A_678 = arith.addi %mul3A_108, %add3A_677 : i32
        %broadcast_in_dim3A_679 = vector.broadcast %add3A_678 : i32 to vector<16xi32>
        %select_n3A_680 = arith.select %gt3A_675, %broadcast_in_dim3A_679, %select_n3A_664 : vector<16xi1>, vector<16xi32>
        %select_n3A_681 = arith.select %gt3A_675, %get3A_673, %select_n3A_665 : vector<16xi1>, vector<16xf32>
        %get3A_682 = arith.constant 35 : i32
        %get3A_683 = arith.index_cast %get3A_682 : i32 to index
        %get3A_684 = arith.index_cast %mul3A_117 : i32 to index
        %get3A_685 = tpu.vector_load %arg9[%get3A_683, %get3A_684] {strides = array<i32>} : memref<40x256xf32, #tpu.memory_space<vmem>>, vector<16xf32>,
        %get3A_686 = arith.constant 35 : i32
        %get3A_687 = arith.index_cast %get3A_686 : i32 to index
        %get3A_688 = arith.index_cast %mul3A_117 : i32 to index
        %get3A_689 = tpu.vector_load %arg11[%get3A_687, %get3A_688] {strides = array<i32>} : memref<40x256xf32, #tpu.memory_space<vmem>>, vector<16xf32>,
        %exp3A_690 = math.exp %get3A_689 : vector<16xf32>
        %gt3A_691 = arith.cmpf ogt, %get3A_685, %select_n3A_676 : vector<16xf32>
        %select_n3A_692 = arith.select %gt3A_691, %get3A_685, %select_n3A_676 : vector<16xi1>, vector<16xf32>
        %add3A_693 = arith.constant 35 : i32
        %add3A_694 = arith.addi %mul3A_108, %add3A_693 : i32
        %broadcast_in_dim3A_695 = vector.broadcast %add3A_694 : i32 to vector<16xi32>
        %select_n3A_696 = arith.select %gt3A_691, %broadcast_in_dim3A_695, %select_n3A_680 : vector<16xi1>, vector<16xi32>
        %select_n3A_697 = arith.select %gt3A_691, %get3A_689, %select_n3A_681 : vector<16xi1>, vector<16xf32>
        %get3A_698 = arith.constant 36 : i32
        %get3A_699 = arith.index_cast %get3A_698 : i32 to index
        %get3A_700 = arith.index_cast %mul3A_117 : i32 to index
        %get3A_701 = tpu.vector_load %arg9[%get3A_699, %get3A_700] {strides = array<i32>} : memref<40x256xf32, #tpu.memory_space<vmem>>, vector<16xf32>,
        %get3A_702 = arith.constant 36 : i32
        %get3A_703 = arith.index_cast %get3A_702 : i32 to index
        %get3A_704 = arith.index_cast %mul3A_117 : i32 to index
        %get3A_705 = tpu.vector_load %arg11[%get3A_703, %get3A_704] {strides = array<i32>} : memref<40x256xf32, #tpu.memory_space<vmem>>, vector<16xf32>,
        %exp3A_706 = math.exp %get3A_705 : vector<16xf32>
        %gt3A_707 = arith.cmpf ogt, %get3A_701, %select_n3A_692 : vector<16xf32>
        %select_n3A_708 = arith.select %gt3A_707, %get3A_701, %select_n3A_692 : vector<16xi1>, vector<16xf32>
        %add3A_709 = arith.constant 36 : i32
        %add3A_710 = arith.addi %mul3A_108, %add3A_709 : i32
        %broadcast_in_dim3A_711 = vector.broadcast %add3A_710 : i32 to vector<16xi32>
        %select_n3A_712 = arith.select %gt3A_707, %broadcast_in_dim3A_711, %select_n3A_696 : vector<16xi1>, vector<16xi32>
        %select_n3A_713 = arith.select %gt3A_707, %get3A_705, %select_n3A_697 : vector<16xi1>, vector<16xf32>
        %get3A_714 = arith.constant 37 : i32
        %get3A_715 = arith.index_cast %get3A_714 : i32 to index
        %get3A_716 = arith.index_cast %mul3A_117 : i32 to index
        %get3A_717 = tpu.vector_load %arg9[%get3A_715, %get3A_716] {strides = array<i32>} : memref<40x256xf32, #tpu.memory_space<vmem>>, vector<16xf32>,
        %get3A_718 = arith.constant 37 : i32
        %get3A_719 = arith.index_cast %get3A_718 : i32 to index
        %get3A_720 = arith.index_cast %mul3A_117 : i32 to index
        %get3A_721 = tpu.vector_load %arg11[%get3A_719, %get3A_720] {strides = array<i32>} : memref<40x256xf32, #tpu.memory_space<vmem>>, vector<16xf32>,
        %exp3A_722 = math.exp %get3A_721 : vector<16xf32>
        %gt3A_723 = arith.cmpf ogt, %get3A_717, %select_n3A_708 : vector<16xf32>
        %select_n3A_724 = arith.select %gt3A_723, %get3A_717, %select_n3A_708 : vector<16xi1>, vector<16xf32>
        %add3A_725 = arith.constant 37 : i32
        %add3A_726 = arith.addi %mul3A_108, %add3A_725 : i32
        %broadcast_in_dim3A_727 = vector.broadcast %add3A_726 : i32 to vector<16xi32>
        %select_n3A_728 = arith.select %gt3A_723, %broadcast_in_dim3A_727, %select_n3A_712 : vector<16xi1>, vector<16xi32>
        %select_n3A_729 = arith.select %gt3A_723, %get3A_721, %select_n3A_713 : vector<16xi1>, vector<16xf32>
        %get3A_730 = arith.constant 38 : i32
        %get3A_731 = arith.index_cast %get3A_730 : i32 to index
        %get3A_732 = arith.index_cast %mul3A_117 : i32 to index
        %get3A_733 = tpu.vector_load %arg9[%get3A_731, %get3A_732] {strides = array<i32>} : memref<40x256xf32, #tpu.memory_space<vmem>>, vector<16xf32>,
        %get3A_734 = arith.constant 38 : i32
        %get3A_735 = arith.index_cast %get3A_734 : i32 to index
        %get3A_736 = arith.index_cast %mul3A_117 : i32 to index
        %get3A_737 = tpu.vector_load %arg11[%get3A_735, %get3A_736] {strides = array<i32>} : memref<40x256xf32, #tpu.memory_space<vmem>>, vector<16xf32>,
        %exp3A_738 = math.exp %get3A_737 : vector<16xf32>
        %gt3A_739 = arith.cmpf ogt, %get3A_733, %select_n3A_724 : vector<16xf32>
        %select_n3A_740 = arith.select %gt3A_739, %get3A_733, %select_n3A_724 : vector<16xi1>, vector<16xf32>
        %add3A_741 = arith.constant 38 : i32
        %add3A_742 = arith.addi %mul3A_108, %add3A_741 : i32
        %broadcast_in_dim3A_743 = vector.broadcast %add3A_742 : i32 to vector<16xi32>
        %select_n3A_744 = arith.select %gt3A_739, %broadcast_in_dim3A_743, %select_n3A_728 : vector<16xi1>, vector<16xi32>
        %select_n3A_745 = arith.select %gt3A_739, %get3A_737, %select_n3A_729 : vector<16xi1>, vector<16xf32>
        %get3A_746 = arith.constant 39 : i32
        %get3A_747 = arith.index_cast %get3A_746 : i32 to index
        %get3A_748 = arith.index_cast %mul3A_117 : i32 to index
        %get3A_749 = tpu.vector_load %arg9[%get3A_747, %get3A_748] {strides = array<i32>} : memref<40x256xf32, #tpu.memory_space<vmem>>, vector<16xf32>,
        %get3A_750 = arith.constant 39 : i32
        %get3A_751 = arith.index_cast %get3A_750 : i32 to index
        %get3A_752 = arith.index_cast %mul3A_117 : i32 to index
        %get3A_753 = tpu.vector_load %arg11[%get3A_751, %get3A_752] {strides = array<i32>} : memref<40x256xf32, #tpu.memory_space<vmem>>, vector<16xf32>,
        %exp3A_754 = math.exp %get3A_753 : vector<16xf32>
        %gt3A_755 = arith.cmpf ogt, %get3A_749, %select_n3A_740 : vector<16xf32>
        %select_n3A_756 = arith.select %gt3A_755, %get3A_749, %select_n3A_740 : vector<16xi1>, vector<16xf32>
        %add3A_757 = arith.constant 39 : i32
        %add3A_758 = arith.addi %mul3A_108, %add3A_757 : i32
        %broadcast_in_dim3A_759 = vector.broadcast %add3A_758 : i32 to vector<16xi32>
        %select_n3A_760 = arith.select %gt3A_755, %broadcast_in_dim3A_759, %select_n3A_744 : vector<16xi1>, vector<16xi32>
        %select_n3A_761 = arith.select %gt3A_755, %get3A_753, %select_n3A_745 : vector<16xi1>, vector<16xf32>
        %add3A_762 = arith.addf %exp3A, %exp3A_146 : vector<16xf32>
        %add3A_763 = arith.addf %exp3A_162, %exp3A_178 : vector<16xf32>
        %add3A_764 = arith.addf %exp3A_194, %exp3A_210 : vector<16xf32>
        %add3A_765 = arith.addf %exp3A_226, %exp3A_242 : vector<16xf32>
        %add3A_766 = arith.addf %exp3A_258, %exp3A_274 : vector<16xf32>
        %add3A_767 = arith.addf %exp3A_290, %exp3A_306 : vector<16xf32>
        %add3A_768 = arith.addf %exp3A_322, %exp3A_338 : vector<16xf32>
        %add3A_769 = arith.addf %exp3A_354, %exp3A_370 : vector<16xf32>
        %add3A_770 = arith.addf %exp3A_386, %exp3A_402 : vector<16xf32>
        %add3A_771 = arith.addf %exp3A_418, %exp3A_434 : vector<16xf32>
        %add3A_772 = arith.addf %exp3A_450, %exp3A_466 : vector<16xf32>
        %add3A_773 = arith.addf %exp3A_482, %exp3A_498 : vector<16xf32>
        %add3A_774 = arith.addf %exp3A_514, %exp3A_530 : vector<16xf32>
        %add3A_775 = arith.addf %exp3A_546, %exp3A_562 : vector<16xf32>
        %add3A_776 = arith.addf %exp3A_578, %exp3A_594 : vector<16xf32>
        %add3A_777 = arith.addf %exp3A_610, %exp3A_626 : vector<16xf32>
        %add3A_778 = arith.addf %exp3A_642, %exp3A_658 : vector<16xf32>
        %add3A_779 = arith.addf %exp3A_674, %exp3A_690 : vector<16xf32>
        %add3A_780 = arith.addf %exp3A_706, %exp3A_722 : vector<16xf32>
        %add3A_781 = arith.addf %exp3A_738, %exp3A_754 : vector<16xf32>
        %add3A_782 = arith.addf %add3A_762, %add3A_763 : vector<16xf32>
        %add3A_783 = arith.addf %add3A_764, %add3A_765 : vector<16xf32>
        %add3A_784 = arith.addf %add3A_766, %add3A_767 : vector<16xf32>
        %add3A_785 = arith.addf %add3A_768, %add3A_769 : vector<16xf32>
        %add3A_786 = arith.addf %add3A_770, %add3A_771 : vector<16xf32>
        %add3A_787 = arith.addf %add3A_772, %add3A_773 : vector<16xf32>
        %add3A_788 = arith.addf %add3A_774, %add3A_775 : vector<16xf32>
        %add3A_789 = arith.addf %add3A_776, %add3A_777 : vector<16xf32>
        %add3A_790 = arith.addf %add3A_778, %add3A_779 : vector<16xf32>
        %add3A_791 = arith.addf %add3A_780, %add3A_781 : vector<16xf32>
        %add3A_792 = arith.addf %add3A_782, %add3A_783 : vector<16xf32>
        %add3A_793 = arith.addf %add3A_784, %add3A_785 : vector<16xf32>
        %add3A_794 = arith.addf %add3A_786, %add3A_787 : vector<16xf32>
        %add3A_795 = arith.addf %add3A_788, %add3A_789 : vector<16xf32>
        %add3A_796 = arith.addf %add3A_790, %add3A_791 : vector<16xf32>
        %add3A_797 = arith.addf %add3A_792, %add3A_793 : vector<16xf32>
        %add3A_798 = arith.addf %add3A_794, %add3A_795 : vector<16xf32>
        %add3A_799 = arith.addf %add3A_797, %add3A_798 : vector<16xf32>
        %add3A_800 = arith.addf %add3A_799, %add3A_796 : vector<16xf32>
        %add3A_801 = arith.addf %get3A_124, %add3A_800 : vector<16xf32>
        %swap3A_802 = arith.index_cast %mul3A_117 : i32 to index
        %swap3A_803 = tpu.vector_load %arg12[%swap3A_802] {strides = array<i32>} : memref<256xf32, #tpu.memory_space<vmem>>, vector<16xf32>,
        tpu.vector_store %arg12[%swap3A_802], %select_n3A_756 {strides = array<i32>} : memref<256xf32, #tpu.memory_space<vmem>>, vector<16xf32>,
        %swap3A_804 = arith.index_cast %mul3A_117 : i32 to index
        %swap3A_805 = tpu.vector_load %arg13[%swap3A_804] {strides = array<i32>} : memref<256xi32, #tpu.memory_space<vmem>>, vector<16xi32>,
        tpu.vector_store %arg13[%swap3A_804], %select_n3A_760 {strides = array<i32>} : memref<256xi32, #tpu.memory_space<vmem>>, vector<16xi32>,
        %swap3A_806 = arith.index_cast %mul3A_117 : i32 to index
        %swap3A_807 = tpu.vector_load %arg14[%swap3A_806] {strides = array<i32>} : memref<256xf32, #tpu.memory_space<vmem>>, vector<16xf32>,
        tpu.vector_store %arg14[%swap3A_806], %select_n3A_761 {strides = array<i32>} : memref<256xf32, #tpu.memory_space<vmem>>, vector<16xf32>,
        %swap3A_808 = arith.index_cast %mul3A_117 : i32 to index
        %swap3A_809 = tpu.vector_load %arg15[%swap3A_808] {strides = array<i32>} : memref<256xf32, #tpu.memory_space<vmem>>, vector<16xf32>,
        tpu.vector_store %arg15[%swap3A_808], %add3A_801 {strides = array<i32>} : memref<256xf32, #tpu.memory_space<vmem>>, vector<16xf32>,
      }
      %scan3A_114 = arith.constant 16 : i32
    }
    %scan3A_27 = arith.constant 12 : i32
    %dma_wait3A = arith.constant 0 : i32
    %dma_wait3A_28 = arith.constant 0 : i32
    %dma_wait3A_29 = tpu.memref_slice %arg2[%dma_wait3A, %dma_wait3A_28] : memref<1000x16384xf32, #tpu.memory_space<hbm>> -> memref<40x256xf32, #tpu.memory_space<hbm>>
    %dma_wait3A_30 = arith.constant 0 : i32
    %dma_wait3A_31 = arith.constant 0 : i32
    %dma_wait3A_32 = tpu.memref_slice %arg2[%dma_wait3A_30, %dma_wait3A_31] : memref<1000x16384xf32, #tpu.memory_space<hbm>> -> memref<40x256xf32, #tpu.memory_space<hbm>>
    tpu.wait_dma2 semaphore(%arg18 : memref<!tpu.dma_semaphore, #tpu.memory_space<semaphore_mem>>) src(%dma_wait3A_32 : memref<40x256xf32, #tpu.memory_space<hbm>>) dst(%arg8 : memref<40x256xf32, #tpu.memory_space<vmem>>)
    %dma_wait3A_33 = arith.constant 0 : i32
    %dma_wait3A_34 = arith.constant 0 : i32
    %dma_wait3A_35 = tpu.memref_slice %arg2[%dma_wait3A_33, %dma_wait3A_34] : memref<1000x16384xf32, #tpu.memory_space<hbm>> -> memref<40x256xf32, #tpu.memory_space<hbm>>
    %dma_wait3A_36 = arith.constant 0 : i32
    %dma_wait3A_37 = arith.constant 0 : i32
    %dma_wait3A_38 = tpu.memref_slice %arg2[%dma_wait3A_36, %dma_wait3A_37] : memref<1000x16384xf32, #tpu.memory_space<hbm>> -> memref<40x256xf32, #tpu.memory_space<hbm>>
    tpu.wait_dma2 semaphore(%arg18 : memref<!tpu.dma_semaphore, #tpu.memory_space<semaphore_mem>>) src(%dma_wait3A_38 : memref<40x256xf32, #tpu.memory_space<hbm>>) dst(%arg10 : memref<40x256xf32, #tpu.memory_space<vmem>>)
    %scan3A_39 = arith.constant 0 : i32
    %scan3A_40 = arith.constant 0 : i32
    %scan3A_41 = arith.constant 16 : i32
    %scan3A_42 = arith.addi %scan3A_40, %scan3A_41 : i32
    %scan3A_43 = arith.constant 1 : i32
    scf.for %scan3A_54 = %scan3A_40 to %scan3A_42 step %scan3A_43  : i32 {
      %mul3A_55 = arith.constant 16 : i32
      %mul3A_56 = arith.muli %scan3A_54, %mul3A_55 : i32
      %get3A = arith.index_cast %mul3A_56 : i32 to index
      %get3A_57 = tpu.vector_load %arg12[%get3A] {strides = array<i32>} : memref<256xf32, #tpu.memory_space<vmem>>, vector<16xf32>,
      %get3A_58 = arith.index_cast %mul3A_56 : i32 to index
      %get3A_59 = tpu.vector_load %arg13[%get3A_58] {strides = array<i32>} : memref<256xi32, #tpu.memory_space<vmem>>, vector<16xi32>,
      %get3A_60 = arith.index_cast %mul3A_56 : i32 to index
      %get3A_61 = tpu.vector_load %arg14[%get3A_60] {strides = array<i32>} : memref<256xf32, #tpu.memory_space<vmem>>, vector<16xf32>,
      %get3A_62 = arith.index_cast %mul3A_56 : i32 to index
      %get3A_63 = tpu.vector_load %arg15[%get3A_62] {strides = array<i32>} : memref<256xf32, #tpu.memory_space<vmem>>, vector<16xf32>,
      %get3A_64 = arith.constant 0 : i32
      %get3A_65 = arith.index_cast %get3A_64 : i32 to index
      %get3A_66 = arith.index_cast %mul3A_56 : i32 to index
      %get3A_67 = tpu.vector_load %arg8[%get3A_65, %get3A_66] {strides = array<i32>} : memref<40x256xf32, #tpu.memory_space<vmem>>, vector<16xf32>,
      %get3A_68 = arith.constant 0 : i32
      %get3A_69 = arith.index_cast %get3A_68 : i32 to index
      %get3A_70 = arith.index_cast %mul3A_56 : i32 to index
      %get3A_71 = tpu.vector_load %arg10[%get3A_69, %get3A_70] {strides = array<i32>} : memref<40x256xf32, #tpu.memory_space<vmem>>, vector<16xf32>,
      %exp3A = math.exp %get3A_71 : vector<16xf32>
      %gt3A = arith.cmpf ogt, %get3A_67, %get3A_57 : vector<16xf32>
      %select_n3A = arith.select %gt3A, %get3A_67, %get3A_57 : vector<16xi1>, vector<16xf32>
      %jit3A = arith.constant 960 : i32
      %broadcast_in_dim3A_72 = vector.broadcast %jit3A : i32 to vector<16xi32>
      %select_n3A_73 = arith.select %gt3A, %broadcast_in_dim3A_72, %get3A_59 : vector<16xi1>, vector<16xi32>
      %select_n3A_74 = arith.select %gt3A, %get3A_71, %get3A_61 : vector<16xi1>, vector<16xf32>
      %get3A_75 = arith.constant 1 : i32
      %get3A_76 = arith.index_cast %get3A_75 : i32 to index
      %get3A_77 = arith.index_cast %mul3A_56 : i32 to index
      %get3A_78 = tpu.vector_load %arg8[%get3A_76, %get3A_77] {strides = array<i32>} : memref<40x256xf32, #tpu.memory_space<vmem>>, vector<16xf32>,
      %get3A_79 = arith.constant 1 : i32
      %get3A_80 = arith.index_cast %get3A_79 : i32 to index
      %get3A_81 = arith.index_cast %mul3A_56 : i32 to index
      %get3A_82 = tpu.vector_load %arg10[%get3A_80, %get3A_81] {strides = array<i32>} : memref<40x256xf32, #tpu.memory_space<vmem>>, vector<16xf32>,
      %exp3A_83 = math.exp %get3A_82 : vector<16xf32>
      %gt3A_84 = arith.cmpf ogt, %get3A_78, %select_n3A : vector<16xf32>
      %select_n3A_85 = arith.select %gt3A_84, %get3A_78, %select_n3A : vector<16xi1>, vector<16xf32>
      %jit3A_86 = arith.constant 961 : i32
      %broadcast_in_dim3A_87 = vector.broadcast %jit3A_86 : i32 to vector<16xi32>
      %select_n3A_88 = arith.select %gt3A_84, %broadcast_in_dim3A_87, %select_n3A_73 : vector<16xi1>, vector<16xi32>
      %select_n3A_89 = arith.select %gt3A_84, %get3A_82, %select_n3A_74 : vector<16xi1>, vector<16xf32>
      %get3A_90 = arith.constant 2 : i32
      %get3A_91 = arith.index_cast %get3A_90 : i32 to index
      %get3A_92 = arith.index_cast %mul3A_56 : i32 to index
      %get3A_93 = tpu.vector_load %arg8[%get3A_91, %get3A_92] {strides = array<i32>} : memref<40x256xf32, #tpu.memory_space<vmem>>, vector<16xf32>,
      %get3A_94 = arith.constant 2 : i32
      %get3A_95 = arith.index_cast %get3A_94 : i32 to index
      %get3A_96 = arith.index_cast %mul3A_56 : i32 to index
      %get3A_97 = tpu.vector_load %arg10[%get3A_95, %get3A_96] {strides = array<i32>} : memref<40x256xf32, #tpu.memory_space<vmem>>, vector<16xf32>,
      %exp3A_98 = math.exp %get3A_97 : vector<16xf32>
      %gt3A_99 = arith.cmpf ogt, %get3A_93, %select_n3A_85 : vector<16xf32>
      %select_n3A_100 = arith.select %gt3A_99, %get3A_93, %select_n3A_85 : vector<16xi1>, vector<16xf32>
      %jit3A_101 = arith.constant 962 : i32
      %broadcast_in_dim3A_102 = vector.broadcast %jit3A_101 : i32 to vector<16xi32>
      %select_n3A_103 = arith.select %gt3A_99, %broadcast_in_dim3A_102, %select_n3A_88 : vector<16xi1>, vector<16xi32>
      %select_n3A_104 = arith.select %gt3A_99, %get3A_97, %select_n3A_89 : vector<16xi1>, vector<16xf32>
      %get3A_105 = arith.constant 3 : i32
      %get3A_106 = arith.index_cast %get3A_105 : i32 to index
      %get3A_107 = arith.index_cast %mul3A_56 : i32 to index
      %get3A_108 = tpu.vector_load %arg8[%get3A_106, %get3A_107] {strides = array<i32>} : memref<40x256xf32, #tpu.memory_space<vmem>>, vector<16xf32>,
      %get3A_109 = arith.constant 3 : i32
      %get3A_110 = arith.index_cast %get3A_109 : i32 to index
      %get3A_111 = arith.index_cast %mul3A_56 : i32 to index
      %get3A_112 = tpu.vector_load %arg10[%get3A_110, %get3A_111] {strides = array<i32>} : memref<40x256xf32, #tpu.memory_space<vmem>>, vector<16xf32>,
      %exp3A_113 = math.exp %get3A_112 : vector<16xf32>
      %gt3A_114 = arith.cmpf ogt, %get3A_108, %select_n3A_100 : vector<16xf32>
      %select_n3A_115 = arith.select %gt3A_114, %get3A_108, %select_n3A_100 : vector<16xi1>, vector<16xf32>
      %jit3A_116 = arith.constant 963 : i32
      %broadcast_in_dim3A_117 = vector.broadcast %jit3A_116 : i32 to vector<16xi32>
      %select_n3A_118 = arith.select %gt3A_114, %broadcast_in_dim3A_117, %select_n3A_103 : vector<16xi1>, vector<16xi32>
      %select_n3A_119 = arith.select %gt3A_114, %get3A_112, %select_n3A_104 : vector<16xi1>, vector<16xf32>
      %get3A_120 = arith.constant 4 : i32
      %get3A_121 = arith.index_cast %get3A_120 : i32 to index
      %get3A_122 = arith.index_cast %mul3A_56 : i32 to index
      %get3A_123 = tpu.vector_load %arg8[%get3A_121, %get3A_122] {strides = array<i32>} : memref<40x256xf32, #tpu.memory_space<vmem>>, vector<16xf32>,
      %get3A_124 = arith.constant 4 : i32
      %get3A_125 = arith.index_cast %get3A_124 : i32 to index
      %get3A_126 = arith.index_cast %mul3A_56 : i32 to index
      %get3A_127 = tpu.vector_load %arg10[%get3A_125, %get3A_126] {strides = array<i32>} : memref<40x256xf32, #tpu.memory_space<vmem>>, vector<16xf32>,
      %exp3A_128 = math.exp %get3A_127 : vector<16xf32>
      %gt3A_129 = arith.cmpf ogt, %get3A_123, %select_n3A_115 : vector<16xf32>
      %select_n3A_130 = arith.select %gt3A_129, %get3A_123, %select_n3A_115 : vector<16xi1>, vector<16xf32>
      %jit3A_131 = arith.constant 964 : i32
      %broadcast_in_dim3A_132 = vector.broadcast %jit3A_131 : i32 to vector<16xi32>
      %select_n3A_133 = arith.select %gt3A_129, %broadcast_in_dim3A_132, %select_n3A_118 : vector<16xi1>, vector<16xi32>
      %select_n3A_134 = arith.select %gt3A_129, %get3A_127, %select_n3A_119 : vector<16xi1>, vector<16xf32>
      %get3A_135 = arith.constant 5 : i32
      %get3A_136 = arith.index_cast %get3A_135 : i32 to index
      %get3A_137 = arith.index_cast %mul3A_56 : i32 to index
      %get3A_138 = tpu.vector_load %arg8[%get3A_136, %get3A_137] {strides = array<i32>} : memref<40x256xf32, #tpu.memory_space<vmem>>, vector<16xf32>,
      %get3A_139 = arith.constant 5 : i32
      %get3A_140 = arith.index_cast %get3A_139 : i32 to index
      %get3A_141 = arith.index_cast %mul3A_56 : i32 to index
      %get3A_142 = tpu.vector_load %arg10[%get3A_140, %get3A_141] {strides = array<i32>} : memref<40x256xf32, #tpu.memory_space<vmem>>, vector<16xf32>,
      %exp3A_143 = math.exp %get3A_142 : vector<16xf32>
      %gt3A_144 = arith.cmpf ogt, %get3A_138, %select_n3A_130 : vector<16xf32>
      %select_n3A_145 = arith.select %gt3A_144, %get3A_138, %select_n3A_130 : vector<16xi1>, vector<16xf32>
      %jit3A_146 = arith.constant 965 : i32
      %broadcast_in_dim3A_147 = vector.broadcast %jit3A_146 : i32 to vector<16xi32>
      %select_n3A_148 = arith.select %gt3A_144, %broadcast_in_dim3A_147, %select_n3A_133 : vector<16xi1>, vector<16xi32>
      %select_n3A_149 = arith.select %gt3A_144, %get3A_142, %select_n3A_134 : vector<16xi1>, vector<16xf32>
      %get3A_150 = arith.constant 6 : i32
      %get3A_151 = arith.index_cast %get3A_150 : i32 to index
      %get3A_152 = arith.index_cast %mul3A_56 : i32 to index
      %get3A_153 = tpu.vector_load %arg8[%get3A_151, %get3A_152] {strides = array<i32>} : memref<40x256xf32, #tpu.memory_space<vmem>>, vector<16xf32>,
      %get3A_154 = arith.constant 6 : i32
      %get3A_155 = arith.index_cast %get3A_154 : i32 to index
      %get3A_156 = arith.index_cast %mul3A_56 : i32 to index
      %get3A_157 = tpu.vector_load %arg10[%get3A_155, %get3A_156] {strides = array<i32>} : memref<40x256xf32, #tpu.memory_space<vmem>>, vector<16xf32>,
      %exp3A_158 = math.exp %get3A_157 : vector<16xf32>
      %gt3A_159 = arith.cmpf ogt, %get3A_153, %select_n3A_145 : vector<16xf32>
      %select_n3A_160 = arith.select %gt3A_159, %get3A_153, %select_n3A_145 : vector<16xi1>, vector<16xf32>
      %jit3A_161 = arith.constant 966 : i32
      %broadcast_in_dim3A_162 = vector.broadcast %jit3A_161 : i32 to vector<16xi32>
      %select_n3A_163 = arith.select %gt3A_159, %broadcast_in_dim3A_162, %select_n3A_148 : vector<16xi1>, vector<16xi32>
      %select_n3A_164 = arith.select %gt3A_159, %get3A_157, %select_n3A_149 : vector<16xi1>, vector<16xf32>
      %get3A_165 = arith.constant 7 : i32
      %get3A_166 = arith.index_cast %get3A_165 : i32 to index
      %get3A_167 = arith.index_cast %mul3A_56 : i32 to index
      %get3A_168 = tpu.vector_load %arg8[%get3A_166, %get3A_167] {strides = array<i32>} : memref<40x256xf32, #tpu.memory_space<vmem>>, vector<16xf32>,
      %get3A_169 = arith.constant 7 : i32
      %get3A_170 = arith.index_cast %get3A_169 : i32 to index
      %get3A_171 = arith.index_cast %mul3A_56 : i32 to index
      %get3A_172 = tpu.vector_load %arg10[%get3A_170, %get3A_171] {strides = array<i32>} : memref<40x256xf32, #tpu.memory_space<vmem>>, vector<16xf32>,
      %exp3A_173 = math.exp %get3A_172 : vector<16xf32>
      %gt3A_174 = arith.cmpf ogt, %get3A_168, %select_n3A_160 : vector<16xf32>
      %select_n3A_175 = arith.select %gt3A_174, %get3A_168, %select_n3A_160 : vector<16xi1>, vector<16xf32>
      %jit3A_176 = arith.constant 967 : i32
      %broadcast_in_dim3A_177 = vector.broadcast %jit3A_176 : i32 to vector<16xi32>
      %select_n3A_178 = arith.select %gt3A_174, %broadcast_in_dim3A_177, %select_n3A_163 : vector<16xi1>, vector<16xi32>
      %select_n3A_179 = arith.select %gt3A_174, %get3A_172, %select_n3A_164 : vector<16xi1>, vector<16xf32>
      %get3A_180 = arith.constant 8 : i32
      %get3A_181 = arith.index_cast %get3A_180 : i32 to index
      %get3A_182 = arith.index_cast %mul3A_56 : i32 to index
      %get3A_183 = tpu.vector_load %arg8[%get3A_181, %get3A_182] {strides = array<i32>} : memref<40x256xf32, #tpu.memory_space<vmem>>, vector<16xf32>,
      %get3A_184 = arith.constant 8 : i32
      %get3A_185 = arith.index_cast %get3A_184 : i32 to index
      %get3A_186 = arith.index_cast %mul3A_56 : i32 to index
      %get3A_187 = tpu.vector_load %arg10[%get3A_185, %get3A_186] {strides = array<i32>} : memref<40x256xf32, #tpu.memory_space<vmem>>, vector<16xf32>,
      %exp3A_188 = math.exp %get3A_187 : vector<16xf32>
      %gt3A_189 = arith.cmpf ogt, %get3A_183, %select_n3A_175 : vector<16xf32>
      %select_n3A_190 = arith.select %gt3A_189, %get3A_183, %select_n3A_175 : vector<16xi1>, vector<16xf32>
      %jit3A_191 = arith.constant 968 : i32
      %broadcast_in_dim3A_192 = vector.broadcast %jit3A_191 : i32 to vector<16xi32>
      %select_n3A_193 = arith.select %gt3A_189, %broadcast_in_dim3A_192, %select_n3A_178 : vector<16xi1>, vector<16xi32>
      %select_n3A_194 = arith.select %gt3A_189, %get3A_187, %select_n3A_179 : vector<16xi1>, vector<16xf32>
      %get3A_195 = arith.constant 9 : i32
      %get3A_196 = arith.index_cast %get3A_195 : i32 to index
      %get3A_197 = arith.index_cast %mul3A_56 : i32 to index
      %get3A_198 = tpu.vector_load %arg8[%get3A_196, %get3A_197] {strides = array<i32>} : memref<40x256xf32, #tpu.memory_space<vmem>>, vector<16xf32>,
      %get3A_199 = arith.constant 9 : i32
      %get3A_200 = arith.index_cast %get3A_199 : i32 to index
      %get3A_201 = arith.index_cast %mul3A_56 : i32 to index
      %get3A_202 = tpu.vector_load %arg10[%get3A_200, %get3A_201] {strides = array<i32>} : memref<40x256xf32, #tpu.memory_space<vmem>>, vector<16xf32>,
      %exp3A_203 = math.exp %get3A_202 : vector<16xf32>
      %gt3A_204 = arith.cmpf ogt, %get3A_198, %select_n3A_190 : vector<16xf32>
      %select_n3A_205 = arith.select %gt3A_204, %get3A_198, %select_n3A_190 : vector<16xi1>, vector<16xf32>
      %jit3A_206 = arith.constant 969 : i32
      %broadcast_in_dim3A_207 = vector.broadcast %jit3A_206 : i32 to vector<16xi32>
      %select_n3A_208 = arith.select %gt3A_204, %broadcast_in_dim3A_207, %select_n3A_193 : vector<16xi1>, vector<16xi32>
      %select_n3A_209 = arith.select %gt3A_204, %get3A_202, %select_n3A_194 : vector<16xi1>, vector<16xf32>
      %get3A_210 = arith.constant 10 : i32
      %get3A_211 = arith.index_cast %get3A_210 : i32 to index
      %get3A_212 = arith.index_cast %mul3A_56 : i32 to index
      %get3A_213 = tpu.vector_load %arg8[%get3A_211, %get3A_212] {strides = array<i32>} : memref<40x256xf32, #tpu.memory_space<vmem>>, vector<16xf32>,
      %get3A_214 = arith.constant 10 : i32
      %get3A_215 = arith.index_cast %get3A_214 : i32 to index
      %get3A_216 = arith.index_cast %mul3A_56 : i32 to index
      %get3A_217 = tpu.vector_load %arg10[%get3A_215, %get3A_216] {strides = array<i32>} : memref<40x256xf32, #tpu.memory_space<vmem>>, vector<16xf32>,
      %exp3A_218 = math.exp %get3A_217 : vector<16xf32>
      %gt3A_219 = arith.cmpf ogt, %get3A_213, %select_n3A_205 : vector<16xf32>
      %select_n3A_220 = arith.select %gt3A_219, %get3A_213, %select_n3A_205 : vector<16xi1>, vector<16xf32>
      %jit3A_221 = arith.constant 970 : i32
      %broadcast_in_dim3A_222 = vector.broadcast %jit3A_221 : i32 to vector<16xi32>
      %select_n3A_223 = arith.select %gt3A_219, %broadcast_in_dim3A_222, %select_n3A_208 : vector<16xi1>, vector<16xi32>
      %select_n3A_224 = arith.select %gt3A_219, %get3A_217, %select_n3A_209 : vector<16xi1>, vector<16xf32>
      %get3A_225 = arith.constant 11 : i32
      %get3A_226 = arith.index_cast %get3A_225 : i32 to index
      %get3A_227 = arith.index_cast %mul3A_56 : i32 to index
      %get3A_228 = tpu.vector_load %arg8[%get3A_226, %get3A_227] {strides = array<i32>} : memref<40x256xf32, #tpu.memory_space<vmem>>, vector<16xf32>,
      %get3A_229 = arith.constant 11 : i32
      %get3A_230 = arith.index_cast %get3A_229 : i32 to index
      %get3A_231 = arith.index_cast %mul3A_56 : i32 to index
      %get3A_232 = tpu.vector_load %arg10[%get3A_230, %get3A_231] {strides = array<i32>} : memref<40x256xf32, #tpu.memory_space<vmem>>, vector<16xf32>,
      %exp3A_233 = math.exp %get3A_232 : vector<16xf32>
      %gt3A_234 = arith.cmpf ogt, %get3A_228, %select_n3A_220 : vector<16xf32>
      %select_n3A_235 = arith.select %gt3A_234, %get3A_228, %select_n3A_220 : vector<16xi1>, vector<16xf32>
      %jit3A_236 = arith.constant 971 : i32
      %broadcast_in_dim3A_237 = vector.broadcast %jit3A_236 : i32 to vector<16xi32>
      %select_n3A_238 = arith.select %gt3A_234, %broadcast_in_dim3A_237, %select_n3A_223 : vector<16xi1>, vector<16xi32>
      %select_n3A_239 = arith.select %gt3A_234, %get3A_232, %select_n3A_224 : vector<16xi1>, vector<16xf32>
      %get3A_240 = arith.constant 12 : i32
      %get3A_241 = arith.index_cast %get3A_240 : i32 to index
      %get3A_242 = arith.index_cast %mul3A_56 : i32 to index
      %get3A_243 = tpu.vector_load %arg8[%get3A_241, %get3A_242] {strides = array<i32>} : memref<40x256xf32, #tpu.memory_space<vmem>>, vector<16xf32>,
      %get3A_244 = arith.constant 12 : i32
      %get3A_245 = arith.index_cast %get3A_244 : i32 to index
      %get3A_246 = arith.index_cast %mul3A_56 : i32 to index
      %get3A_247 = tpu.vector_load %arg10[%get3A_245, %get3A_246] {strides = array<i32>} : memref<40x256xf32, #tpu.memory_space<vmem>>, vector<16xf32>,
      %exp3A_248 = math.exp %get3A_247 : vector<16xf32>
      %gt3A_249 = arith.cmpf ogt, %get3A_243, %select_n3A_235 : vector<16xf32>
      %select_n3A_250 = arith.select %gt3A_249, %get3A_243, %select_n3A_235 : vector<16xi1>, vector<16xf32>
      %jit3A_251 = arith.constant 972 : i32
      %broadcast_in_dim3A_252 = vector.broadcast %jit3A_251 : i32 to vector<16xi32>
      %select_n3A_253 = arith.select %gt3A_249, %broadcast_in_dim3A_252, %select_n3A_238 : vector<16xi1>, vector<16xi32>
      %select_n3A_254 = arith.select %gt3A_249, %get3A_247, %select_n3A_239 : vector<16xi1>, vector<16xf32>
      %get3A_255 = arith.constant 13 : i32
      %get3A_256 = arith.index_cast %get3A_255 : i32 to index
      %get3A_257 = arith.index_cast %mul3A_56 : i32 to index
      %get3A_258 = tpu.vector_load %arg8[%get3A_256, %get3A_257] {strides = array<i32>} : memref<40x256xf32, #tpu.memory_space<vmem>>, vector<16xf32>,
      %get3A_259 = arith.constant 13 : i32
      %get3A_260 = arith.index_cast %get3A_259 : i32 to index
      %get3A_261 = arith.index_cast %mul3A_56 : i32 to index
      %get3A_262 = tpu.vector_load %arg10[%get3A_260, %get3A_261] {strides = array<i32>} : memref<40x256xf32, #tpu.memory_space<vmem>>, vector<16xf32>,
      %exp3A_263 = math.exp %get3A_262 : vector<16xf32>
      %gt3A_264 = arith.cmpf ogt, %get3A_258, %select_n3A_250 : vector<16xf32>
      %select_n3A_265 = arith.select %gt3A_264, %get3A_258, %select_n3A_250 : vector<16xi1>, vector<16xf32>
      %jit3A_266 = arith.constant 973 : i32
      %broadcast_in_dim3A_267 = vector.broadcast %jit3A_266 : i32 to vector<16xi32>
      %select_n3A_268 = arith.select %gt3A_264, %broadcast_in_dim3A_267, %select_n3A_253 : vector<16xi1>, vector<16xi32>
      %select_n3A_269 = arith.select %gt3A_264, %get3A_262, %select_n3A_254 : vector<16xi1>, vector<16xf32>
      %get3A_270 = arith.constant 14 : i32
      %get3A_271 = arith.index_cast %get3A_270 : i32 to index
      %get3A_272 = arith.index_cast %mul3A_56 : i32 to index
      %get3A_273 = tpu.vector_load %arg8[%get3A_271, %get3A_272] {strides = array<i32>} : memref<40x256xf32, #tpu.memory_space<vmem>>, vector<16xf32>,
      %get3A_274 = arith.constant 14 : i32
      %get3A_275 = arith.index_cast %get3A_274 : i32 to index
      %get3A_276 = arith.index_cast %mul3A_56 : i32 to index
      %get3A_277 = tpu.vector_load %arg10[%get3A_275, %get3A_276] {strides = array<i32>} : memref<40x256xf32, #tpu.memory_space<vmem>>, vector<16xf32>,
      %exp3A_278 = math.exp %get3A_277 : vector<16xf32>
      %gt3A_279 = arith.cmpf ogt, %get3A_273, %select_n3A_265 : vector<16xf32>
      %select_n3A_280 = arith.select %gt3A_279, %get3A_273, %select_n3A_265 : vector<16xi1>, vector<16xf32>
      %jit3A_281 = arith.constant 974 : i32
      %broadcast_in_dim3A_282 = vector.broadcast %jit3A_281 : i32 to vector<16xi32>
      %select_n3A_283 = arith.select %gt3A_279, %broadcast_in_dim3A_282, %select_n3A_268 : vector<16xi1>, vector<16xi32>
      %select_n3A_284 = arith.select %gt3A_279, %get3A_277, %select_n3A_269 : vector<16xi1>, vector<16xf32>
      %get3A_285 = arith.constant 15 : i32
      %get3A_286 = arith.index_cast %get3A_285 : i32 to index
      %get3A_287 = arith.index_cast %mul3A_56 : i32 to index
      %get3A_288 = tpu.vector_load %arg8[%get3A_286, %get3A_287] {strides = array<i32>} : memref<40x256xf32, #tpu.memory_space<vmem>>, vector<16xf32>,
      %get3A_289 = arith.constant 15 : i32
      %get3A_290 = arith.index_cast %get3A_289 : i32 to index
      %get3A_291 = arith.index_cast %mul3A_56 : i32 to index
      %get3A_292 = tpu.vector_load %arg10[%get3A_290, %get3A_291] {strides = array<i32>} : memref<40x256xf32, #tpu.memory_space<vmem>>, vector<16xf32>,
      %exp3A_293 = math.exp %get3A_292 : vector<16xf32>
      %gt3A_294 = arith.cmpf ogt, %get3A_288, %select_n3A_280 : vector<16xf32>
      %select_n3A_295 = arith.select %gt3A_294, %get3A_288, %select_n3A_280 : vector<16xi1>, vector<16xf32>
      %jit3A_296 = arith.constant 975 : i32
      %broadcast_in_dim3A_297 = vector.broadcast %jit3A_296 : i32 to vector<16xi32>
      %select_n3A_298 = arith.select %gt3A_294, %broadcast_in_dim3A_297, %select_n3A_283 : vector<16xi1>, vector<16xi32>
      %select_n3A_299 = arith.select %gt3A_294, %get3A_292, %select_n3A_284 : vector<16xi1>, vector<16xf32>
      %get3A_300 = arith.constant 16 : i32
      %get3A_301 = arith.index_cast %get3A_300 : i32 to index
      %get3A_302 = arith.index_cast %mul3A_56 : i32 to index
      %get3A_303 = tpu.vector_load %arg8[%get3A_301, %get3A_302] {strides = array<i32>} : memref<40x256xf32, #tpu.memory_space<vmem>>, vector<16xf32>,
      %get3A_304 = arith.constant 16 : i32
      %get3A_305 = arith.index_cast %get3A_304 : i32 to index
      %get3A_306 = arith.index_cast %mul3A_56 : i32 to index
      %get3A_307 = tpu.vector_load %arg10[%get3A_305, %get3A_306] {strides = array<i32>} : memref<40x256xf32, #tpu.memory_space<vmem>>, vector<16xf32>,
      %exp3A_308 = math.exp %get3A_307 : vector<16xf32>
      %gt3A_309 = arith.cmpf ogt, %get3A_303, %select_n3A_295 : vector<16xf32>
      %select_n3A_310 = arith.select %gt3A_309, %get3A_303, %select_n3A_295 : vector<16xi1>, vector<16xf32>
      %jit3A_311 = arith.constant 976 : i32
      %broadcast_in_dim3A_312 = vector.broadcast %jit3A_311 : i32 to vector<16xi32>
      %select_n3A_313 = arith.select %gt3A_309, %broadcast_in_dim3A_312, %select_n3A_298 : vector<16xi1>, vector<16xi32>
      %select_n3A_314 = arith.select %gt3A_309, %get3A_307, %select_n3A_299 : vector<16xi1>, vector<16xf32>
      %get3A_315 = arith.constant 17 : i32
      %get3A_316 = arith.index_cast %get3A_315 : i32 to index
      %get3A_317 = arith.index_cast %mul3A_56 : i32 to index
      %get3A_318 = tpu.vector_load %arg8[%get3A_316, %get3A_317] {strides = array<i32>} : memref<40x256xf32, #tpu.memory_space<vmem>>, vector<16xf32>,
      %get3A_319 = arith.constant 17 : i32
      %get3A_320 = arith.index_cast %get3A_319 : i32 to index
      %get3A_321 = arith.index_cast %mul3A_56 : i32 to index
      %get3A_322 = tpu.vector_load %arg10[%get3A_320, %get3A_321] {strides = array<i32>} : memref<40x256xf32, #tpu.memory_space<vmem>>, vector<16xf32>,
      %exp3A_323 = math.exp %get3A_322 : vector<16xf32>
      %gt3A_324 = arith.cmpf ogt, %get3A_318, %select_n3A_310 : vector<16xf32>
      %select_n3A_325 = arith.select %gt3A_324, %get3A_318, %select_n3A_310 : vector<16xi1>, vector<16xf32>
      %jit3A_326 = arith.constant 977 : i32
      %broadcast_in_dim3A_327 = vector.broadcast %jit3A_326 : i32 to vector<16xi32>
      %select_n3A_328 = arith.select %gt3A_324, %broadcast_in_dim3A_327, %select_n3A_313 : vector<16xi1>, vector<16xi32>
      %select_n3A_329 = arith.select %gt3A_324, %get3A_322, %select_n3A_314 : vector<16xi1>, vector<16xf32>
      %get3A_330 = arith.constant 18 : i32
      %get3A_331 = arith.index_cast %get3A_330 : i32 to index
      %get3A_332 = arith.index_cast %mul3A_56 : i32 to index
      %get3A_333 = tpu.vector_load %arg8[%get3A_331, %get3A_332] {strides = array<i32>} : memref<40x256xf32, #tpu.memory_space<vmem>>, vector<16xf32>,
      %get3A_334 = arith.constant 18 : i32
      %get3A_335 = arith.index_cast %get3A_334 : i32 to index
      %get3A_336 = arith.index_cast %mul3A_56 : i32 to index
      %get3A_337 = tpu.vector_load %arg10[%get3A_335, %get3A_336] {strides = array<i32>} : memref<40x256xf32, #tpu.memory_space<vmem>>, vector<16xf32>,
      %exp3A_338 = math.exp %get3A_337 : vector<16xf32>
      %gt3A_339 = arith.cmpf ogt, %get3A_333, %select_n3A_325 : vector<16xf32>
      %select_n3A_340 = arith.select %gt3A_339, %get3A_333, %select_n3A_325 : vector<16xi1>, vector<16xf32>
      %jit3A_341 = arith.constant 978 : i32
      %broadcast_in_dim3A_342 = vector.broadcast %jit3A_341 : i32 to vector<16xi32>
      %select_n3A_343 = arith.select %gt3A_339, %broadcast_in_dim3A_342, %select_n3A_328 : vector<16xi1>, vector<16xi32>
      %select_n3A_344 = arith.select %gt3A_339, %get3A_337, %select_n3A_329 : vector<16xi1>, vector<16xf32>
      %get3A_345 = arith.constant 19 : i32
      %get3A_346 = arith.index_cast %get3A_345 : i32 to index
      %get3A_347 = arith.index_cast %mul3A_56 : i32 to index
      %get3A_348 = tpu.vector_load %arg8[%get3A_346, %get3A_347] {strides = array<i32>} : memref<40x256xf32, #tpu.memory_space<vmem>>, vector<16xf32>,
      %get3A_349 = arith.constant 19 : i32
      %get3A_350 = arith.index_cast %get3A_349 : i32 to index
      %get3A_351 = arith.index_cast %mul3A_56 : i32 to index
      %get3A_352 = tpu.vector_load %arg10[%get3A_350, %get3A_351] {strides = array<i32>} : memref<40x256xf32, #tpu.memory_space<vmem>>, vector<16xf32>,
      %exp3A_353 = math.exp %get3A_352 : vector<16xf32>
      %gt3A_354 = arith.cmpf ogt, %get3A_348, %select_n3A_340 : vector<16xf32>
      %select_n3A_355 = arith.select %gt3A_354, %get3A_348, %select_n3A_340 : vector<16xi1>, vector<16xf32>
      %jit3A_356 = arith.constant 979 : i32
      %broadcast_in_dim3A_357 = vector.broadcast %jit3A_356 : i32 to vector<16xi32>
      %select_n3A_358 = arith.select %gt3A_354, %broadcast_in_dim3A_357, %select_n3A_343 : vector<16xi1>, vector<16xi32>
      %select_n3A_359 = arith.select %gt3A_354, %get3A_352, %select_n3A_344 : vector<16xi1>, vector<16xf32>
      %get3A_360 = arith.constant 20 : i32
      %get3A_361 = arith.index_cast %get3A_360 : i32 to index
      %get3A_362 = arith.index_cast %mul3A_56 : i32 to index
      %get3A_363 = tpu.vector_load %arg8[%get3A_361, %get3A_362] {strides = array<i32>} : memref<40x256xf32, #tpu.memory_space<vmem>>, vector<16xf32>,
      %get3A_364 = arith.constant 20 : i32
      %get3A_365 = arith.index_cast %get3A_364 : i32 to index
      %get3A_366 = arith.index_cast %mul3A_56 : i32 to index
      %get3A_367 = tpu.vector_load %arg10[%get3A_365, %get3A_366] {strides = array<i32>} : memref<40x256xf32, #tpu.memory_space<vmem>>, vector<16xf32>,
      %exp3A_368 = math.exp %get3A_367 : vector<16xf32>
      %gt3A_369 = arith.cmpf ogt, %get3A_363, %select_n3A_355 : vector<16xf32>
      %select_n3A_370 = arith.select %gt3A_369, %get3A_363, %select_n3A_355 : vector<16xi1>, vector<16xf32>
      %jit3A_371 = arith.constant 980 : i32
      %broadcast_in_dim3A_372 = vector.broadcast %jit3A_371 : i32 to vector<16xi32>
      %select_n3A_373 = arith.select %gt3A_369, %broadcast_in_dim3A_372, %select_n3A_358 : vector<16xi1>, vector<16xi32>
      %select_n3A_374 = arith.select %gt3A_369, %get3A_367, %select_n3A_359 : vector<16xi1>, vector<16xf32>
      %get3A_375 = arith.constant 21 : i32
      %get3A_376 = arith.index_cast %get3A_375 : i32 to index
      %get3A_377 = arith.index_cast %mul3A_56 : i32 to index
      %get3A_378 = tpu.vector_load %arg8[%get3A_376, %get3A_377] {strides = array<i32>} : memref<40x256xf32, #tpu.memory_space<vmem>>, vector<16xf32>,
      %get3A_379 = arith.constant 21 : i32
      %get3A_380 = arith.index_cast %get3A_379 : i32 to index
      %get3A_381 = arith.index_cast %mul3A_56 : i32 to index
      %get3A_382 = tpu.vector_load %arg10[%get3A_380, %get3A_381] {strides = array<i32>} : memref<40x256xf32, #tpu.memory_space<vmem>>, vector<16xf32>,
      %exp3A_383 = math.exp %get3A_382 : vector<16xf32>
      %gt3A_384 = arith.cmpf ogt, %get3A_378, %select_n3A_370 : vector<16xf32>
      %select_n3A_385 = arith.select %gt3A_384, %get3A_378, %select_n3A_370 : vector<16xi1>, vector<16xf32>
      %jit3A_386 = arith.constant 981 : i32
      %broadcast_in_dim3A_387 = vector.broadcast %jit3A_386 : i32 to vector<16xi32>
      %select_n3A_388 = arith.select %gt3A_384, %broadcast_in_dim3A_387, %select_n3A_373 : vector<16xi1>, vector<16xi32>
      %select_n3A_389 = arith.select %gt3A_384, %get3A_382, %select_n3A_374 : vector<16xi1>, vector<16xf32>
      %get3A_390 = arith.constant 22 : i32
      %get3A_391 = arith.index_cast %get3A_390 : i32 to index
      %get3A_392 = arith.index_cast %mul3A_56 : i32 to index
      %get3A_393 = tpu.vector_load %arg8[%get3A_391, %get3A_392] {strides = array<i32>} : memref<40x256xf32, #tpu.memory_space<vmem>>, vector<16xf32>,
      %get3A_394 = arith.constant 22 : i32
      %get3A_395 = arith.index_cast %get3A_394 : i32 to index
      %get3A_396 = arith.index_cast %mul3A_56 : i32 to index
      %get3A_397 = tpu.vector_load %arg10[%get3A_395, %get3A_396] {strides = array<i32>} : memref<40x256xf32, #tpu.memory_space<vmem>>, vector<16xf32>,
      %exp3A_398 = math.exp %get3A_397 : vector<16xf32>
      %gt3A_399 = arith.cmpf ogt, %get3A_393, %select_n3A_385 : vector<16xf32>
      %select_n3A_400 = arith.select %gt3A_399, %get3A_393, %select_n3A_385 : vector<16xi1>, vector<16xf32>
      %jit3A_401 = arith.constant 982 : i32
      %broadcast_in_dim3A_402 = vector.broadcast %jit3A_401 : i32 to vector<16xi32>
      %select_n3A_403 = arith.select %gt3A_399, %broadcast_in_dim3A_402, %select_n3A_388 : vector<16xi1>, vector<16xi32>
      %select_n3A_404 = arith.select %gt3A_399, %get3A_397, %select_n3A_389 : vector<16xi1>, vector<16xf32>
      %get3A_405 = arith.constant 23 : i32
      %get3A_406 = arith.index_cast %get3A_405 : i32 to index
      %get3A_407 = arith.index_cast %mul3A_56 : i32 to index
      %get3A_408 = tpu.vector_load %arg8[%get3A_406, %get3A_407] {strides = array<i32>} : memref<40x256xf32, #tpu.memory_space<vmem>>, vector<16xf32>,
      %get3A_409 = arith.constant 23 : i32
      %get3A_410 = arith.index_cast %get3A_409 : i32 to index
      %get3A_411 = arith.index_cast %mul3A_56 : i32 to index
      %get3A_412 = tpu.vector_load %arg10[%get3A_410, %get3A_411] {strides = array<i32>} : memref<40x256xf32, #tpu.memory_space<vmem>>, vector<16xf32>,
      %exp3A_413 = math.exp %get3A_412 : vector<16xf32>
      %gt3A_414 = arith.cmpf ogt, %get3A_408, %select_n3A_400 : vector<16xf32>
      %select_n3A_415 = arith.select %gt3A_414, %get3A_408, %select_n3A_400 : vector<16xi1>, vector<16xf32>
      %jit3A_416 = arith.constant 983 : i32
      %broadcast_in_dim3A_417 = vector.broadcast %jit3A_416 : i32 to vector<16xi32>
      %select_n3A_418 = arith.select %gt3A_414, %broadcast_in_dim3A_417, %select_n3A_403 : vector<16xi1>, vector<16xi32>
      %select_n3A_419 = arith.select %gt3A_414, %get3A_412, %select_n3A_404 : vector<16xi1>, vector<16xf32>
      %get3A_420 = arith.constant 24 : i32
      %get3A_421 = arith.index_cast %get3A_420 : i32 to index
      %get3A_422 = arith.index_cast %mul3A_56 : i32 to index
      %get3A_423 = tpu.vector_load %arg8[%get3A_421, %get3A_422] {strides = array<i32>} : memref<40x256xf32, #tpu.memory_space<vmem>>, vector<16xf32>,
      %get3A_424 = arith.constant 24 : i32
      %get3A_425 = arith.index_cast %get3A_424 : i32 to index
      %get3A_426 = arith.index_cast %mul3A_56 : i32 to index
      %get3A_427 = tpu.vector_load %arg10[%get3A_425, %get3A_426] {strides = array<i32>} : memref<40x256xf32, #tpu.memory_space<vmem>>, vector<16xf32>,
      %exp3A_428 = math.exp %get3A_427 : vector<16xf32>
      %gt3A_429 = arith.cmpf ogt, %get3A_423, %select_n3A_415 : vector<16xf32>
      %select_n3A_430 = arith.select %gt3A_429, %get3A_423, %select_n3A_415 : vector<16xi1>, vector<16xf32>
      %jit3A_431 = arith.constant 984 : i32
      %broadcast_in_dim3A_432 = vector.broadcast %jit3A_431 : i32 to vector<16xi32>
      %select_n3A_433 = arith.select %gt3A_429, %broadcast_in_dim3A_432, %select_n3A_418 : vector<16xi1>, vector<16xi32>
      %select_n3A_434 = arith.select %gt3A_429, %get3A_427, %select_n3A_419 : vector<16xi1>, vector<16xf32>
      %get3A_435 = arith.constant 25 : i32
      %get3A_436 = arith.index_cast %get3A_435 : i32 to index
      %get3A_437 = arith.index_cast %mul3A_56 : i32 to index
      %get3A_438 = tpu.vector_load %arg8[%get3A_436, %get3A_437] {strides = array<i32>} : memref<40x256xf32, #tpu.memory_space<vmem>>, vector<16xf32>,
      %get3A_439 = arith.constant 25 : i32
      %get3A_440 = arith.index_cast %get3A_439 : i32 to index
      %get3A_441 = arith.index_cast %mul3A_56 : i32 to index
      %get3A_442 = tpu.vector_load %arg10[%get3A_440, %get3A_441] {strides = array<i32>} : memref<40x256xf32, #tpu.memory_space<vmem>>, vector<16xf32>,
      %exp3A_443 = math.exp %get3A_442 : vector<16xf32>
      %gt3A_444 = arith.cmpf ogt, %get3A_438, %select_n3A_430 : vector<16xf32>
      %select_n3A_445 = arith.select %gt3A_444, %get3A_438, %select_n3A_430 : vector<16xi1>, vector<16xf32>
      %jit3A_446 = arith.constant 985 : i32
      %broadcast_in_dim3A_447 = vector.broadcast %jit3A_446 : i32 to vector<16xi32>
      %select_n3A_448 = arith.select %gt3A_444, %broadcast_in_dim3A_447, %select_n3A_433 : vector<16xi1>, vector<16xi32>
      %select_n3A_449 = arith.select %gt3A_444, %get3A_442, %select_n3A_434 : vector<16xi1>, vector<16xf32>
      %get3A_450 = arith.constant 26 : i32
      %get3A_451 = arith.index_cast %get3A_450 : i32 to index
      %get3A_452 = arith.index_cast %mul3A_56 : i32 to index
      %get3A_453 = tpu.vector_load %arg8[%get3A_451, %get3A_452] {strides = array<i32>} : memref<40x256xf32, #tpu.memory_space<vmem>>, vector<16xf32>,
      %get3A_454 = arith.constant 26 : i32
      %get3A_455 = arith.index_cast %get3A_454 : i32 to index
      %get3A_456 = arith.index_cast %mul3A_56 : i32 to index
      %get3A_457 = tpu.vector_load %arg10[%get3A_455, %get3A_456] {strides = array<i32>} : memref<40x256xf32, #tpu.memory_space<vmem>>, vector<16xf32>,
      %exp3A_458 = math.exp %get3A_457 : vector<16xf32>
      %gt3A_459 = arith.cmpf ogt, %get3A_453, %select_n3A_445 : vector<16xf32>
      %select_n3A_460 = arith.select %gt3A_459, %get3A_453, %select_n3A_445 : vector<16xi1>, vector<16xf32>
      %jit3A_461 = arith.constant 986 : i32
      %broadcast_in_dim3A_462 = vector.broadcast %jit3A_461 : i32 to vector<16xi32>
      %select_n3A_463 = arith.select %gt3A_459, %broadcast_in_dim3A_462, %select_n3A_448 : vector<16xi1>, vector<16xi32>
      %select_n3A_464 = arith.select %gt3A_459, %get3A_457, %select_n3A_449 : vector<16xi1>, vector<16xf32>
      %get3A_465 = arith.constant 27 : i32
      %get3A_466 = arith.index_cast %get3A_465 : i32 to index
      %get3A_467 = arith.index_cast %mul3A_56 : i32 to index
      %get3A_468 = tpu.vector_load %arg8[%get3A_466, %get3A_467] {strides = array<i32>} : memref<40x256xf32, #tpu.memory_space<vmem>>, vector<16xf32>,
      %get3A_469 = arith.constant 27 : i32
      %get3A_470 = arith.index_cast %get3A_469 : i32 to index
      %get3A_471 = arith.index_cast %mul3A_56 : i32 to index
      %get3A_472 = tpu.vector_load %arg10[%get3A_470, %get3A_471] {strides = array<i32>} : memref<40x256xf32, #tpu.memory_space<vmem>>, vector<16xf32>,
      %exp3A_473 = math.exp %get3A_472 : vector<16xf32>
      %gt3A_474 = arith.cmpf ogt, %get3A_468, %select_n3A_460 : vector<16xf32>
      %select_n3A_475 = arith.select %gt3A_474, %get3A_468, %select_n3A_460 : vector<16xi1>, vector<16xf32>
      %jit3A_476 = arith.constant 987 : i32
      %broadcast_in_dim3A_477 = vector.broadcast %jit3A_476 : i32 to vector<16xi32>
      %select_n3A_478 = arith.select %gt3A_474, %broadcast_in_dim3A_477, %select_n3A_463 : vector<16xi1>, vector<16xi32>
      %select_n3A_479 = arith.select %gt3A_474, %get3A_472, %select_n3A_464 : vector<16xi1>, vector<16xf32>
      %get3A_480 = arith.constant 28 : i32
      %get3A_481 = arith.index_cast %get3A_480 : i32 to index
      %get3A_482 = arith.index_cast %mul3A_56 : i32 to index
      %get3A_483 = tpu.vector_load %arg8[%get3A_481, %get3A_482] {strides = array<i32>} : memref<40x256xf32, #tpu.memory_space<vmem>>, vector<16xf32>,
      %get3A_484 = arith.constant 28 : i32
      %get3A_485 = arith.index_cast %get3A_484 : i32 to index
      %get3A_486 = arith.index_cast %mul3A_56 : i32 to index
      %get3A_487 = tpu.vector_load %arg10[%get3A_485, %get3A_486] {strides = array<i32>} : memref<40x256xf32, #tpu.memory_space<vmem>>, vector<16xf32>,
      %exp3A_488 = math.exp %get3A_487 : vector<16xf32>
      %gt3A_489 = arith.cmpf ogt, %get3A_483, %select_n3A_475 : vector<16xf32>
      %select_n3A_490 = arith.select %gt3A_489, %get3A_483, %select_n3A_475 : vector<16xi1>, vector<16xf32>
      %jit3A_491 = arith.constant 988 : i32
      %broadcast_in_dim3A_492 = vector.broadcast %jit3A_491 : i32 to vector<16xi32>
      %select_n3A_493 = arith.select %gt3A_489, %broadcast_in_dim3A_492, %select_n3A_478 : vector<16xi1>, vector<16xi32>
      %select_n3A_494 = arith.select %gt3A_489, %get3A_487, %select_n3A_479 : vector<16xi1>, vector<16xf32>
      %get3A_495 = arith.constant 29 : i32
      %get3A_496 = arith.index_cast %get3A_495 : i32 to index
      %get3A_497 = arith.index_cast %mul3A_56 : i32 to index
      %get3A_498 = tpu.vector_load %arg8[%get3A_496, %get3A_497] {strides = array<i32>} : memref<40x256xf32, #tpu.memory_space<vmem>>, vector<16xf32>,
      %get3A_499 = arith.constant 29 : i32
      %get3A_500 = arith.index_cast %get3A_499 : i32 to index
      %get3A_501 = arith.index_cast %mul3A_56 : i32 to index
      %get3A_502 = tpu.vector_load %arg10[%get3A_500, %get3A_501] {strides = array<i32>} : memref<40x256xf32, #tpu.memory_space<vmem>>, vector<16xf32>,
      %exp3A_503 = math.exp %get3A_502 : vector<16xf32>
      %gt3A_504 = arith.cmpf ogt, %get3A_498, %select_n3A_490 : vector<16xf32>
      %select_n3A_505 = arith.select %gt3A_504, %get3A_498, %select_n3A_490 : vector<16xi1>, vector<16xf32>
      %jit3A_506 = arith.constant 989 : i32
      %broadcast_in_dim3A_507 = vector.broadcast %jit3A_506 : i32 to vector<16xi32>
      %select_n3A_508 = arith.select %gt3A_504, %broadcast_in_dim3A_507, %select_n3A_493 : vector<16xi1>, vector<16xi32>
      %select_n3A_509 = arith.select %gt3A_504, %get3A_502, %select_n3A_494 : vector<16xi1>, vector<16xf32>
      %get3A_510 = arith.constant 30 : i32
      %get3A_511 = arith.index_cast %get3A_510 : i32 to index
      %get3A_512 = arith.index_cast %mul3A_56 : i32 to index
      %get3A_513 = tpu.vector_load %arg8[%get3A_511, %get3A_512] {strides = array<i32>} : memref<40x256xf32, #tpu.memory_space<vmem>>, vector<16xf32>,
      %get3A_514 = arith.constant 30 : i32
      %get3A_515 = arith.index_cast %get3A_514 : i32 to index
      %get3A_516 = arith.index_cast %mul3A_56 : i32 to index
      %get3A_517 = tpu.vector_load %arg10[%get3A_515, %get3A_516] {strides = array<i32>} : memref<40x256xf32, #tpu.memory_space<vmem>>, vector<16xf32>,
      %exp3A_518 = math.exp %get3A_517 : vector<16xf32>
      %gt3A_519 = arith.cmpf ogt, %get3A_513, %select_n3A_505 : vector<16xf32>
      %select_n3A_520 = arith.select %gt3A_519, %get3A_513, %select_n3A_505 : vector<16xi1>, vector<16xf32>
      %jit3A_521 = arith.constant 990 : i32
      %broadcast_in_dim3A_522 = vector.broadcast %jit3A_521 : i32 to vector<16xi32>
      %select_n3A_523 = arith.select %gt3A_519, %broadcast_in_dim3A_522, %select_n3A_508 : vector<16xi1>, vector<16xi32>
      %select_n3A_524 = arith.select %gt3A_519, %get3A_517, %select_n3A_509 : vector<16xi1>, vector<16xf32>
      %get3A_525 = arith.constant 31 : i32
      %get3A_526 = arith.index_cast %get3A_525 : i32 to index
      %get3A_527 = arith.index_cast %mul3A_56 : i32 to index
      %get3A_528 = tpu.vector_load %arg8[%get3A_526, %get3A_527] {strides = array<i32>} : memref<40x256xf32, #tpu.memory_space<vmem>>, vector<16xf32>,
      %get3A_529 = arith.constant 31 : i32
      %get3A_530 = arith.index_cast %get3A_529 : i32 to index
      %get3A_531 = arith.index_cast %mul3A_56 : i32 to index
      %get3A_532 = tpu.vector_load %arg10[%get3A_530, %get3A_531] {strides = array<i32>} : memref<40x256xf32, #tpu.memory_space<vmem>>, vector<16xf32>,
      %exp3A_533 = math.exp %get3A_532 : vector<16xf32>
      %gt3A_534 = arith.cmpf ogt, %get3A_528, %select_n3A_520 : vector<16xf32>
      %select_n3A_535 = arith.select %gt3A_534, %get3A_528, %select_n3A_520 : vector<16xi1>, vector<16xf32>
      %jit3A_536 = arith.constant 991 : i32
      %broadcast_in_dim3A_537 = vector.broadcast %jit3A_536 : i32 to vector<16xi32>
      %select_n3A_538 = arith.select %gt3A_534, %broadcast_in_dim3A_537, %select_n3A_523 : vector<16xi1>, vector<16xi32>
      %select_n3A_539 = arith.select %gt3A_534, %get3A_532, %select_n3A_524 : vector<16xi1>, vector<16xf32>
      %get3A_540 = arith.constant 32 : i32
      %get3A_541 = arith.index_cast %get3A_540 : i32 to index
      %get3A_542 = arith.index_cast %mul3A_56 : i32 to index
      %get3A_543 = tpu.vector_load %arg8[%get3A_541, %get3A_542] {strides = array<i32>} : memref<40x256xf32, #tpu.memory_space<vmem>>, vector<16xf32>,
      %get3A_544 = arith.constant 32 : i32
      %get3A_545 = arith.index_cast %get3A_544 : i32 to index
      %get3A_546 = arith.index_cast %mul3A_56 : i32 to index
      %get3A_547 = tpu.vector_load %arg10[%get3A_545, %get3A_546] {strides = array<i32>} : memref<40x256xf32, #tpu.memory_space<vmem>>, vector<16xf32>,
      %exp3A_548 = math.exp %get3A_547 : vector<16xf32>
      %gt3A_549 = arith.cmpf ogt, %get3A_543, %select_n3A_535 : vector<16xf32>
      %select_n3A_550 = arith.select %gt3A_549, %get3A_543, %select_n3A_535 : vector<16xi1>, vector<16xf32>
      %jit3A_551 = arith.constant 992 : i32
      %broadcast_in_dim3A_552 = vector.broadcast %jit3A_551 : i32 to vector<16xi32>
      %select_n3A_553 = arith.select %gt3A_549, %broadcast_in_dim3A_552, %select_n3A_538 : vector<16xi1>, vector<16xi32>
      %select_n3A_554 = arith.select %gt3A_549, %get3A_547, %select_n3A_539 : vector<16xi1>, vector<16xf32>
      %get3A_555 = arith.constant 33 : i32
      %get3A_556 = arith.index_cast %get3A_555 : i32 to index
      %get3A_557 = arith.index_cast %mul3A_56 : i32 to index
      %get3A_558 = tpu.vector_load %arg8[%get3A_556, %get3A_557] {strides = array<i32>} : memref<40x256xf32, #tpu.memory_space<vmem>>, vector<16xf32>,
      %get3A_559 = arith.constant 33 : i32
      %get3A_560 = arith.index_cast %get3A_559 : i32 to index
      %get3A_561 = arith.index_cast %mul3A_56 : i32 to index
      %get3A_562 = tpu.vector_load %arg10[%get3A_560, %get3A_561] {strides = array<i32>} : memref<40x256xf32, #tpu.memory_space<vmem>>, vector<16xf32>,
      %exp3A_563 = math.exp %get3A_562 : vector<16xf32>
      %gt3A_564 = arith.cmpf ogt, %get3A_558, %select_n3A_550 : vector<16xf32>
      %select_n3A_565 = arith.select %gt3A_564, %get3A_558, %select_n3A_550 : vector<16xi1>, vector<16xf32>
      %jit3A_566 = arith.constant 993 : i32
      %broadcast_in_dim3A_567 = vector.broadcast %jit3A_566 : i32 to vector<16xi32>
      %select_n3A_568 = arith.select %gt3A_564, %broadcast_in_dim3A_567, %select_n3A_553 : vector<16xi1>, vector<16xi32>
      %select_n3A_569 = arith.select %gt3A_564, %get3A_562, %select_n3A_554 : vector<16xi1>, vector<16xf32>
      %get3A_570 = arith.constant 34 : i32
      %get3A_571 = arith.index_cast %get3A_570 : i32 to index
      %get3A_572 = arith.index_cast %mul3A_56 : i32 to index
      %get3A_573 = tpu.vector_load %arg8[%get3A_571, %get3A_572] {strides = array<i32>} : memref<40x256xf32, #tpu.memory_space<vmem>>, vector<16xf32>,
      %get3A_574 = arith.constant 34 : i32
      %get3A_575 = arith.index_cast %get3A_574 : i32 to index
      %get3A_576 = arith.index_cast %mul3A_56 : i32 to index
      %get3A_577 = tpu.vector_load %arg10[%get3A_575, %get3A_576] {strides = array<i32>} : memref<40x256xf32, #tpu.memory_space<vmem>>, vector<16xf32>,
      %exp3A_578 = math.exp %get3A_577 : vector<16xf32>
      %gt3A_579 = arith.cmpf ogt, %get3A_573, %select_n3A_565 : vector<16xf32>
      %select_n3A_580 = arith.select %gt3A_579, %get3A_573, %select_n3A_565 : vector<16xi1>, vector<16xf32>
      %jit3A_581 = arith.constant 994 : i32
      %broadcast_in_dim3A_582 = vector.broadcast %jit3A_581 : i32 to vector<16xi32>
      %select_n3A_583 = arith.select %gt3A_579, %broadcast_in_dim3A_582, %select_n3A_568 : vector<16xi1>, vector<16xi32>
      %select_n3A_584 = arith.select %gt3A_579, %get3A_577, %select_n3A_569 : vector<16xi1>, vector<16xf32>
      %get3A_585 = arith.constant 35 : i32
      %get3A_586 = arith.index_cast %get3A_585 : i32 to index
      %get3A_587 = arith.index_cast %mul3A_56 : i32 to index
      %get3A_588 = tpu.vector_load %arg8[%get3A_586, %get3A_587] {strides = array<i32>} : memref<40x256xf32, #tpu.memory_space<vmem>>, vector<16xf32>,
      %get3A_589 = arith.constant 35 : i32
      %get3A_590 = arith.index_cast %get3A_589 : i32 to index
      %get3A_591 = arith.index_cast %mul3A_56 : i32 to index
      %get3A_592 = tpu.vector_load %arg10[%get3A_590, %get3A_591] {strides = array<i32>} : memref<40x256xf32, #tpu.memory_space<vmem>>, vector<16xf32>,
      %exp3A_593 = math.exp %get3A_592 : vector<16xf32>
      %gt3A_594 = arith.cmpf ogt, %get3A_588, %select_n3A_580 : vector<16xf32>
      %select_n3A_595 = arith.select %gt3A_594, %get3A_588, %select_n3A_580 : vector<16xi1>, vector<16xf32>
      %jit3A_596 = arith.constant 995 : i32
      %broadcast_in_dim3A_597 = vector.broadcast %jit3A_596 : i32 to vector<16xi32>
      %select_n3A_598 = arith.select %gt3A_594, %broadcast_in_dim3A_597, %select_n3A_583 : vector<16xi1>, vector<16xi32>
      %select_n3A_599 = arith.select %gt3A_594, %get3A_592, %select_n3A_584 : vector<16xi1>, vector<16xf32>
      %get3A_600 = arith.constant 36 : i32
      %get3A_601 = arith.index_cast %get3A_600 : i32 to index
      %get3A_602 = arith.index_cast %mul3A_56 : i32 to index
      %get3A_603 = tpu.vector_load %arg8[%get3A_601, %get3A_602] {strides = array<i32>} : memref<40x256xf32, #tpu.memory_space<vmem>>, vector<16xf32>,
      %get3A_604 = arith.constant 36 : i32
      %get3A_605 = arith.index_cast %get3A_604 : i32 to index
      %get3A_606 = arith.index_cast %mul3A_56 : i32 to index
      %get3A_607 = tpu.vector_load %arg10[%get3A_605, %get3A_606] {strides = array<i32>} : memref<40x256xf32, #tpu.memory_space<vmem>>, vector<16xf32>,
      %exp3A_608 = math.exp %get3A_607 : vector<16xf32>
      %gt3A_609 = arith.cmpf ogt, %get3A_603, %select_n3A_595 : vector<16xf32>
      %select_n3A_610 = arith.select %gt3A_609, %get3A_603, %select_n3A_595 : vector<16xi1>, vector<16xf32>
      %jit3A_611 = arith.constant 996 : i32
      %broadcast_in_dim3A_612 = vector.broadcast %jit3A_611 : i32 to vector<16xi32>
      %select_n3A_613 = arith.select %gt3A_609, %broadcast_in_dim3A_612, %select_n3A_598 : vector<16xi1>, vector<16xi32>
      %select_n3A_614 = arith.select %gt3A_609, %get3A_607, %select_n3A_599 : vector<16xi1>, vector<16xf32>
      %get3A_615 = arith.constant 37 : i32
      %get3A_616 = arith.index_cast %get3A_615 : i32 to index
      %get3A_617 = arith.index_cast %mul3A_56 : i32 to index
      %get3A_618 = tpu.vector_load %arg8[%get3A_616, %get3A_617] {strides = array<i32>} : memref<40x256xf32, #tpu.memory_space<vmem>>, vector<16xf32>,
      %get3A_619 = arith.constant 37 : i32
      %get3A_620 = arith.index_cast %get3A_619 : i32 to index
      %get3A_621 = arith.index_cast %mul3A_56 : i32 to index
      %get3A_622 = tpu.vector_load %arg10[%get3A_620, %get3A_621] {strides = array<i32>} : memref<40x256xf32, #tpu.memory_space<vmem>>, vector<16xf32>,
      %exp3A_623 = math.exp %get3A_622 : vector<16xf32>
      %gt3A_624 = arith.cmpf ogt, %get3A_618, %select_n3A_610 : vector<16xf32>
      %select_n3A_625 = arith.select %gt3A_624, %get3A_618, %select_n3A_610 : vector<16xi1>, vector<16xf32>
      %jit3A_626 = arith.constant 997 : i32
      %broadcast_in_dim3A_627 = vector.broadcast %jit3A_626 : i32 to vector<16xi32>
      %select_n3A_628 = arith.select %gt3A_624, %broadcast_in_dim3A_627, %select_n3A_613 : vector<16xi1>, vector<16xi32>
      %select_n3A_629 = arith.select %gt3A_624, %get3A_622, %select_n3A_614 : vector<16xi1>, vector<16xf32>
      %get3A_630 = arith.constant 38 : i32
      %get3A_631 = arith.index_cast %get3A_630 : i32 to index
      %get3A_632 = arith.index_cast %mul3A_56 : i32 to index
      %get3A_633 = tpu.vector_load %arg8[%get3A_631, %get3A_632] {strides = array<i32>} : memref<40x256xf32, #tpu.memory_space<vmem>>, vector<16xf32>,
      %get3A_634 = arith.constant 38 : i32
      %get3A_635 = arith.index_cast %get3A_634 : i32 to index
      %get3A_636 = arith.index_cast %mul3A_56 : i32 to index
      %get3A_637 = tpu.vector_load %arg10[%get3A_635, %get3A_636] {strides = array<i32>} : memref<40x256xf32, #tpu.memory_space<vmem>>, vector<16xf32>,
      %exp3A_638 = math.exp %get3A_637 : vector<16xf32>
      %gt3A_639 = arith.cmpf ogt, %get3A_633, %select_n3A_625 : vector<16xf32>
      %select_n3A_640 = arith.select %gt3A_639, %get3A_633, %select_n3A_625 : vector<16xi1>, vector<16xf32>
      %jit3A_641 = arith.constant 998 : i32
      %broadcast_in_dim3A_642 = vector.broadcast %jit3A_641 : i32 to vector<16xi32>
      %select_n3A_643 = arith.select %gt3A_639, %broadcast_in_dim3A_642, %select_n3A_628 : vector<16xi1>, vector<16xi32>
      %select_n3A_644 = arith.select %gt3A_639, %get3A_637, %select_n3A_629 : vector<16xi1>, vector<16xf32>
      %get3A_645 = arith.constant 39 : i32
      %get3A_646 = arith.index_cast %get3A_645 : i32 to index
      %get3A_647 = arith.index_cast %mul3A_56 : i32 to index
      %get3A_648 = tpu.vector_load %arg8[%get3A_646, %get3A_647] {strides = array<i32>} : memref<40x256xf32, #tpu.memory_space<vmem>>, vector<16xf32>,
      %get3A_649 = arith.constant 39 : i32
      %get3A_650 = arith.index_cast %get3A_649 : i32 to index
      %get3A_651 = arith.index_cast %mul3A_56 : i32 to index
      %get3A_652 = tpu.vector_load %arg10[%get3A_650, %get3A_651] {strides = array<i32>} : memref<40x256xf32, #tpu.memory_space<vmem>>, vector<16xf32>,
      %exp3A_653 = math.exp %get3A_652 : vector<16xf32>
      %gt3A_654 = arith.cmpf ogt, %get3A_648, %select_n3A_640 : vector<16xf32>
      %select_n3A_655 = arith.select %gt3A_654, %get3A_648, %select_n3A_640 : vector<16xi1>, vector<16xf32>
      %jit3A_656 = arith.constant 999 : i32
      %broadcast_in_dim3A_657 = vector.broadcast %jit3A_656 : i32 to vector<16xi32>
      %select_n3A_658 = arith.select %gt3A_654, %broadcast_in_dim3A_657, %select_n3A_643 : vector<16xi1>, vector<16xi32>
      %select_n3A_659 = arith.select %gt3A_654, %get3A_652, %select_n3A_644 : vector<16xi1>, vector<16xf32>
      %add3A_660 = arith.addf %exp3A, %exp3A_83 : vector<16xf32>
      %add3A_661 = arith.addf %exp3A_98, %exp3A_113 : vector<16xf32>
      %add3A_662 = arith.addf %exp3A_128, %exp3A_143 : vector<16xf32>
      %add3A_663 = arith.addf %exp3A_158, %exp3A_173 : vector<16xf32>
      %add3A_664 = arith.addf %exp3A_188, %exp3A_203 : vector<16xf32>
      %add3A_665 = arith.addf %exp3A_218, %exp3A_233 : vector<16xf32>
      %add3A_666 = arith.addf %exp3A_248, %exp3A_263 : vector<16xf32>
      %add3A_667 = arith.addf %exp3A_278, %exp3A_293 : vector<16xf32>
      %add3A_668 = arith.addf %exp3A_308, %exp3A_323 : vector<16xf32>
      %add3A_669 = arith.addf %exp3A_338, %exp3A_353 : vector<16xf32>
      %add3A_670 = arith.addf %exp3A_368, %exp3A_383 : vector<16xf32>
      %add3A_671 = arith.addf %exp3A_398, %exp3A_413 : vector<16xf32>
      %add3A_672 = arith.addf %exp3A_428, %exp3A_443 : vector<16xf32>
      %add3A_673 = arith.addf %exp3A_458, %exp3A_473 : vector<16xf32>
      %add3A_674 = arith.addf %exp3A_488, %exp3A_503 : vector<16xf32>
      %add3A_675 = arith.addf %exp3A_518, %exp3A_533 : vector<16xf32>
      %add3A_676 = arith.addf %exp3A_548, %exp3A_563 : vector<16xf32>
      %add3A_677 = arith.addf %exp3A_578, %exp3A_593 : vector<16xf32>
      %add3A_678 = arith.addf %exp3A_608, %exp3A_623 : vector<16xf32>
      %add3A_679 = arith.addf %exp3A_638, %exp3A_653 : vector<16xf32>
      %add3A_680 = arith.addf %add3A_660, %add3A_661 : vector<16xf32>
      %add3A_681 = arith.addf %add3A_662, %add3A_663 : vector<16xf32>
      %add3A_682 = arith.addf %add3A_664, %add3A_665 : vector<16xf32>
      %add3A_683 = arith.addf %add3A_666, %add3A_667 : vector<16xf32>
      %add3A_684 = arith.addf %add3A_668, %add3A_669 : vector<16xf32>
      %add3A_685 = arith.addf %add3A_670, %add3A_671 : vector<16xf32>
      %add3A_686 = arith.addf %add3A_672, %add3A_673 : vector<16xf32>
      %add3A_687 = arith.addf %add3A_674, %add3A_675 : vector<16xf32>
      %add3A_688 = arith.addf %add3A_676, %add3A_677 : vector<16xf32>
      %add3A_689 = arith.addf %add3A_678, %add3A_679 : vector<16xf32>
      %add3A_690 = arith.addf %add3A_680, %add3A_681 : vector<16xf32>
      %add3A_691 = arith.addf %add3A_682, %add3A_683 : vector<16xf32>
      %add3A_692 = arith.addf %add3A_684, %add3A_685 : vector<16xf32>
      %add3A_693 = arith.addf %add3A_686, %add3A_687 : vector<16xf32>
      %add3A_694 = arith.addf %add3A_688, %add3A_689 : vector<16xf32>
      %add3A_695 = arith.addf %add3A_690, %add3A_691 : vector<16xf32>
      %add3A_696 = arith.addf %add3A_692, %add3A_693 : vector<16xf32>
      %add3A_697 = arith.addf %add3A_695, %add3A_696 : vector<16xf32>
      %add3A_698 = arith.addf %add3A_697, %add3A_694 : vector<16xf32>
      %add3A_699 = arith.addf %get3A_63, %add3A_698 : vector<16xf32>
      %swap3A_700 = arith.index_cast %mul3A_56 : i32 to index
      %swap3A_701 = tpu.vector_load %arg12[%swap3A_700] {strides = array<i32>} : memref<256xf32, #tpu.memory_space<vmem>>, vector<16xf32>,
      tpu.vector_store %arg12[%swap3A_700], %select_n3A_655 {strides = array<i32>} : memref<256xf32, #tpu.memory_space<vmem>>, vector<16xf32>,
      %swap3A_702 = arith.index_cast %mul3A_56 : i32 to index
      %swap3A_703 = tpu.vector_load %arg13[%swap3A_702] {strides = array<i32>} : memref<256xi32, #tpu.memory_space<vmem>>, vector<16xi32>,
      tpu.vector_store %arg13[%swap3A_702], %select_n3A_658 {strides = array<i32>} : memref<256xi32, #tpu.memory_space<vmem>>, vector<16xi32>,
      %swap3A_704 = arith.index_cast %mul3A_56 : i32 to index
      %swap3A_705 = tpu.vector_load %arg14[%swap3A_704] {strides = array<i32>} : memref<256xf32, #tpu.memory_space<vmem>>, vector<16xf32>,
      tpu.vector_store %arg14[%swap3A_704], %select_n3A_659 {strides = array<i32>} : memref<256xf32, #tpu.memory_space<vmem>>, vector<16xf32>,
      %swap3A_706 = arith.index_cast %mul3A_56 : i32 to index
      %swap3A_707 = tpu.vector_load %arg15[%swap3A_706] {strides = array<i32>} : memref<256xf32, #tpu.memory_space<vmem>>, vector<16xf32>,
      tpu.vector_store %arg15[%swap3A_706], %add3A_699 {strides = array<i32>} : memref<256xf32, #tpu.memory_space<vmem>>, vector<16xf32>,
    }
    %scan3A_44 = arith.constant 16 : i32
    %scan3A_45 = arith.constant 0 : i32
    %scan3A_46 = arith.constant 16 : i32
    %scan3A_47 = arith.addi %scan3A_45, %scan3A_46 : i32
    %scan3A_48 = arith.constant 1 : i32
    %scan3A_49 = scf.for %scan3A_54 = %scan3A_45 to %scan3A_47 step %scan3A_48 iter_args(%scan3A_55 = %broadcast_in_dim3A_14) -> (vector<16xf32>)  : i32 {
      %mul3A_56 = arith.constant 16 : i32
      %mul3A_57 = arith.muli %scan3A_54, %mul3A_56 : i32
      %get3A = arith.index_cast %mul3A_57 : i32 to index
      %get3A_58 = tpu.vector_load %arg15[%get3A] {strides = array<i32>} : memref<256xf32, #tpu.memory_space<vmem>>, vector<16xf32>,
      %bitcast_convert_type3A = tpu.bitcast %get3A_58 : vector<16xf32> -> vector<16xi32>
      %convert_element_type3A = arith.sitofp %bitcast_convert_type3A : vector<16xi32> to vector<16xf32>
      %mul3A_59 = arith.constant 8.26295832E-8 : f32
      %mul3A_60 = vector.broadcast %mul3A_59 : f32 to vector<16xf32>
      %mul3A_61 = arith.mulf %convert_element_type3A, %mul3A_60 : vector<16xf32>
      %sub3A = arith.constant 88.0296936 : f32
      %sub3A_62 = vector.broadcast %sub3A : f32 to vector<16xf32>
      %sub3A_63 = arith.subf %mul3A_61, %sub3A_62 : vector<16xf32>
      %sub3A_64 = arith.constant 1.000000e+00 : f32
      %sub3A_65 = vector.broadcast %sub3A_64 : f32 to vector<16xf32>
      %sub3A_66 = arith.subf %sub3A_63, %sub3A_65 : vector<16xf32>
      %neg3A = arith.constant 0.000000e+00 : f32
      %neg3A_67 = vector.broadcast %neg3A : f32 to vector<16xf32>
      %neg3A_68 = arith.subf %neg3A_67, %sub3A_63 : vector<16xf32>
      %exp3A = math.exp %neg3A_68 : vector<16xf32>
      %mul3A_69 = arith.mulf %get3A_58, %exp3A : vector<16xf32>
      %add3A_70 = arith.addf %sub3A_66, %mul3A_69 : vector<16xf32>
      %sub3A_71 = arith.constant 1.000000e+00 : f32
      %sub3A_72 = vector.broadcast %sub3A_71 : f32 to vector<16xf32>
      %sub3A_73 = arith.subf %add3A_70, %sub3A_72 : vector<16xf32>
      %neg3A_74 = arith.constant 0.000000e+00 : f32
      %neg3A_75 = vector.broadcast %neg3A_74 : f32 to vector<16xf32>
      %neg3A_76 = arith.subf %neg3A_75, %add3A_70 : vector<16xf32>
      %exp3A_77 = math.exp %neg3A_76 : vector<16xf32>
      %mul3A_78 = arith.mulf %get3A_58, %exp3A_77 : vector<16xf32>
      %add3A_79 = arith.addf %sub3A_73, %mul3A_78 : vector<16xf32>
      %sub3A_80 = arith.constant 1.000000e+00 : f32
      %sub3A_81 = vector.broadcast %sub3A_80 : f32 to vector<16xf32>
      %sub3A_82 = arith.subf %add3A_79, %sub3A_81 : vector<16xf32>
      %neg3A_83 = arith.constant 0.000000e+00 : f32
      %neg3A_84 = vector.broadcast %neg3A_83 : f32 to vector<16xf32>
      %neg3A_85 = arith.subf %neg3A_84, %add3A_79 : vector<16xf32>
      %exp3A_86 = math.exp %neg3A_85 : vector<16xf32>
      %mul3A_87 = arith.mulf %get3A_58, %exp3A_86 : vector<16xf32>
      %add3A_88 = arith.addf %sub3A_82, %mul3A_87 : vector<16xf32>
      %get3A_89 = arith.index_cast %mul3A_57 : i32 to index
      %get3A_90 = tpu.vector_load %arg14[%get3A_89] {strides = array<i32>} : memref<256xf32, #tpu.memory_space<vmem>>, vector<16xf32>,
      %sub3A_91 = arith.subf %add3A_88, %get3A_90 : vector<16xf32>
      %add3A_92 = arith.addf %scan3A_55, %sub3A_91 : vector<16xf32>
      scf.yield %add3A_92 : vector<16xf32>
    }
    %scan3A_50 = arith.constant 16 : i32
    %swap3A = arith.constant 0 : index
    %swap3A_51 = tpu.vector_load %arg17[%swap3A] {strides = array<i32>} : memref<16xf32, #tpu.memory_space<vmem>>, vector<16xf32>,
    tpu.vector_store %arg17[%swap3A], %scan3A_49 {strides = array<i32>} : memref<16xf32, #tpu.memory_space<vmem>>, vector<16xf32>,
    %mul3A_52 = arith.constant 16 : i32
    %mul3A_53 = arith.muli %add3A, %mul3A_52 : i32
    "tpu.region"() ({
      %run_scoped3A = tpu.sem_alloc : memref<!tpu.dma_semaphore, #tpu.memory_space<semaphore_mem>>
      %dma_start3A_54 = tpu.memref_slice %arg7[%mul3A_53] : memref<512xf32, #tpu.memory_space<hbm>> -> memref<16xf32, #tpu.memory_space<hbm>>
      %dma_start3A_55 = tpu.memref_slice %arg7[%mul3A_53] : memref<512xf32, #tpu.memory_space<hbm>> -> memref<16xf32, #tpu.memory_space<hbm>>
      tpu.enqueue_dma source(%arg17 : memref<16xf32, #tpu.memory_space<vmem>>) target(%dma_start3A_55 : memref<16xf32, #tpu.memory_space<hbm>>) target_semaphore(%run_scoped3A : memref<!tpu.dma_semaphore, #tpu.memory_space<semaphore_mem>>)
      %dma_wait3A_56 = tpu.memref_slice %arg7[%mul3A_53] : memref<512xf32, #tpu.memory_space<hbm>> -> memref<16xf32, #tpu.memory_space<hbm>>
      %dma_wait3A_57 = tpu.memref_slice %arg7[%mul3A_53] : memref<512xf32, #tpu.memory_space<hbm>> -> memref<16xf32, #tpu.memory_space<hbm>>
      tpu.wait_dma2 semaphore(%run_scoped3A : memref<!tpu.dma_semaphore, #tpu.memory_space<semaphore_mem>>) src(%arg17 : memref<16xf32, #tpu.memory_space<vmem>>) dst(%dma_wait3A_57 : memref<16xf32, #tpu.memory_space<hbm>>)
      tpu.yield
    }) : () -> ()
    "tpu.region"() ({
      %run_scoped3A = tpu.sem_alloc : memref<!tpu.dma_semaphore, #tpu.memory_space<semaphore_mem>>
      %dma_start3A_54 = tpu.memref_slice %arg5[%mul3A_2] : memref<8192xi32, #tpu.memory_space<hbm>> -> memref<256xi32, #tpu.memory_space<hbm>>
      %dma_start3A_55 = tpu.memref_slice %arg5[%mul3A_2] : memref<8192xi32, #tpu.memory_space<hbm>> -> memref<256xi32, #tpu.memory_space<hbm>>
      tpu.enqueue_dma source(%arg13 : memref<256xi32, #tpu.memory_space<vmem>>) target(%dma_start3A_55 : memref<256xi32, #tpu.memory_space<hbm>>) target_semaphore(%run_scoped3A : memref<!tpu.dma_semaphore, #tpu.memory_space<semaphore_mem>>)
      %dma_wait3A_56 = tpu.memref_slice %arg5[%mul3A_2] : memref<8192xi32, #tpu.memory_space<hbm>> -> memref<256xi32, #tpu.memory_space<hbm>>
      %dma_wait3A_57 = tpu.memref_slice %arg5[%mul3A_2] : memref<8192xi32, #tpu.memory_space<hbm>> -> memref<256xi32, #tpu.memory_space<hbm>>
      tpu.wait_dma2 semaphore(%run_scoped3A : memref<!tpu.dma_semaphore, #tpu.memory_space<semaphore_mem>>) src(%arg13 : memref<256xi32, #tpu.memory_space<vmem>>) dst(%dma_wait3A_57 : memref<256xi32, #tpu.memory_space<hbm>>)
      tpu.yield
    }) : () -> ()
    return
  }
}

module attributes {stable_mosaic.version = 14 : i64} {
  func.func @_tc_body(%arg0: i32, %arg1: memref<1000x1024xf32, #tpu.memory_space<vmem>>, %arg2: memref<1000x1024xf32, #tpu.memory_space<vmem>>, %arg3: memref<1024xi32, #tpu.memory_space<vmem>>, %arg4: memref<8xf32, #tpu.memory_space<smem>>) attributes {dimension_semantics = [#tpu.dimension_semantics<arbitrary>], iteration_bounds = array<i64: 8>, scalar_prefetch = 0 : i64, scratch_operands = 0 : i64, tpu.core_type = #tpu.core_type<tc>, window_params = [{transform_indices = @transform_0, window_bounds = array<i64: 1000, 1024>}, {transform_indices = @transform_1, window_bounds = array<i64: 1000, 1024>}, {transform_indices = @transform_2, window_bounds = array<i64: 1024>}, {transform_indices = @transform_3, window_bounds = array<i64: 8>}]} {
    %broadcast_in_dim3A = arith.constant -3.000000e+38 : f32
    %broadcast_in_dim3A_0 = vector.broadcast %broadcast_in_dim3A : f32 to vector<8x1024xf32>
    %broadcast_in_dim3A_1 = arith.constant 0 : i32
    %broadcast_in_dim3A_2 = vector.broadcast %broadcast_in_dim3A_1 : i32 to vector<8x1024xi32>
    %broadcast_in_dim3A_3 = arith.constant 0.000000e+00 : f32
    %broadcast_in_dim3A_4 = vector.broadcast %broadcast_in_dim3A_3 : f32 to vector<8x1024xf32>
    %broadcast_in_dim3A_5 = arith.constant 0.000000e+00 : f32
    %broadcast_in_dim3A_6 = vector.broadcast %broadcast_in_dim3A_5 : f32 to vector<8x1024xf32>
    %scan3A = arith.constant 0 : i32
    %scan3A_7 = arith.constant 125 : i32
    %scan3A_8 = arith.addi %scan3A, %scan3A_7 : i32
    %scan3A_9 = arith.constant 1 : i32
    %scan3A_10:4 = scf.for %scan3A_36 = %scan3A to %scan3A_8 step %scan3A_9 iter_args(%scan3A_37 = %broadcast_in_dim3A_0, %scan3A_38 = %broadcast_in_dim3A_2, %scan3A_39 = %broadcast_in_dim3A_4, %scan3A_40 = %broadcast_in_dim3A_6) -> (vector<8x1024xf32>, vector<8x1024xi32>, vector<8x1024xf32>, vector<8x1024xf32>)  : i32 {
      %mul3A_41 = arith.constant 8 : i32
      %mul3A_42 = arith.muli %scan3A_36, %mul3A_41 : i32
      %get3A = arith.index_cast %mul3A_42 : i32 to index
      %get3A_43 = arith.constant 0 : index
      %get3A_44 = vector.load %arg1[%get3A, %get3A_43] : memref<1000x1024xf32, #tpu.memory_space<vmem>>, vector<8x1024xf32>
      %mul3A_45 = arith.constant 8 : i32
      %mul3A_46 = arith.muli %scan3A_36, %mul3A_45 : i32
      %get3A_47 = arith.index_cast %mul3A_46 : i32 to index
      %get3A_48 = arith.constant 0 : index
      %get3A_49 = vector.load %arg2[%get3A_47, %get3A_48] : memref<1000x1024xf32, #tpu.memory_space<vmem>>, vector<8x1024xf32>
      %gt3A = arith.cmpf ogt, %get3A_44, %scan3A_37 : vector<8x1024xf32>
      %select_n3A_50 = arith.select %gt3A, %get3A_44, %scan3A_37 : vector<8x1024xi1>, vector<8x1024xf32>
      %broadcast_in_dim3A_51 = vector.broadcast %scan3A_36 : i32 to vector<8x1024xi32>
      %select_n3A_52 = arith.select %gt3A, %broadcast_in_dim3A_51, %scan3A_38 : vector<8x1024xi1>, vector<8x1024xi32>
      %select_n3A_53 = arith.select %gt3A, %get3A_49, %scan3A_39 : vector<8x1024xi1>, vector<8x1024xf32>
      %exp3A = math.exp %get3A_49 : vector<8x1024xf32>
      %add3A_54 = arith.addf %scan3A_40, %exp3A : vector<8x1024xf32>
      scf.yield %select_n3A_50, %select_n3A_52, %select_n3A_53, %add3A_54 : vector<8x1024xf32>, vector<8x1024xi32>, vector<8x1024xf32>, vector<8x1024xf32>
    }
    %scan3A_11 = arith.constant 125 : i32
    %mul3A = arith.constant 8 : i32
    %mul3A_12 = vector.broadcast %mul3A : i32 to vector<8x1024xi32>
    %mul3A_13 = arith.muli %scan3A_10#1, %mul3A_12 : vector<8x1024xi32>
    %iota3A = tpu.iota {dimensions = array<i32: 0>} : vector<8x1024xi32>
    %add3A = arith.addi %mul3A_13, %iota3A : vector<8x1024xi32>
    %reduce_max3A = arith.constant dense<0xFF800000> : vector<1024xf32>
    %reduce_max3A_14 = vector.multi_reduction <maximumf>, %scan3A_10#0, %reduce_max3A [0] : vector<8x1024xf32> to vector<1024xf32>
    %broadcast_in_dim3A_15 = vector.shape_cast %reduce_max3A_14 : vector<1024xf32> to vector<1x1024xf32>
    %eq3A = vector.broadcast %broadcast_in_dim3A_15 : vector<1x1024xf32> to vector<8x1024xf32>
    %eq3A_16 = arith.cmpf oeq, %scan3A_10#0, %eq3A : vector<8x1024xf32>
    %jit3A = arith.constant 2147483647 : i32
    %broadcast_in_dim3A_17 = vector.broadcast %jit3A : i32 to vector<8x1024xi32>
    %select_n3A = arith.select %eq3A_16, %add3A, %broadcast_in_dim3A_17 : vector<8x1024xi1>, vector<8x1024xi32>
    %reduce_min3A = arith.constant dense<2147483647> : vector<1024xi32>
    %reduce_min3A_18 = vector.multi_reduction <minsi>, %select_n3A, %reduce_min3A [0] : vector<8x1024xi32> to vector<1024xi32>
    %broadcast_in_dim3A_19 = vector.shape_cast %reduce_min3A_18 : vector<1024xi32> to vector<1x1024xi32>
    %eq3A_20 = vector.broadcast %broadcast_in_dim3A_19 : vector<1x1024xi32> to vector<8x1024xi32>
    %eq3A_21 = arith.cmpi eq, %add3A, %eq3A_20 : vector<8x1024xi32>
    %jit3A_22 = arith.constant 0.000000e+00 : f32
    %broadcast_in_dim3A_23 = vector.broadcast %jit3A_22 : f32 to vector<8x1024xf32>
    %select_n3A_24 = arith.select %eq3A_21, %scan3A_10#2, %broadcast_in_dim3A_23 : vector<8x1024xi1>, vector<8x1024xf32>
    %reduce_sum3A = arith.constant dense<0.000000e+00> : vector<1024xf32>
    %reduce_sum3A_25 = vector.multi_reduction <add>, %select_n3A_24, %reduce_sum3A [0] : vector<8x1024xf32> to vector<1024xf32>
    %reduce_sum3A_26 = arith.constant dense<0.000000e+00> : vector<1024xf32>
    %reduce_sum3A_27 = vector.multi_reduction <add>, %scan3A_10#3, %reduce_sum3A_26 [0] : vector<8x1024xf32> to vector<1024xf32>
    %log3A = math.log %reduce_sum3A_27 : vector<1024xf32>
    %sub3A = arith.subf %log3A, %reduce_sum3A_25 : vector<1024xf32>
    %swap3A = arith.constant 0 : index
    %swap3A_28 = vector.load %arg3[%swap3A] : memref<1024xi32, #tpu.memory_space<vmem>>, vector<1024xi32>
    tpu.vector_store %arg3[%swap3A], %reduce_min3A_18 {strides = array<i32>} : memref<1024xi32, #tpu.memory_space<vmem>>, vector<1024xi32>,
    %reduce_sum3A_29 = vector.shape_cast %sub3A : vector<1024xf32> to vector<1x1024xf32>
    %reduce_sum3A_30 = arith.constant dense<0.000000e+00> : vector<1xf32>
    %reduce_sum3A_31 = vector.multi_reduction <add>, %reduce_sum3A_29, %reduce_sum3A_30 [1] : vector<1x1024xf32> to vector<1xf32>
    %reduce_sum3A_32 = vector.shape_cast %reduce_sum3A_31 : vector<1xf32> to vector<1x1xf32>
    %reduce_sum3A_33 = vector.extract %reduce_sum3A_32[0, 0] : f32 from vector<1x1xf32>
    %swap3A_34 = arith.index_cast %arg0 : i32 to index
    %swap3A_35 = memref.load %arg4[%swap3A_34] : memref<8xf32, #tpu.memory_space<smem>>
    memref.store %reduce_sum3A_33, %arg4[%swap3A_34] : memref<8xf32, #tpu.memory_space<smem>>
    return
  }
  func.func @transform_0(%arg0: i32) -> (i32, i32) {
    %add3A = arith.constant 8 : i32
    %add3A_0 = arith.addi %add3A, %arg0 : i32
    %c0_i32 = arith.constant 0 : i32
    %c0_i32_1 = arith.constant 0 : i32
    return %c0_i32, %add3A_0 : i32, i32
  }
  func.func @transform_1(%arg0: i32) -> (i32, i32) {
    %add3A = arith.constant 8 : i32
    %add3A_0 = arith.addi %add3A, %arg0 : i32
    %c0_i32 = arith.constant 0 : i32
    %c0_i32_1 = arith.constant 0 : i32
    return %c0_i32, %add3A_0 : i32, i32
  }
  func.func @transform_2(%arg0: i32) -> i32 {
    %c0_i32 = arith.constant 0 : i32
    return %arg0 : i32
  }
  func.func @transform_3(%arg0: i32) -> i32 {
    %c0_i32 = arith.constant 0 : i32
    %c0_i32_0 = arith.constant 0 : i32
    return %c0_i32 : i32
  }
}

</mosaic_0001>

<sc_bundles>
// kernel: kernel.4.cloned.1.call-start
scs
__scs_entry_jumppad:
0x0: {  	(pc) =	sbr.rel $0x88, $3  }
0x1: {  	(tag) =	ssettag $0x0;
	lr =	simm.s32 $0x1  }
0x2: {  	[smem:$0x3F9E] =	sst lr;
	_ =	strace $0xD0000000  }
0x3: {  	_ = 	snop  }
0x4: {  	_ = 	snop  }
0x5: {  	_ = 	snop  }
0x6: {  	_ = 	snop  }
0x7: {  	_ = 	snop  }
__scs_overlays_trampoline_lowered:
0x8: {  	[smem:$0x3FAD] =	sst s0  }
0x9: {  	[smem:$0x3FAE] =	sst s1  }
0xa: {  	[smem:$0x3FAF] =	sst s2  }
0xb: {  	[smem:$0x3FB0] =	sst s3  }
0xc: {  	[smem:$0x3FB1] =	sst s4  }
0xd: {  	[smem:$0x3FB2] =	sst s5  }
0xe: {  	[smem:$0x3FB3] =	sst s6  }
0xf: {  	[smem:$0x3FB4] =	sst s7  }
0x10: {  	[smem:$0x3FB5] =	sst s8  }
0x11: {  	[smem:$0x3FB6] =	sst s9;
	s0 =	simm.s32 @!p0 $0x0  }
0x12: {  	s1 =	sld [smem:$0x3F9C];
	s0 =	simm.s32 @p0 $0x1  }
0x13: {  	[smem:$0x3FB7] =	sst s0;
	s0 =	simm.s32 @!p1 $0x0  }
0x14: {  	s2 =	sld [smem:$0x3F9B];
	s0 =	simm.s32 @p1 $0x1  }
0x15: {  	[smem:$0x3FB8] =	sst s0;
	s0 =	simm.s32 @!p2 $0x0  }
0x16: {  	s3 =	sld [smem:$0x3FDB];
	s0 =	simm.s32 @p2 $0x1  }
0x17: {  	s4 =	simm.s32 $0x1BF5;
	[smem:$0x3FBA] =	sst s0  }
0x18: {  	s0 =	sld [smem:$0x3F9D];
	_ =	swait.ge [sflag:s4], $0x0  }
0x19: {  	s7 =	sld [smem:$0x3F9E]  }
0x1a: {  	s8 =	sadd.s32 $0xFFFFE003, lr  }
0x1b: {  	s9 =	sadd.s32 $0xFFFFFEF7, lr;
	s5 =	simm.s32 $0xFFFFFFFF;
	p2 =	slt.u32 s8, $0xFFFFF086  }
0x1c: {  	p1 =	slt.u32 s9, $0xF7A;
	s5 =	simm.s32 @!p2 $0x0  }
0x1d: {  	s5 =	simm.s32 @p1 $0x1;
	p0 =	seq.s32 s7, s2  }
0x1e: {  	s7 =	smul.u32 @!p0 $0xF7A, s2;
	p2 =	seq.s32 @!p0 s5, $0x0  }
0x1f: {  	s9 =	smul.u32 $0xF7A, s1;
	s8 =	simm.s32 @!p0 $0x1BF5;
	p2 =	por !p2, p0  }
0x20: {  	[sflag:s8] =	ssyncset.s32 @!p0 $0xFFFFF086;
	s6 =	sadd.s32 @!p0 s3, s7;
	s7 =	simm.s32 @!p0 $0x108  }
0x21: {  	s3 =	sadd.s32 s3, s9;
	s6 =	sadd.s32 @!p0 $0x88, s6;
	s7 =	simm.s32 @p2 $0x1082  }
0x22: {  	[simem:s7], [sflag:s8] =	dma.local @!p0 [hbm:s6], $0xF7A  }
0x23: {  	s9 =	sor.u32 $0xD0000000, s2;
	s6 =	simm.s32 $0x108;
	_ =	swait.ge @!p0 [sflag:s8], $0x0  }
0x24: {  	s3 =	sadd.s32 $0x88, s3;
	s6 =	simm.s32 @!p1 $0x1082;
	[sflag:s4] =	ssyncset.s32 $0xFFFFF086  }
0x25: {  	[simem:s6], [sflag:s4] =	dma.local [hbm:s3], $0xF7A  }
0x26: {  	[smem:$0x3F9E] =	sst s1;
	(tag) =	ssettag s2;
	_ =	strace s9  }
0x27: {  	s1 =	sld [smem:$0x3FAE]  }
0x28: {  	s2 =	sld [smem:$0x3FAF]  }
0x29: {  	s4 =	sld [smem:$0x3FB1]  }
0x2a: {  	p0 =	seq.s32 s5, $0x0;
	s5 =	sld [smem:$0x3FB2]  }
0x2b: {  	s6 =	sld [smem:$0x3FB3]  }
0x2c: {  	s7 =	sld [smem:$0x3FB4]  }
0x2d: {  	s3 =	simm.s32 $0x108;
	s8 =	sld [smem:$0x3FB5]  }
0x2e: {  	s3 =	simm.s32 @!p0 $0x1082;
	s9 =	sld [smem:$0x3FB6]  }
0x2f: {  	lr =	sadd.s32 s0, s3;
	s0 =	sld [smem:$0x3FAD]  }
0x30: {  	s3 =	sld [smem:$0x3FB0]  }
0x31: {  	[smem:$0x3FB9] =	sst s10  }
0x32: {  	s10 =	sld [smem:$0x3FB7];
	_ =	sdelay $0x3  }
0x33: {  	p0 =	seq.s32 s10, $0x1;
	s10 =	sld [smem:$0x3FB9];
	_ =	sdelay $0x3  }
0x34: {  	[smem:$0x3FB9] =	sst s10  }
0x35: {  	s10 =	sld [smem:$0x3FB8];
	_ =	sdelay $0x3  }
0x36: {  	p1 =	seq.s32 s10, $0x1;
	s10 =	sld [smem:$0x3FB9];
	_ =	sdelay $0x3  }
0x37: {  	[smem:$0x3FB9] =	sst s10  }
0x38: {  	s10 =	sld [smem:$0x3FBA]  }
0x39: {  	_ = 	snop;
	(pc) =	sbr.ind lr, $3  }
0x3a: {  	_ = 	snop  }
0x3b: {  	_ = 	snop  }
0x3c: {  	p2 =	seq.s32 s10, $0x1;
	s10 =	sld [smem:$0x3FB9]  }
0x3d: {  	_ =	shalt  }
0x3e: {  	_ =	shalt  }
0x3f: {  	_ =	shalt  }
0x40: {  	_ =	shalt  }
0x41: {  	_ =	shalt  }
0x42: {  	_ =	shalt  }
0x43: {  	_ =	shalt  }
0x44: {  	_ =	shalt  }
0x45: {  	_ =	shalt  }
0x46: {  	_ =	shalt  }
0x47: {  	_ =	shalt  }
0x48: {  	_ =	shalt  }
0x49: {  	_ =	shalt  }
0x4a: {  	_ =	shalt  }
0x4b: {  	_ =	shalt  }
0x4c: {  	_ =	shalt  }
0x4d: {  	_ =	shalt  }
0x4e: {  	_ =	shalt  }
0x4f: {  	_ =	shalt  }
0x50: {  	_ =	shalt  }
0x51: {  	_ =	shalt  }
0x52: {  	_ =	shalt  }
0x53: {  	_ =	shalt  }
0x54: {  	_ =	shalt  }
0x55: {  	_ =	shalt  }
0x56: {  	_ =	shalt  }
0x57: {  	_ =	shalt  }
0x58: {  	_ =	shalt  }
0x59: {  	_ =	shalt  }
0x5a: {  	_ =	shalt  }
0x5b: {  	_ =	shalt  }
0x5c: {  	_ =	shalt  }
0x5d: {  	_ =	shalt  }
0x5e: {  	_ =	shalt  }
0x5f: {  	_ =	shalt  }
0x60: {  	_ =	shalt  }
0x61: {  	_ =	shalt  }
0x62: {  	_ =	shalt  }
0x63: {  	_ =	shalt  }
0x64: {  	_ =	shalt  }
0x65: {  	_ =	shalt  }
0x66: {  	_ =	shalt  }
0x67: {  	_ =	shalt  }
0x68: {  	_ =	shalt  }
0x69: {  	_ =	shalt  }
0x6a: {  	_ =	shalt  }
0x6b: {  	_ =	shalt  }
0x6c: {  	_ =	shalt  }
0x6d: {  	_ =	shalt  }
0x6e: {  	_ =	shalt  }
0x6f: {  	_ =	shalt  }
0x70: {  	_ =	shalt  }
0x71: {  	_ =	shalt  }
0x72: {  	_ =	shalt  }
0x73: {  	_ =	shalt  }
0x74: {  	_ =	shalt  }
0x75: {  	_ =	shalt  }
0x76: {  	_ =	shalt  }
0x77: {  	_ =	shalt  }
0x78: {  	_ =	shalt  }
0x79: {  	_ =	shalt  }
0x7a: {  	_ =	shalt  }
0x7b: {  	_ =	shalt  }
0x7c: {  	_ =	shalt  }
0x7d: {  	_ =	shalt  }
0x7e: {  	_ =	shalt  }
0x7f: {  	_ =	shalt  }
0x80: {  	_ =	shalt  }
0x81: {  	_ =	shalt  }
0x82: {  	_ =	shalt  }
0x83: {  	_ =	shalt  }
0x84: {  	_ =	shalt  }
0x85: {  	_ =	shalt  }
0x86: {  	_ =	shalt  }
0x87: {  	_ =	shalt  }
.Lfunc_end0:
.L_simem_size_0:
called_computation_lowered:
.L_overlay_start_0:
0x88: {  	s2 =	sld [smem:$0x3FD9]  }
0x89: {  	s3 =	sld [smem:$0x3FFE];
	_ =	sdelay $0x1  }
0x8a: {  	s1 =	srdreg.scid  }
0x8b: {  	s0 =	sand.u32 $0x1, s1  }
0x8c: {  	s14 =	sshll.u32 s0, $0xA;
	s2 =	sadd.s32 s3, s2  }
0x8d: {  	s2 =	sadd.s32 s2, s14  }
0x8e: {  	[smem:$0x3FC5] =	sst s2  }
0x8f: {  	_ = 	snop  }
0x90: {  	s2 =	sld [smem:$0x3FD0]  }
0x91: {  	s15 =	sld [smem:$0x3FC9]  }
0x92: {  	s4 =	sld [smem:$0x3FC8]  }
0x93: {  	s6 =	simm.s32 $0xA;
	s7 =	simm.s32 $0x10;
	s5 =	sld [smem:$0x3FC7]  }
0x94: {  	[smem:s7], [sflag:s6] =	dma.local [hbm:s2], $0x1  }
0x95: {  	_ =	swait.eq [sflag:s6], $0x1  }
0x96: {  	[sflag:s6] =	ssyncset.done $0x0  }
0x97: {  	s16 =	sld [smem:$0x11];
	[sflag:s6] =	ssyncadd.s32 $0xFFFFFFFF  }
0x98: {  	s17 =	sld [smem:$0x12];
	(tm) =	ssettm $0x1  }
0x99: {  	s18 =	sld [smem:$0x3FFB];
	_ =	sdelay $0x3  }
0x9a: {  	_ =	strace s18  }
0x9b: {  	s7 =	sld [smem:$0x3FFC];
	_ =	sdelay $0x3  }
0x9c: {  	_ =	strace s7  }
0x9d: {  	s7 =	sld [smem:$0x3FFD];
	_ =	sdelay $0x3  }
0x9e: {  	_ =	strace s7  }
0x9f: {  	_ =	strace $0x8FFFFFFF  }
0xa0: {  	s19 =	sld [smem:$0x3FDB];
	_ =	sdelay $0x1  }
0xa1: {  	s8 =	simm.s32 $_scs_section_size  }
0xa2: {  	s9 =	simm.s32 $_size__tile_overlayer_lowered;
	s10 =	simm.s32 $_tile_overlayer_lowered  }
0xa3: {  	s22 =	simm.s32 $0x1BFF;
	s21 =	sshll.u32 s10, $0x1;
	s7 =	sadd.s32 s8, s19  }
0xa4: {  	s11 =	simm.s32 $0x0;
	s20 =	sshll.u32 s9, $0x1;
	s9 =	sadd.s32 s21, s7  }
0xa5: {  	[timem:s11], [sflag:s22] =	dma.local [hbm:s9], s20  }
0xa6: {  	_ =	swait.ge [sflag:s22], s20  }
0xa7: {  	s8 =	ssub.s32 $0x0, s20;
	[sflag:s22] =	ssyncset.done $0x0  }
0xa8: {  	[sflag:s22] =	ssyncadd.s32 s8;
	_ =	sdelay $0x1  }
0xa9: {  	s23 =	simm.s32 $0x1B8B  }
0xaa: {  	_ =	swait.ge [sflag:s23], $0x1  }
0xab: {  	[sflag:s23] =	ssyncset.done $0x0  }
0xac: {  	s25 =	simm.s32 $0x1B8E;
	s24 =	sld [smem:$0x3FFE];
	[sflag:s23] =	ssyncadd.s32 $0xFFFFFFFF  }
0xad: {  	s26 =	simm.s32 $execute0_lowered;
	[smem:$0x3FD2] =	sst s25  }
0xae: {  	s9 =	sshll.u32 s26, $0x1;
	_ =	strace $0x80000046;
	[dreg:$0x1] =	wrdreg $0xFFFFFFFF  }
0xaf: {  	s28 =	simm.s32 $_size_execute0_lowered;
	s7 =	sadd.s32 s7, s9;
	[dreg:$0x0] =	wrdreg $0x0  }
0xb0: {  	s9 =	sshll.u32 s28, $0x1;
	[dreg:$0x2] =	wrdreg s7  }
0xb1: {  	[dreg:$0x3] =	wrdreg s9  }
0xb2: {  	[dreg:$0x4] =	wrdreg $0xC0  }
0xb3: {  	_ =	task [dreg:s11], $0x5FFFF  }
0xb4: {  	[dreg:$0x1] =	wrdreg $0xFFFFFFFF  }
0xb5: {  	[dreg:$0x0] =	wrdreg $0x60  }
0xb6: {  	[dreg:$0x2] =	wrdreg s15  }
0xb7: {  	[dreg:$0x3] =	wrdreg s4  }
0xb8: {  	[dreg:$0x4] =	wrdreg s5  }
0xb9: {  	[dreg:$0x5] =	wrdreg s24  }
0xba: {  	[dreg:$0x6] =	wrdreg s17  }
0xbb: {  	[dreg:$0x7] =	wrdreg s16  }
0xbc: {  	[dreg:$0x8] =	wrdreg $0x9  }
0xbd: {  	_ =	task.clear_ibuf [dreg:s11], $0x9FFFF;
	_ =	strace $0x90000046  }
0xbe: {  	s29 =	simm.s32 $0x9;
	_ =	strace $0x80000048  }
0xbf: {  	_ =	swait.ge [sflag:s29], $0x1  }
0xc0: {  	[sflag:s29] =	ssyncadd.s32 $0xFFFFFFFF  }
0xc1: {  	_ =	strace $0x90000048  }
0xc2: {  	_ =	sfence  }
0xc3: {  	s30 =	sld [smem:$0x0];
	_ =	sdelay $0x2  }
0xc4: {  	s31 =	sshll.u32 s1, $0xD;
	s1 =	sshrl.u32 s1, $0x2  }
0xc5: {  	s3 =	sand.u32 $0x4000, s31;
	s1 =	sadd.s32 s1, s30  }
0xc6: {  	s0 =	sor.u32 s3, s0;
	s1 =	sshll.u32 s1, $0x11  }
0xc7: {  	s0 =	sor.u32 s1, s0  }
0xc8: {  	s0 =	sadd.s32 $0x8F2B, s0  }
0xc9: {  	[sflag:s0] =	ssyncadd.remote.s32 $0x1  }
0xca: {  	_ =	sfence.sel $0xFFFF  }
0xcb: {  	[dreg:$0x0] =	wrdreg $0xFFFFFFFF;
	(pc) =	sbr.abs _section_cstart, $3  }
0xcc: {  	[dreg:$0x1] =	wrdreg $0xFFFFFFFF  }
0xcd: {  	_ =	task.clear_ibuf [dreg:s11], $0x2FFFF;
	_ =	strace $0x9FFFFFFF  }
0xce: {  	(tm) =	ssettm $0x7FFFFFFF  }
0xcf: {  	_ =	shalt  }
tec
execute0_lowered:
.L_overlay_start_1:
0x0: {  	(tag) =	ssettag $0x1  }
0x1: {  	s0 =	rddreg [dreg:$0x0]  }
0x2: {  	s2 =	rddreg [dreg:$0x1]  }
0x3: {  	s1 =	rddreg [dreg:$0x2]  }
0x4: {  	s3 =	rddreg [dreg:$0x3]  }
0x5: {  	s6 =	rddreg [dreg:$0x4]  }
0x6: {  	s7 =	rddreg [dreg:$0x5]  }
0x7: {  	s4 =	srdreg.scid;
	s9 =	stileid.u32;
	s14 =	simm.s32 $0x800  }
0x8: {  	s15 =	simm.s32 $0x20000;
	s16 =	simm.s32 $0x5000;
	s18 =	simm.s32 $0x3  }
0x9: {  	s19 =	simm.s32 $0x2800;
	s20 =	simm.s32 $0x7800;
	s21 =	simm.s32 $0x1  }
0xa: {  	s22 =	simm.s32 $0x2;
	s25 =	simm.s32 $0x0;
	s5 =	sand.u32 $0x1, s4  }
0xb: {  	s4 =	simm.s32 $0x0;
	s9 =	sshll.u32 s9, $0x1;
	s8 =	ssub.s32 $0x2, s5  }
0xc: {  	[smem:$0x7FF] =	sst s4;
	s11 =	sor.u32 s5, s9;
	s10 =	sshrl.u32 s8, $0x1  }
0xd: {  	_ =	strace $0x80000047;
	s26 =	sshll.u32 s11, $0x8;
	s5 =	sshll.u32 s11, $0xB  }
0xe: {  	s29 =	sshll.u32 s11, $0x6;
	s30 =	sshll.u32 s11, $0x1;
	s31 =	sshll.u32 s11, $0x5  }
0xf: {  	s13 =	ssub.s32 s8, s10;
	s28 =	sadd.s32 s0, s26;
	s8 =	sadd.s32 s2, s26  }
0x10: {  	s1 =	sadd.s32 s1, s29;
	s9 =	sadd.s32 s6, s29;
	[dreg:$0x7] =	wrdreg s28  }
0x11: {  	s10 =	sor.u32 $0x140000, s5;
	s11 =	sadd.s32 s7, s30;
	[dreg:$0x8] =	wrdreg s8  }
0x12: {  	v0 =	vimm.f32 $-3.000000010e+38;
	v1 =	vimm.s32 $0x0;
	v2 =	vimm.f32 $0.0e+00;
	s12 =	sadd.s32 s3, s31;
	[dreg:$0x9] =	wrdreg s1;
	s13 =	smax.u32 s13, $0x1  }
.LBB2_1:
0x13: {  	s1 =	rddreg [dreg:$0x7]  }
0x14: {  	[tilespmem:s4], [sflag:$0x1] =	stream.strided.gather [hbm4b:s1+s14], $0x2800, s15, s14, $0x38;
	[tilespmem:$0xA680] =	vst v63  }
0x15: {  	s30 =	rddreg [dreg:$0x8]  }
0x16: {  	[tilespmem:s16], [sflag:$0x1] =	stream.strided.gather [hbm4b:s30+s14], $0x2800, s15, s14, $0x38;
	[tilespmem:$0xA680] =	vst v63  }
0x17: {  	s31 =	rddreg [dreg:$0x9];
	s3 =	simm.s32 $0xA400  }
0x18: {  	[tilespmem:s3], [sflag:$0x3] =	stream.linear.gather [hbm4b:s31+s4], $0x200, $0x38;
	[tilespmem:$0xA680] =	vst v63  }
0x19: {  	_ =	swait.ge [sflag:s18], $0x200  }
0x1a: {  	[sflag:s18] =	ssyncset.done $0x0  }
0x1b: {  	[sflag:s18] =	ssyncadd.s32 $0xFFFFFE00  }
0x1c: {  	[hbm4b:s9+s4] =	stream.linear.scatter [tilespmem:s3], [sflag:$0x3], $0x200, $0x38;
	[tilespmem:$0xA680] =	vst v63  }
0x1d: {  	_ =	swait.ge [sflag:s18], $0x200  }
0x1e: {  	[sflag:s18] =	ssyncset.done $0x0  }
0x1f: {  	s1 =	simm.s32 $0x0;
	s3 =	simm.s32 $0x40;
	[sflag:s18] =	ssyncadd.s32 $0xFFFFFE00  }
.LBB2_2:
0x20: {  	p0 =	sne.s32 s3, $0x3C0;
	[tilespmem:s1+$0xA300] =	vst v2;
	s6 =	smov.u32 s3;
	s3 =	sadd.s32 $0x40, s3  }
.Ltmp0:
0x21: {  	[tilespmem:s1+$0xA200] =	vst v2;
	(pc) =	sbr.rel @p0 .LBB2_2-.Ltmp0, $3  }
0x22: {  	[tilespmem:s1+$0xA000] =	vst v0  }
0x23: {  	[tilespmem:s1+$0xA100] =	vst v1;
	_ =	sdelay $0x1  }
0x24: {  	s1 =	sshra.s32 s6, $0x2  }
0x25: {  	[tilespmem:s1+$0xA300] =	vst v2  }
0x26: {  	[tilespmem:s1+$0xA200] =	vst v2  }
0x27: {  	[tilespmem:s1+$0xA000] =	vst v0  }
0x28: {  	s26 =	simm.s32 $0x0;
	[tilespmem:s1+$0xA100] =	vst v1  }
.LBB2_4:
0x29: {  	s28 =	smul.u32 $0x50, s26;
	_ =	sdelay $0x1  }
0x2a: {  	s29 =	sadd.s32 $0x28, s28  }
0x2b: {  	s1 =	sshll.u32 s29, $0xE  }
0x2c: {  	s1 =	sor.u32 s5, s1  }
0x2d: {  	s1 =	sshrl.u32 s1, $0x3  }
0x2e: {  	s3 =	sadd.s32 s0, s1  }
0x2f: {  	[tilespmem:s19], [sflag:$0x2] =	stream.strided.gather [hbm4b:s3+s14], $0x2800, s15, s14, $0x38;
	[tilespmem:$0xA680] =	vst v63  }
0x30: {  	s1 =	sadd.s32 s2, s1  }
0x31: {  	[tilespmem:s20], [sflag:$0x2] =	stream.strided.gather [hbm4b:s1+s14], $0x2800, s15, s14, $0x38;
	[tilespmem:$0xA680] =	vst v63  }
0x32: {  	_ =	swait.ge [sflag:s21], $0x2800  }
0x33: {  	[sflag:s21] =	ssyncset.done $0x0  }
0x34: {  	[sflag:s21] =	ssyncadd.s32 $0xFFFFD800  }
0x35: {  	s8 =	sor.u32 $0x1, s28;
	v0 =	vmov s28;
	_ =	swait.ge [sflag:s21], $0x2800  }
0x36: {  	s24 =	sor.u32 $0x2, s28;
	v48 =	vmov s8;
	[tilespmem:$0x1FEF0] =	vst v0  }
0x37: {  	s6 =	sor.u32 $0x3, s28;
	v49 =	vmov s24;
	[tilespmem:$0x1FF00] =	vst v48  }
0x38: {  	s30 =	simm.s32 $0xA000;
	s7 =	sor.u32 $0x4, s28;
	v50 =	vmov s6;
	[tilespmem:$0x1FF10] =	vst v49  }
0x39: {  	s31 =	simm.s32 $0xA100;
	s17 =	sor.u32 $0x5, s28;
	s23 =	sor.u32 $0x6, s28;
	v51 =	vmov s7;
	[tilespmem:$0x1FF20] =	vst v50  }
0x3a: {  	s6 =	sor.u32 $0x7, s28;
	s8 =	sor.u32 $0x8, s28;
	s24 =	sor.u32 $0x9, s28;
	v52 =	vmov s17;
	[tilespmem:$0x1FF30] =	vst v51  }
0x3b: {  	v53 =	vmov s23;
	s7 =	sor.u32 $0xA, s28;
	s17 =	sor.u32 $0xB, s28;
	s23 =	sor.u32 $0xC, s28;
	[tilespmem:$0x1FF40] =	vst v52  }
0x3c: {  	v54 =	vmov s6;
	v55 =	vmov s8;
	v56 =	vmov s24;
	s6 =	sor.u32 $0xD, s28;
	s8 =	sor.u32 $0xE, s28;
	s24 =	sor.u32 $0xF, s28;
	[tilespmem:$0x1FF50] =	vst v53  }
0x3d: {  	v57 =	vmov s7;
	v58 =	vmov s17;
	v59 =	vmov s23;
	s7 =	sadd.s32 $0x10, s28;
	s17 =	sadd.s32 $0x11, s28;
	s23 =	sadd.s32 $0x12, s28;
	[tilespmem:$0x1FF60] =	vst v54  }
0x3e: {  	v60 =	vmov s6;
	v61 =	vmov s8;
	v62 =	vmov s24;
	s6 =	sadd.s32 $0x13, s28;
	s8 =	sadd.s32 $0x14, s28;
	s24 =	sadd.s32 $0x15, s28;
	[tilespmem:$0x1FF70] =	vst v55  }
0x3f: {  	v63 =	vmov s7;
	v20 =	vmov s17;
	v21 =	vmov s23;
	s7 =	sadd.s32 $0x16, s28;
	s17 =	sadd.s32 $0x17, s28;
	s23 =	sadd.s32 $0x18, s28;
	[tilespmem:$0x1FF80] =	vst v56  }
0x40: {  	v22 =	vmov s6;
	v23 =	vmov s8;
	v24 =	vmov s24;
	s6 =	sadd.s32 $0x19, s28;
	s8 =	sadd.s32 $0x1A, s28;
	s24 =	sadd.s32 $0x1B, s28;
	[tilespmem:$0x1FF90] =	vst v57  }
0x41: {  	v25 =	vmov s7;
	v26 =	vmov s17;
	v27 =	vmov s23;
	s7 =	sadd.s32 $0x1C, s28;
	s17 =	sadd.s32 $0x1D, s28;
	s23 =	sadd.s32 $0x1E, s28;
	[tilespmem:$0x1FFA0] =	vst v58  }
0x42: {  	v28 =	vmov s6;
	v29 =	vmov s8;
	v30 =	vmov s24;
	s6 =	sadd.s32 $0x1F, s28;
	s8 =	sadd.s32 $0x20, s28;
	s24 =	sadd.s32 $0x21, s28;
	[tilespmem:$0x1FFB0] =	vst v59  }
0x43: {  	v31 =	vmov s7;
	v32 =	vmov s17;
	v33 =	vmov s23;
	s7 =	sadd.s32 $0x22, s28;
	s17 =	sadd.s32 $0x23, s28;
	s23 =	sadd.s32 $0x24, s28;
	[tilespmem:$0x1FFC0] =	vst v60  }
0x44: {  	s3 =	simm.s32 $0xA300;
	v34 =	vmov s6;
	v35 =	vmov s8;
	v36 =	vmov s24;
	s6 =	sadd.s32 $0x25, s28;
	s8 =	sadd.s32 $0x26, s28;
	[tilespmem:$0x1FFD0] =	vst v61  }
0x45: {  	s24 =	sadd.s32 $0x27, s28;
	v37 =	vmov s7;
	v38 =	vmov s17;
	v39 =	vmov s23;
	s23 =	simm.s32 $0x0;
	[sflag:s21] =	ssyncset.done $0x0;
	[tilespmem:$0x1FFE0] =	vst v62  }
0x46: {  	s1 =	simm.s32 $0xA200;
	v40 =	vmov s6;
	v41 =	vmov s8;
	v42 =	vmov s24;
	s24 =	simm.s32 $0x0;
	[tilespmem:$0x1FFF0] =	vst v63;
	[sflag:s21] =	ssyncadd.s32 $0xFFFFD800  }
.LBB2_5:
0x47: {  	v43 =	vld [tilespmem:s30+$0x0]  }
0x48: {  	v44 =	vld [tilespmem:s31+$0x0]  }
0x49: {  	v45 =	vld [tilespmem:s1+$0x0]  }
0x4a: {  	v0 =	vld [tilespmem:$0x1FEF0]  }
0x4b: {  	v15 =	vld [tilespmem:$0x1FF00]  }
0x4c: {  	v62 =	vld [tilespmem:$0x1FF10]  }
0x4d: {  	v4 =	vld [tilespmem:$0x1FF20]  }
0x4e: {  	v7 =	vld [tilespmem:$0x1FF40]  }
0x4f: {  	s6 =	sand.u32 $0x70, s24;
	s7 =	sand.u32 $0x400, s23;
	v1 =	vld [tilespmem:$0x1FFD0]  }
0x50: {  	v3 =	vld [tilespmem:$0x1FFF0];
	s17 =	sor.u32 s6, s7  }
0x51: {  	v46 =	vld [tilespmem:s17+$0x0]  }
0x52: {  	v47 =	vld [tilespmem:s17+$0x5000]  }
0x53: {  	v50 =	vld [tilespmem:s17+$0x100]  }
0x54: {  	v51 =	vld [tilespmem:s17+$0x5100]  }
0x55: {  	v54 =	vld [tilespmem:s17+$0x200]  }
0x56: {  	v55 =	vld [tilespmem:s17+$0x5200]  }
0x57: {  	v11 =	vld [tilespmem:s17+$0x300]  }
0x58: {  	s8 =	sand.u32 $0xFFFFFC00, s23;
	v57 =	vld [tilespmem:s17+$0x5300]  }
0x59: {  	s6 =	sadd.s32 s8, s24;
	v13 =	vld [tilespmem:s17+$0x800]  }
0x5a: {  	s8 =	sor.u32 $0x80, s6;
	v63 =	vld [tilespmem:s17+$0x900]  }
0x5b: {  	v48 =	vld [tilespmem:s8+$0x0]  }
0x5c: {  	v49 =	vld [tilespmem:s8+$0x5000];
	s8 =	sor.u32 $0x180, s6  }
0x5d: {  	v52 =	vld [tilespmem:s8+$0x0]  }
0x5e: {  	v53 =	vld [tilespmem:s8+$0x5000];
	s8 =	sor.u32 $0x280, s6  }
0x5f: {  	s7 =	sor.u32 s24, s23;
	v10 =	vld [tilespmem:s8+$0x0]  }
0x60: {  	v56 =	vld [tilespmem:s8+$0x5000];
	s8 =	sor.u32 $0x380, s7  }
0x61: {  	v12 =	vld [tilespmem:s8+$0x0];
	vm0 =	vgt.f32 v46, v43  }
0x62: {  	v60 =	vld [tilespmem:s8+$0x5000];
	s8 =	sor.u32 $0x880, s6;
	v58 =	vmul.f32 $1.442695020e+00, v47;
	v43 =	vsel vm0, v46, v43  }
0x63: {  	v17 =	vld [tilespmem:s8+$0x0];
	v59 =	vmul.f32 $1.442695020e+00, v49;
	vm1 =	vgt.f32 v48, v43  }
0x64: {  	v45 =	vsel vm0, v47, v45;
	v47 =	vld [tilespmem:s17+$0x5800];
	(erf) = vpow2.f32 v58;
	v43 =	vsel vm1, v48, v43  }
0x65: {  	(erf) = vpow2.f32 v59;
	v59 =	vld [tilespmem:s8+$0x5000];
	vm2 =	vgt.f32 v50, v43  }
0x66: {  	v44 =	vsel vm0, v0, v44;
	v45 =	vsel vm1, v49, v45;
	v49 =	vld [tilespmem:s17+$0x5900];
	v43 =	vsel vm2, v50, v43  }
0x67: {  	v44 =	vsel vm1, v15, v44;
	s8 =	sor.u32 $0x980, s6;
	v15 =	vld [tilespmem:$0x1FF30];
	vm3 =	vgt.f32 v52, v43  }
0x68: {  	v16 =	vmul.f32 $1.442695020e+00, v51;
	v6 =	vld [tilespmem:s8+$0x0];
	v43 =	vsel vm3, v52, v43  }
0x69: {  	v58 =	vld [tilespmem:s8+$0x5000];
	vm10 =	vgt.f32 v54, v43  }
0x6a: {  	v61 =	vmul.f32 $1.442695020e+00, v53;
	(erf) = vpow2.f32 v16;
	v16 =	vld [tilespmem:s17+$0xA00];
	v43 =	vsel vm10, v54, v43  }
0x6b: {  	v5 =	vmul.f32 $1.442695020e+00, v55;
	s8 =	sor.u32 $0xA80, s6;
	v45 =	vsel vm2, v51, v45;
	v51 =	vld [tilespmem:s17+$0x5A00];
	vm11 =	vgt.f32 v10, v43  }
0x6c: {  	(erf) = vpow2.f32 v61;
	v9 =	vld [tilespmem:s8+$0x0];
	v43 =	vsel vm11, v10, v43  }
0x6d: {  	v14 =	vmul.f32 $1.442695020e+00, v56;
	(erf) = vpow2.f32 v5;
	v5 =	vld [tilespmem:s17+$0x1000];
	vm12 =	vgt.f32 v11, v43  }
0x6e: {  	v44 =	vsel vm2, v62, v44;
	v45 =	vsel vm3, v53, v45;
	v53 =	vld [tilespmem:s17+$0xB00];
	v43 =	vsel vm12, v11, v43  }
0x6f: {  	v8 =	vmul.f32 $1.442695020e+00, v57;
	v44 =	vsel vm3, v4, v44;
	v4 =	vld [tilespmem:$0x1FF70];
	vm13 =	vgt.f32 v12, v43  }
0x70: {  	(erf) = vpow2.f32 v14;
	v52 =	vld [tilespmem:s17+$0x6100];
	v43 =	vsel vm13, v12, v43  }
0x71: {  	(erf) = vpow2.f32 v8;
	v54 =	vld [tilespmem:s17+$0x5B00];
	vm14 =	vgt.f32 v13, v43  }
0x72: {  	v44 =	vsel vm10, v15, v44;
	v45 =	vsel vm10, v55, v45;
	v55 =	vld [tilespmem:s17+$0x6000];
	v43 =	vsel vm14, v13, v43  }
0x73: {  	v15 =	vmul.f32 $1.442695020e+00, v58;
	v44 =	vsel vm11, v7, v44;
	v11 =	vld [tilespmem:$0x1FF50];
	vm4 =	vgt.f32 v17, v43  }
0x74: {  	v45 =	vsel vm11, v56, v45;
	v10 =	vmul.f32 $1.442695020e+00, v60;
	v56 =	vld [tilespmem:s8+$0x5000];
	v43 =	vsel vm4, v17, v43  }
0x75: {  	s8 =	sor.u32 $0xB80, s7;
	v7 =	vmul.f32 $1.442695020e+00, v49;
	v45 =	vsel vm12, v57, v45;
	v12 =	vld [tilespmem:$0x1FF60];
	vm5 =	vgt.f32 v63, v43  }
0x76: {  	v14 =	vld [tilespmem:s8+$0x0];
	(erf) = vpow2.f32 v10;
	v45 =	vsel vm13, v60, v45;
	v43 =	vsel vm5, v63, v43  }
0x77: {  	v57 =	vld [tilespmem:s17+$0x6200];
	v13 =	vmul.f32 $1.442695020e+00, v47;
	v45 =	vsel vm14, v47, v45;
	vm15 =	vgt.f32 v6, v43  }
0x78: {  	v60 =	vld [tilespmem:s8+$0x5000];
	v44 =	vsel vm12, v11, v44;
	v11 =	vmul.f32 $1.442695020e+00, v51;
	v43 =	vsel vm15, v6, v43  }
0x79: {  	v17 =	vmul.f32 $1.442695020e+00, v59;
	(erf) = vpow2.f32 v13;
	v6 =	vld [tilespmem:$0x1FF80];
	vm6 =	vgt.f32 v16, v43  }
0x7a: {  	s8 =	sor.u32 $0x1080, s6;
	v45 =	vsel vm4, v59, v45;
	v44 =	vsel vm13, v12, v44;
	v43 =	vsel vm6, v16, v43;
	v16 =	vld [tilespmem:$0x1FF90]  }
0x7b: {  	v8 =	vld [tilespmem:s8+$0x0];
	v12 =	vmul.f32 $1.442695020e+00, v56;
	v44 =	vsel vm14, v4, v44;
	(erf) = vpow2.f32 v17  }
0x7c: {  	v59 =	vld [tilespmem:s8+$0x5000];
	v45 =	vsel vm5, v49, v45;
	v4 =	vmul.f32 $1.442695020e+00, v54;
	vm7 =	vgt.f32 v9, v43  }
0x7d: {  	(erf) = vpow2.f32 v7;
	v45 =	vsel vm15, v58, v45;
	v43 =	vsel vm7, v9, v43;
	v9 =	vld [tilespmem:$0x1FFA0]  }
0x7e: {  	v13 =	vld [tilespmem:$0x1FFB0];
	v51 =	vsel vm6, v51, v45;
	v44 =	vsel vm4, v6, v44;
	vm8 =	vgt.f32 v53, v43  }
0x7f: {  	s8 =	sor.u32 $0x1180, s6;
	v63 =	vld [tilespmem:$0x1FFC0];
	v51 =	vsel vm7, v56, v51;
	v53 =	vsel vm8, v53, v43;
	v44 =	vsel vm5, v16, v44  }
0x80: {  	v62 =	vld [tilespmem:s8+$0x5000];
	(erf) = vpow2.f32 v15;
	v6 =	vsel vm8, v54, v51;
	vm9 =	vgt.f32 v14, v53  }
0x81: {  	v61 =	vld [tilespmem:s8+$0x0];
	v15 =	vmul.f32 $1.442695020e+00, v59;
	v43 =	vpop (erf);
	v46 =	vsel vm9, v14, v53;
	v50 =	vsel vm9, v60, v6  }
0x82: {  	v17 =	vld [tilespmem:s17+$0x1100];
	v10 =	vsel vm15, v9, v44;
	vm10 =	vgt.f32 v5, v46;
	v44 =	vpop (erf);
	(erf) = vpow2.f32 v11  }
0x83: {  	s8 =	sor.u32 $0x1280, s6;
	v7 =	vld [tilespmem:$0x1FFE0];
	v49 =	vsel vm6, v13, v10;
	v48 =	vsel vm10, v5, v46;
	v5 =	vmul.f32 $1.442695020e+00, v60  }
0x84: {  	v0 =	vld [tilespmem:s8+$0x5000];
	v50 =	vsel vm10, v55, v50;
	(erf) = vpow2.f32 v12;
	v49 =	vsel vm7, v63, v49  }
0x85: {  	v58 =	vld [tilespmem:s17+$0x1300];
	vm11 =	vgt.f32 v8, v48;
	v12 =	vmul.f32 $1.442695020e+00, v62;
	v43 =	vadd.f32 v44, v43  }
0x86: {  	v14 =	vld [tilespmem:s17+$0x1200];
	v45 =	vpop (erf);
	(erf) = vpow2.f32 v4;
	v49 =	vsel vm8, v1, v49;
	v48 =	vsel vm11, v8, v48  }
0x87: {  	v56 =	vld [tilespmem:s17+$0x1800];
	v8 =	vmul.f32 $1.442695020e+00, v55;
	v11 =	vsel vm11, v59, v50;
	vm12 =	vgt.f32 v17, v48  }
0x88: {  	v63 =	vld [tilespmem:s8+$0x0];
	s8 =	sor.u32 $0x1380, s7;
	v46 =	vpop (erf);
	(erf) = vpow2.f32 v5;
	v49 =	vsel vm9, v7, v49;
	v9 =	vsel vm12, v17, v48  }
0x89: {  	v2 =	vld [tilespmem:s8+$0x5000];
	v47 =	vpop (erf);
	v5 =	vmul.f32 $1.442695020e+00, v0;
	(erf) = vpow2.f32 v8;
	vm13 =	vgt.f32 v61, v9  }
0x8a: {  	v54 =	vld [tilespmem:s17+$0x6300];
	v49 =	vsel vm10, v3, v49;
	v8 =	vmul.f32 $1.442695020e+00, v52;
	v16 =	vsel vm13, v61, v9  }
0x8b: {  	v55 =	vld [tilespmem:s17+$0x6800];
	v53 =	vsel vm12, v52, v11;
	v48 =	vpop (erf);
	(erf) = vpow2.f32 v15;
	vm0 =	vgt.f32 v14, v16  }
0x8c: {  	v10 =	vld [tilespmem:s8+$0x0];
	s8 =	sor.u32 $0x1880, s6;
	v17 =	vsel vm11, v20, v49;
	v15 =	vmul.f32 $1.442695020e+00, v57;
	v51 =	vsel vm0, v14, v16  }
0x8d: {  	v4 =	vld [tilespmem:s8+$0x5000];
	v60 =	vsel vm12, v21, v17;
	v62 =	vsel vm13, v62, v53;
	vm1 =	vgt.f32 v63, v51  }
0x8e: {  	v9 =	vld [tilespmem:s8+$0x0];
	s8 =	sor.u32 $0x1980, s6;
	v49 =	vpop (erf);
	(erf) = vpow2.f32 v8;
	v11 =	vmul.f32 $1.442695020e+00, v2;
	v13 =	vsel vm1, v63, v51  }
0x8f: {  	v6 =	vld [tilespmem:s8+$0x5000];
	v50 =	vpop (erf);
	(erf) = vpow2.f32 v12;
	v57 =	vsel vm0, v57, v62;
	vm2 =	vgt.f32 v58, v13  }
0x90: {  	v12 =	vmul.f32 $1.442695020e+00, v55;
	v52 =	vpop (erf);
	v51 =	vsel vm13, v22, v60;
	v58 =	vsel vm2, v58, v13  }
0x91: {  	v59 =	vld [tilespmem:s17+$0x6900];
	v53 =	vpop (erf);
	(erf) = vpow2.f32 v15;
	v0 =	vsel vm1, v0, v57;
	vm3 =	vgt.f32 v10, v58  }
0x92: {  	v14 =	vld [tilespmem:s17+$0x1900];
	(erf) = vpow2.f32 v5;
	v62 =	vpop (erf);
	v0 =	vsel vm2, v54, v0;
	v1 =	vsel vm3, v10, v58  }
0x93: {  	v3 =	vld [tilespmem:s17+$0x1B00];
	v7 =	vpop (erf);
	v13 =	vmul.f32 $1.442695020e+00, v4;
	v10 =	vmul.f32 $1.442695020e+00, v54;
	vm4 =	vgt.f32 v56, v1  }
0x94: {  	v16 =	vld [tilespmem:s8+$0x0];
	v15 =	vmul.f32 $1.442695020e+00, v6;
	v7 =	vadd.f32 v7, v62;
	v1 =	vsel vm4, v56, v1  }
0x95: {  	v17 =	vld [tilespmem:s17+$0x1A00];
	v0 =	vsel vm3, v2, v0;
	(erf) = vpow2.f32 v10;
	vm5 =	vgt.f32 v9, v1  }
0x96: {  	v60 =	vld [tilespmem:s17+$0x6A00];
	v57 =	vpop (erf);
	v0 =	vsel vm4, v55, v0;
	(erf) = vpow2.f32 v11;
	v1 =	vsel vm5, v9, v1  }
0x97: {  	v8 =	vld [tilespmem:s17+$0x6B00];
	s8 =	sor.u32 $0x1A80, s6;
	v9 =	vpop (erf);
	(erf) = vpow2.f32 v12;
	v0 =	vsel vm5, v4, v0;
	vm6 =	vgt.f32 v14, v1  }
0x98: {  	v5 =	vld [tilespmem:s8+$0x5000];
	(erf) = vpow2.f32 v13;
	v63 =	vpop (erf);
	v1 =	vsel vm6, v14, v1;
	v14 =	vmul.f32 $1.442695020e+00, v59  }
0x99: {  	v56 =	vld [tilespmem:s8+$0x0];
	v9 =	vadd.f32 v9, v57;
	v10 =	vpop (erf);
	v0 =	vsel vm6, v59, v0;
	vm7 =	vgt.f32 v16, v1  }
0x9a: {  	v61 =	vld [tilespmem:s17+$0x2000];
	s8 =	sor.u32 $0x1B80, s7;
	v59 =	vpop (erf);
	v10 =	vadd.f32 v10, v63;
	v1 =	vsel vm7, v16, v1;
	(erf) = vpow2.f32 v14  }
0x9b: {  	v55 =	vld [tilespmem:s8+$0x5000];
	v16 =	vmul.f32 $1.442695020e+00, v60;
	v0 =	vsel vm7, v6, v0;
	v12 =	vpop (erf);
	vm8 =	vgt.f32 v17, v1  }
0x9c: {  	v2 =	vld [tilespmem:s17+$0x7000];
	(erf) = vpow2.f32 v15;
	v12 =	vadd.f32 v12, v59;
	v9 =	vadd.f32 v10, v9  }
0x9d: {  	v54 =	vld [tilespmem:s8+$0x0];
	s8 =	sor.u32 $0x2080, s6;
	v1 =	vsel vm8, v17, v1;
	v17 =	vmul.f32 $1.442695020e+00, v5;
	(erf) = vpow2.f32 v16  }
0x9e: {  	v11 =	vld [tilespmem:s8+$0x5000];
	v0 =	vsel vm8, v60, v0;
	v16 =	vmul.f32 $1.442695020e+00, v8;
	v60 =	vpop (erf);
	vm9 =	vgt.f32 v56, v1  }
0x9f: {  	v58 =	vld [tilespmem:s8+$0x0];
	v13 =	vpop (erf);
	v1 =	vsel vm9, v56, v1;
	(erf) = vpow2.f32 v17;
	v0 =	vsel vm9, v5, v0  }
0xa0: {  	v4 =	vld [tilespmem:s17+$0x2100];
	v17 =	vmul.f32 $1.442695020e+00, v55;
	v13 =	vadd.f32 v13, v60;
	vm10 =	vgt.f32 v3, v1  }
0xa1: {  	s8 =	sor.u32 $0x2180, s6;
	v56 =	vld [tilespmem:s17+$0x7100];
	(erf) = vpow2.f32 v16;
	v1 =	vsel vm10, v3, v1;
	v3 =	vmul.f32 $1.442695020e+00, v2  }
0xa2: {  	v6 =	vld [tilespmem:s8+$0x5000];
	v0 =	vsel vm10, v8, v0;
	v8 =	vpop (erf);
	(erf) = vpow2.f32 v17;
	vm11 =	vgt.f32 v54, v1  }
0xa3: {  	s6 =	sor.u32 $0x2280, s6;
	v14 =	vpop (erf);
	v1 =	vsel vm11, v54, v1;
	v54 =	vld [tilespmem:s17+$0x7200];
	v0 =	vsel vm11, v55, v0;
	v55 =	vmul.f32 $1.442695020e+00, v11  }
0xa4: {  	v15 =	vld [tilespmem:s6+$0x5000];
	v16 =	vpop (erf);
	(erf) = vpow2.f32 v3;
	v8 =	vadd.f32 v14, v8;
	vm12 =	vgt.f32 v61, v1  }
0xa5: {  	v5 =	vld [tilespmem:s8+$0x0];
	v1 =	vsel vm12, v61, v1;
	v0 =	vsel vm12, v2, v0;
	v3 =	vpop (erf);
	(erf) = vpow2.f32 v55  }
0xa6: {  	v2 =	vld [tilespmem:s17+$0x7300];
	v55 =	vmul.f32 $1.442695020e+00, v56;
	vm13 =	vgt.f32 v58, v1;
	v3 =	vadd.f32 v3, v16  }
0xa7: {  	s7 =	sor.u32 $0x2380, s7;
	v17 =	vpop (erf);
	v1 =	vsel vm13, v58, v1;
	v0 =	vsel vm13, v11, v0;
	v11 =	vmul.f32 $1.442695020e+00, v6  }
0xa8: {  	v61 =	vld [tilespmem:s7+$0x5000];
	v58 =	vpop (erf);
	(erf) = vpow2.f32 v55;
	vm14 =	vgt.f32 v4, v1;
	v55 =	vmul.f32 $1.442695020e+00, v54  }
0xa9: {  	v17 =	vadd.f32 v58, v17;
	v3 =	vadd.f32 v3, v8;
	v1 =	vsel vm14, v4, v1  }
0xaa: {  	(erf) = vpow2.f32 v11;
	v4 =	vmul.f32 $1.442695020e+00, v15;
	v0 =	vsel vm14, v56, v0  }
0xab: {  	v18 =	vpop (erf);
	v56 =	vld [tilespmem:s17+$0x2200];
	(erf) = vpow2.f32 v55;
	v55 =	vmul.f32 $1.442695020e+00, v2;
	vm15 =	vgt.f32 v5, v1  }
0xac: {  	v11 =	vpop (erf);
	v1 =	vsel vm15, v5, v1;
	v0 =	vsel vm15, v6, v0;
	v6 =	vadd.f32 v50, v49  }
0xad: {  	v50 =	vsel vm0, v23, v51;
	v19 =	vpop (erf);
	(erf) = vpow2.f32 v4;
	v4 =	vmul.f32 $1.442695020e+00, v61  }
0xae: {  	v44 =	vld [tilespmem:s6+$0x0];
	v50 =	vsel vm1, v24, v50;
	v11 =	vadd.f32 v11, v18;
	(erf) = vpow2.f32 v55  }
0xaf: {  	v5 =	vpop (erf);
	v57 =	vsel vm2, v25, v50;
	(erf) = vpow2.f32 v4;
	v4 =	vadd.f32 v46, v45  }
0xb0: {  	v45 =	vadd.f32 v48, v47;
	v46 =	vpop (erf);
	v47 =	vadd.f32 v53, v52;
	vm0 =	vgt.f32 v56, v1  }
0xb1: {  	v16 =	vsel vm3, v26, v57;
	v5 =	vadd.f32 v5, v19;
	v11 =	vadd.f32 v11, v17;
	v48 =	vpop (erf)  }
0xb2: {  	v1 =	vsel vm0, v56, v1;
	v16 =	vsel vm4, v27, v16;
	v0 =	vsel vm0, v54, v0;
	v49 =	vpop (erf)  }
0xb3: {  	vm1 =	vgt.f32 v44, v1;
	v19 =	vadd.f32 v48, v46;
	v16 =	vsel vm5, v28, v16;
	v62 =	vpop (erf)  }
0xb4: {  	v4 =	vadd.f32 v4, v43;
	v6 =	vadd.f32 v6, v45;
	v16 =	vsel vm6, v29, v16;
	v63 =	vpop (erf)  }
0xb5: {  	v7 =	vadd.f32 v7, v47;
	v45 =	vadd.f32 v13, v12;
	v16 =	vsel vm7, v30, v16;
	v56 =	vpop (erf)  }
0xb6: {  	v1 =	vsel vm1, v44, v1;
	v60 =	vadd.f32 v62, v49;
	v47 =	vsel vm8, v31, v16;
	v59 =	vpop (erf)  }
0xb7: {  	v5 =	vadd.f32 v19, v5;
	v4 =	vadd.f32 v6, v4;
	v48 =	vsel vm9, v32, v47;
	v18 =	vpop (erf)  }
0xb8: {  	v49 =	vld [tilespmem:s17+$0x2300];
	v51 =	vadd.f32 v9, v7;
	v3 =	vadd.f32 v3, v45;
	v8 =	vsel vm10, v33, v48;
	v62 =	vpop (erf)  }
0xb9: {  	v14 =	vadd.f32 v56, v63;
	v5 =	vadd.f32 v5, v11;
	v52 =	vsel vm11, v34, v8;
	v63 =	vpop (erf)  }
0xba: {  	v53 =	vld [tilespmem:s7+$0x0];
	v18 =	vadd.f32 v18, v59;
	v7 =	vsel vm12, v35, v52;
	v44 =	vadd.f32 v63, v62  }
0xbb: {  	v4 =	vadd.f32 v51, v4;
	v3 =	vadd.f32 v5, v3;
	v56 =	vsel vm13, v36, v7  }
0xbc: {  	v50 =	vadd.f32 v14, v60;
	v57 =	vsel vm14, v37, v56;
	v55 =	vadd.f32 v44, v18  }
0xbd: {  	v58 =	vld [tilespmem:s3+$0x0];
	v3 =	vadd.f32 v3, v4;
	vm14 =	vgt.f32 v49, v1;
	v5 =	vsel vm15, v38, v57  }
0xbe: {  	v1 =	vsel vm14, v49, v1;
	v60 =	vsel vm0, v39, v5;
	v59 =	vadd.f32 v55, v50  }
0xbf: {  	p0 =	sne.s32 s24, $0xF0;
	v0 =	vsel vm1, v15, v0;
	vm15 =	vgt.f32 v53, v1;
	v4 =	vsel vm1, v40, v60  }
.Ltmp1:
0xc0: {  	v1 =	vsel vm15, v53, v1;
	v4 =	vsel vm14, v41, v4;
	v3 =	vadd.f32 v59, v3;
	(pc) =	sbr.rel @p0 .LBB2_5-.Ltmp1, $4  }
0xc1: {  	v0 =	vsel vm14, v2, v0;
	[tilespmem:s30+$0x0] =	vst v1;
	v62 =	vsel vm15, v42, v4  }
0xc2: {  	v0 =	vsel vm15, v61, v0;
	[tilespmem:s31+$0x0] =	vst v62;
	v63 =	vadd.f32 v3, v58  }
0xc3: {  	s23 =	sadd.s32 $0x80, s23;
	s24 =	sadd.s32 $0x10, s24;
	s30 =	sadd.s32 $0x10, s30;
	[tilespmem:s1+$0x0] =	vst v0  }
0xc4: {  	s31 =	sadd.s32 $0x10, s31;
	s1 =	sadd.s32 $0x10, s1;
	[tilespmem:s3+$0x0] =	vst v63;
	s3 =	sadd.s32 $0x10, s3  }
0xc5: {  	s1 =	smul.u32 $0x140000, s26;
	_ =	sdelay $0x1  }
0xc6: {  	s1 =	sadd.s32 s10, s1  }
0xc7: {  	s1 =	sshrl.u32 s1, $0x3  }
0xc8: {  	s30 =	simm.s32 $0x0;
	s3 =	sadd.s32 s0, s1  }
0xc9: {  	[tilespmem:s30], [sflag:$0x1] =	stream.strided.gather [hbm4b:s3+s14], $0x2800, s15, s14, $0x38;
	[tilespmem:$0xA680] =	vst v63  }
0xca: {  	s1 =	sadd.s32 s2, s1  }
0xcb: {  	[tilespmem:s16], [sflag:$0x1] =	stream.strided.gather [hbm4b:s1+s14], $0x2800, s15, s14, $0x38;
	[tilespmem:$0xA680] =	vst v63  }
0xcc: {  	_ =	swait.ge [sflag:s22], $0x2800  }
0xcd: {  	[sflag:s22] =	ssyncset.done $0x0  }
0xce: {  	[sflag:s22] =	ssyncadd.s32 $0xFFFFD800  }
0xcf: {  	s17 =	sadd.s32 $0x29, s28;
	v0 =	vmov s29;
	_ =	swait.ge [sflag:s22], $0x2800  }
0xd0: {  	s23 =	sadd.s32 $0x2A, s28;
	v48 =	vmov s17;
	[tilespmem:$0x1FDE0] =	vst v0  }
0xd1: {  	s6 =	sadd.s32 $0x2B, s28;
	v49 =	vmov s23;
	[tilespmem:$0x1FDF0] =	vst v48  }
0xd2: {  	s7 =	sadd.s32 $0x2C, s28;
	v50 =	vmov s6;
	[tilespmem:$0x1FE00] =	vst v49  }
0xd3: {  	s8 =	sadd.s32 $0x2D, s28;
	s24 =	sadd.s32 $0x2E, s28;
	s29 =	sadd.s32 $0x2F, s28;
	v51 =	vmov s7;
	[tilespmem:$0x1FE10] =	vst v50  }
0xd4: {  	s31 =	sadd.s32 $0x30, s28;
	v52 =	vmov s8;
	s8 =	sadd.s32 $0x31, s28;
	s17 =	sadd.s32 $0x32, s28;
	[tilespmem:$0x1FE20] =	vst v51  }
0xd5: {  	v53 =	vmov s24;
	s23 =	sadd.s32 $0x33, s28;
	v54 =	vmov s29;
	s24 =	sadd.s32 $0x34, s28;
	s29 =	sadd.s32 $0x35, s28;
	[tilespmem:$0x1FE30] =	vst v52  }
0xd6: {  	v55 =	vmov s31;
	s31 =	sadd.s32 $0x36, s28;
	s7 =	sadd.s32 $0x49, s28;
	v56 =	vmov s8;
	s8 =	sadd.s32 $0x37, s28;
	[tilespmem:$0x1FE40] =	vst v53  }
0xd7: {  	v57 =	vmov s17;
	v58 =	vmov s23;
	v59 =	vmov s24;
	s17 =	sadd.s32 $0x38, s28;
	s23 =	sadd.s32 $0x39, s28;
	s24 =	sadd.s32 $0x3A, s28;
	[tilespmem:$0x1FE50] =	vst v54  }
0xd8: {  	v60 =	vmov s29;
	v61 =	vmov s31;
	s29 =	sadd.s32 $0x3B, s28;
	s31 =	sadd.s32 $0x3C, s28;
	v62 =	vmov s8;
	s8 =	sadd.s32 $0x3D, s28;
	[tilespmem:$0x1FE60] =	vst v55  }
0xd9: {  	v63 =	vmov s17;
	v20 =	vmov s23;
	v21 =	vmov s24;
	s17 =	sadd.s32 $0x3E, s28;
	s23 =	sadd.s32 $0x3F, s28;
	s24 =	sadd.s32 $0x40, s28;
	[tilespmem:$0x1FE70] =	vst v56  }
0xda: {  	v22 =	vmov s29;
	v23 =	vmov s31;
	s29 =	sadd.s32 $0x41, s28;
	s31 =	sadd.s32 $0x42, s28;
	v24 =	vmov s8;
	s8 =	sadd.s32 $0x43, s28;
	[tilespmem:$0x1FE80] =	vst v57  }
0xdb: {  	v25 =	vmov s17;
	v26 =	vmov s23;
	v27 =	vmov s24;
	s17 =	sadd.s32 $0x44, s28;
	s23 =	sadd.s32 $0x45, s28;
	s24 =	sadd.s32 $0x46, s28;
	[tilespmem:$0x1FE90] =	vst v58  }
0xdc: {  	v28 =	vmov s29;
	v29 =	vmov s31;
	s29 =	sadd.s32 $0x47, s28;
	s31 =	sadd.s32 $0x48, s28;
	v30 =	vmov s8;
	s8 =	sadd.s32 $0x4A, s28;
	[tilespmem:$0x1FEA0] =	vst v59  }
0xdd: {  	v31 =	vmov s17;
	v32 =	vmov s23;
	v33 =	vmov s24;
	s17 =	sadd.s32 $0x4B, s28;
	s23 =	sadd.s32 $0x4C, s28;
	s24 =	sadd.s32 $0x4D, s28;
	[tilespmem:$0x1FEB0] =	vst v60  }
0xde: {  	v36 =	vmov s7;
	v34 =	vmov s29;
	v35 =	vmov s31;
	s29 =	sadd.s32 $0x4E, s28;
	s31 =	sadd.s32 $0x4F, s28;
	s28 =	simm.s32 $0xA000;
	[tilespmem:$0x1FEC0] =	vst v61  }
0xdf: {  	s3 =	simm.s32 $0xA200;
	v37 =	vmov s8;
	v38 =	vmov s17;
	v39 =	vmov s23;
	s23 =	simm.s32 $0xA300;
	[sflag:s22] =	ssyncset.done $0x0;
	[tilespmem:$0x1FED0] =	vst v62  }
0xe0: {  	v40 =	vmov s24;
	v41 =	vmov s29;
	v42 =	vmov s31;
	s24 =	simm.s32 $0x0;
	s1 =	simm.s32 $0xA100;
	[tilespmem:$0x1FEE0] =	vst v63;
	[sflag:s22] =	ssyncadd.s32 $0xFFFFD800  }
.LBB2_7:
0xe1: {  	v0 =	vld [tilespmem:s28+$0x0]  }
0xe2: {  	v1 =	vld [tilespmem:s1+$0x0]  }
0xe3: {  	v2 =	vld [tilespmem:s3+$0x0]  }
0xe4: {  	v3 =	vld [tilespmem:$0x1FDE0]  }
0xe5: {  	v14 =	vld [tilespmem:$0x1FDF0]  }
0xe6: {  	v58 =	vld [tilespmem:$0x1FE00]  }
0xe7: {  	v60 =	vld [tilespmem:$0x1FE10]  }
0xe8: {  	v7 =	vld [tilespmem:$0x1FE20]  }
0xe9: {  	s6 =	sand.u32 $0x70, s24;
	s7 =	sand.u32 $0x400, s30;
	v9 =	vld [tilespmem:$0x1FE30]  }
0xea: {  	v4 =	vld [tilespmem:$0x1FEE0];
	s17 =	sor.u32 s6, s7  }
0xeb: {  	v43 =	vld [tilespmem:s17+$0x2800]  }
0xec: {  	v44 =	vld [tilespmem:s17+$0x7800]  }
0xed: {  	v47 =	vld [tilespmem:s17+$0x2900]  }
0xee: {  	v48 =	vld [tilespmem:s17+$0x7900]  }
0xef: {  	v51 =	vld [tilespmem:s17+$0x2A00]  }
0xf0: {  	v52 =	vld [tilespmem:s17+$0x7A00]  }
0xf1: {  	v11 =	vld [tilespmem:s17+$0x2B00]  }
0xf2: {  	v54 =	vld [tilespmem:s17+$0x7B00]  }
0xf3: {  	v13 =	vld [tilespmem:s17+$0x3000]  }
0xf4: {  	s8 =	sand.u32 $0xFFFFFC00, s30;
	v59 =	vld [tilespmem:s17+$0x3100]  }
0xf5: {  	s6 =	sadd.s32 s8, s24;
	v8 =	vld [tilespmem:s17+$0x3200]  }
0xf6: {  	s31 =	sor.u32 $0x80, s6;
	v63 =	vld [tilespmem:s17+$0x8200]  }
0xf7: {  	v45 =	vld [tilespmem:s31+$0x2800]  }
0xf8: {  	s8 =	sor.u32 $0x180, s6;
	v46 =	vld [tilespmem:s31+$0x7800]  }
0xf9: {  	v49 =	vld [tilespmem:s8+$0x2800]  }
0xfa: {  	s29 =	sor.u32 $0x280, s6;
	v50 =	vld [tilespmem:s8+$0x7800]  }
0xfb: {  	s7 =	sor.u32 s24, s30;
	v10 =	vld [tilespmem:s29+$0x2800]  }
0xfc: {  	v53 =	vld [tilespmem:s29+$0x7800];
	s31 =	sor.u32 $0x380, s7  }
0xfd: {  	v12 =	vld [tilespmem:s31+$0x2800];
	vm0 =	vgt.f32 v43, v0  }
0xfe: {  	s29 =	sor.u32 $0x880, s6;
	v57 =	vld [tilespmem:s31+$0x7800];
	v0 =	vsel vm0, v43, v0  }
0xff: {  	v16 =	vld [tilespmem:s29+$0x2800];
	s31 =	sor.u32 $0x980, s6;
	vm1 =	vgt.f32 v45, v0  }
0x100: {  	v62 =	vld [tilespmem:s31+$0x2800];
	v55 =	vmul.f32 $1.442695020e+00, v44;
	v15 =	vmul.f32 $1.442695020e+00, v48;
	v0 =	vsel vm1, v45, v0  }
0x101: {  	v56 =	vmul.f32 $1.442695020e+00, v46;
	v2 =	vsel vm0, v44, v2;
	v44 =	vld [tilespmem:s17+$0x8000];
	vm2 =	vgt.f32 v47, v0  }
0x102: {  	v61 =	vmul.f32 $1.442695020e+00, v52;
	(erf) = vpow2.f32 v55;
	v55 =	vld [tilespmem:s31+$0x7800];
	v0 =	vsel vm2, v47, v0  }
0x103: {  	v1 =	vsel vm0, v3, v1;
	(erf) = vpow2.f32 v56;
	v56 =	vld [tilespmem:s29+$0x7800];
	vm3 =	vgt.f32 v49, v0  }
0x104: {  	v17 =	vmul.f32 $1.442695020e+00, v50;
	v2 =	vsel vm1, v46, v2;
	v46 =	vld [tilespmem:s17+$0x8100];
	v0 =	vsel vm3, v49, v0  }
0x105: {  	v6 =	vmul.f32 $1.442695020e+00, v53;
	v1 =	vsel vm1, v14, v1;
	v14 =	vld [tilespmem:s17+$0x3300];
	vm10 =	vgt.f32 v51, v0  }
0x106: {  	s31 =	sor.u32 $0xB80, s7;
	(erf) = vpow2.f32 v15;
	v15 =	vld [tilespmem:$0x1FE50];
	v1 =	vsel vm2, v58, v1;
	v0 =	vsel vm10, v51, v0  }
0x107: {  	v2 =	vsel vm2, v48, v2;
	(erf) = vpow2.f32 v17;
	v17 =	vld [tilespmem:s31+$0x2800];
	vm11 =	vgt.f32 v10, v0  }
0x108: {  	v58 =	vld [tilespmem:s17+$0x8900];
	(erf) = vpow2.f32 v61;
	v1 =	vsel vm3, v60, v1;
	v0 =	vsel vm11, v10, v0  }
0x109: {  	v61 =	vld [tilespmem:$0x1FE60];
	v2 =	vsel vm3, v50, v2;
	(erf) = vpow2.f32 v6;
	vm12 =	vgt.f32 v11, v0  }
0x10a: {  	v60 =	vmul.f32 $1.442695020e+00, v56;
	v1 =	vsel vm10, v7, v1;
	v51 =	vld [tilespmem:s17+$0x8300];
	v0 =	vsel vm12, v11, v0  }
0x10b: {  	v6 =	vld [tilespmem:$0x1FE70];
	v2 =	vsel vm10, v52, v2;
	v10 =	vmul.f32 $1.442695020e+00, v54;
	vm13 =	vgt.f32 v12, v0  }
0x10c: {  	s29 =	sor.u32 $0xA80, s6;
	v52 =	vld [tilespmem:s17+$0x8800];
	v7 =	vmul.f32 $1.442695020e+00, v46;
	v1 =	vsel vm11, v9, v1;
	v0 =	vsel vm13, v12, v0  }
0x10d: {  	v2 =	vsel vm11, v53, v2;
	v53 =	vld [tilespmem:s29+$0x7800];
	(erf) = vpow2.f32 v10;
	vm14 =	vgt.f32 v13, v0  }
0x10e: {  	v9 =	vld [tilespmem:$0x1FE80];
	v2 =	vsel vm12, v54, v2;
	v12 =	vmul.f32 $1.442695020e+00, v57;
	v0 =	vsel vm14, v13, v0  }
0x10f: {  	v5 =	vmul.f32 $1.442695020e+00, v51;
	v2 =	vsel vm13, v57, v2;
	v13 =	vld [tilespmem:$0x1FE40];
	vm4 =	vgt.f32 v16, v0  }
0x110: {  	v43 =	vpop (erf);
	v11 =	vld [tilespmem:s29+$0x2800];
	(erf) = vpow2.f32 v12;
	v2 =	vsel vm14, v44, v2;
	v0 =	vsel vm4, v16, v0  }
0x111: {  	s29 =	sor.u32 $0x1080, s6;
	v10 =	vld [tilespmem:s17+$0x3900];
	v12 =	vmul.f32 $1.442695020e+00, v63;
	v16 =	vmul.f32 $1.442695020e+00, v44;
	v44 =	vpop (erf);
	vm5 =	vgt.f32 v59, v0  }
0x112: {  	v47 =	vld [tilespmem:s29+$0x2800];
	v2 =	vsel vm4, v56, v2;
	v43 =	vadd.f32 v44, v43;
	v0 =	vsel vm5, v59, v0  }
0x113: {  	v57 =	vld [tilespmem:s31+$0x7800];
	(erf) = vpow2.f32 v16;
	v2 =	vsel vm5, v46, v2;
	vm15 =	vgt.f32 v62, v0  }
0x114: {  	s31 =	sor.u32 $0x1180, s6;
	v56 =	vld [tilespmem:s29+$0x7800];
	v1 =	vsel vm12, v13, v1;
	(erf) = vpow2.f32 v60;
	v0 =	vsel vm15, v62, v0  }
0x115: {  	v59 =	vld [tilespmem:s31+$0x7800];
	v1 =	vsel vm13, v15, v1;
	(erf) = vpow2.f32 v7;
	vm6 =	vgt.f32 v8, v0  }
0x116: {  	v13 =	vld [tilespmem:s31+$0x2800];
	v2 =	vsel vm15, v55, v2;
	v1 =	vsel vm14, v61, v1;
	v0 =	vsel vm6, v8, v0  }
0x117: {  	v62 =	vld [tilespmem:s17+$0x3800];
	v1 =	vsel vm4, v6, v1;
	v8 =	vmul.f32 $1.442695020e+00, v55;
	vm7 =	vgt.f32 v11, v0  }
0x118: {  	v2 =	vsel vm6, v63, v2;
	v6 =	vmul.f32 $1.442695020e+00, v57;
	v0 =	vsel vm7, v11, v0;
	v11 =	vld [tilespmem:$0x1FE90]  }
0x119: {  	s29 =	sor.u32 $0x1280, s6;
	v15 =	vld [tilespmem:$0x1FEA0];
	v1 =	vsel vm5, v9, v1;
	v9 =	vmul.f32 $1.442695020e+00, v52;
	vm8 =	vgt.f32 v14, v0  }
0x11a: {  	v61 =	vld [tilespmem:s29+$0x7800];
	(erf) = vpow2.f32 v8;
	v0 =	vsel vm8, v14, v0;
	v14 =	vmul.f32 $1.442695020e+00, v53  }
0x11b: {  	v63 =	vld [tilespmem:$0x1FEB0];
	v2 =	vsel vm7, v53, v2;
	(erf) = vpow2.f32 v12;
	vm9 =	vgt.f32 v17, v0  }
0x11c: {  	v7 =	vld [tilespmem:$0x1FEC0];
	v2 =	vsel vm8, v51, v2;
	v0 =	vsel vm9, v17, v0;
	(erf) = vpow2.f32 v14  }
0x11d: {  	v8 =	vld [tilespmem:$0x1FED0];
	v2 =	vsel vm9, v57, v2;
	v1 =	vsel vm15, v11, v1;
	vm10 =	vgt.f32 v62, v0  }
0x11e: {  	v45 =	vpop (erf);
	s31 =	sor.u32 $0x1380, s7;
	v17 =	vld [tilespmem:s17+$0x8A00];
	(erf) = vpow2.f32 v5;
	v11 =	vmul.f32 $1.442695020e+00, v56;
	v1 =	vsel vm6, v15, v1  }
0x11f: {  	v46 =	vpop (erf);
	v57 =	vld [tilespmem:s31+$0x7800];
	v0 =	vsel vm10, v62, v0;
	(erf) = vpow2.f32 v6;
	v2 =	vsel vm10, v52, v2  }
0x120: {  	v16 =	vld [tilespmem:s17+$0x3A00];
	v15 =	vmul.f32 $1.442695020e+00, v61;
	v1 =	vsel vm7, v63, v1;
	vm11 =	vgt.f32 v47, v0  }
0x121: {  	v60 =	vld [tilespmem:s29+$0x2800];
	v1 =	vsel vm8, v7, v1;
	v0 =	vsel vm11, v47, v0;
	v47 =	vpop (erf);
	(erf) = vpow2.f32 v9  }
0x122: {  	v55 =	vld [tilespmem:s17+$0x9200];
	v2 =	vsel vm11, v56, v2;
	vm12 =	vgt.f32 v10, v0;
	v1 =	vsel vm9, v8, v1  }
0x123: {  	s29 =	sor.u32 $0x1880, s6;
	v62 =	vld [tilespmem:s17+$0x3B00];
	v48 =	vpop (erf);
	(erf) = vpow2.f32 v11;
	v8 =	vmul.f32 $1.442695020e+00, v58;
	v0 =	vsel vm12, v10, v0  }
0x124: {  	v56 =	vld [tilespmem:s29+$0x7800];
	v14 =	vmul.f32 $1.442695020e+00, v17;
	v11 =	vmul.f32 $1.442695020e+00, v57;
	vm13 =	vgt.f32 v13, v0  }
0x125: {  	v10 =	vld [tilespmem:s31+$0x2800];
	v1 =	vsel vm10, v4, v1;
	v2 =	vsel vm12, v58, v2;
	v0 =	vsel vm13, v13, v0  }
0x126: {  	v49 =	vpop (erf);
	v58 =	vld [tilespmem:s17+$0x9100];
	s31 =	sor.u32 $0x1980, s6;
	v1 =	vsel vm11, v20, v1;
	(erf) = vpow2.f32 v8;
	vm0 =	vgt.f32 v16, v0  }
0x127: {  	v6 =	vld [tilespmem:s31+$0x7800];
	v13 =	vmul.f32 $1.442695020e+00, v59;
	v1 =	vsel vm12, v21, v1;
	v0 =	vsel vm0, v16, v0  }
0x128: {  	v63 =	vld [tilespmem:s17+$0x8B00];
	v50 =	vpop (erf);
	v2 =	vsel vm13, v59, v2;
	v51 =	vsel vm13, v22, v1;
	vm1 =	vgt.f32 v60, v0  }
0x129: {  	v12 =	vld [tilespmem:s17+$0x4000];
	v52 =	vpop (erf);
	(erf) = vpow2.f32 v13;
	v16 =	vsel vm0, v17, v2;
	v0 =	vsel vm1, v60, v0  }
0x12a: {  	v5 =	vld [tilespmem:s17+$0x9000];
	v53 =	vpop (erf);
	v13 =	vmul.f32 $1.442695020e+00, v56;
	(erf) = vpow2.f32 v14;
	vm2 =	vgt.f32 v62, v0  }
0x12b: {  	v9 =	vld [tilespmem:s29+$0x2800];
	v14 =	vmul.f32 $1.442695020e+00, v58;
	(erf) = vpow2.f32 v15;
	v0 =	vsel vm2, v62, v0  }
0x12c: {  	v59 =	vpop (erf);
	v1 =	vsel vm1, v61, v16;
	v15 =	vmul.f32 $1.442695020e+00, v6;
	vm3 =	vgt.f32 v10, v0  }
0x12d: {  	v7 =	vpop (erf);
	v60 =	vld [tilespmem:s17+$0x4100];
	v16 =	vmul.f32 $1.442695020e+00, v55;
	v0 =	vsel vm3, v10, v0;
	v10 =	vmul.f32 $1.442695020e+00, v63  }
0x12e: {  	v54 =	vld [tilespmem:s17+$0x4300];
	v7 =	vadd.f32 v7, v59;
	v1 =	vsel vm2, v63, v1;
	vm4 =	vgt.f32 v12, v0  }
0x12f: {  	v62 =	vld [tilespmem:s31+$0x2800];
	v0 =	vsel vm4, v12, v0;
	(erf) = vpow2.f32 v10;
	v12 =	vmul.f32 $1.442695020e+00, v5  }
0x130: {  	v8 =	vld [tilespmem:s17+$0x9300];
	v63 =	vpop (erf);
	v1 =	vsel vm3, v57, v1;
	vm5 =	vgt.f32 v9, v0;
	(erf) = vpow2.f32 v11  }
0x131: {  	s29 =	sor.u32 $0x1A80, s6;
	v17 =	vld [tilespmem:s17+$0x4200];
	v1 =	vsel vm4, v5, v1;
	v0 =	vsel vm5, v9, v0;
	v9 =	vpop (erf);
	(erf) = vpow2.f32 v12  }
0x132: {  	v3 =	vld [tilespmem:s29+$0x7800];
	v1 =	vsel vm5, v56, v1;
	vm6 =	vgt.f32 v60, v0;
	(erf) = vpow2.f32 v13  }
0x133: {  	v4 =	vld [tilespmem:s29+$0x2800];
	s29 =	sor.u32 $0x2080, s6;
	v61 =	vpop (erf);
	v9 =	vadd.f32 v9, v63;
	v0 =	vsel vm6, v60, v0;
	(erf) = vpow2.f32 v14  }
0x134: {  	v2 =	vld [tilespmem:s29+$0x2800];
	s31 =	sor.u32 $0x1B80, s7;
	v10 =	vpop (erf);
	v1 =	vsel vm6, v58, v1;
	vm7 =	vgt.f32 v62, v0;
	(erf) = vpow2.f32 v15  }
0x135: {  	v60 =	vld [tilespmem:s31+$0x7800];
	v58 =	vpop (erf);
	v10 =	vadd.f32 v10, v61;
	v0 =	vsel vm7, v62, v0;
	v1 =	vsel vm7, v6, v1  }
0x136: {  	v57 =	vld [tilespmem:s17+$0x9800];
	v12 =	vpop (erf);
	(erf) = vpow2.f32 v16;
	v16 =	vmul.f32 $1.442695020e+00, v8;
	vm8 =	vgt.f32 v17, v0  }
0x137: {  	v5 =	vld [tilespmem:s31+$0x2800];
	v56 =	vpop (erf);
	v12 =	vadd.f32 v12, v58;
	v0 =	vsel vm8, v17, v0;
	v17 =	vmul.f32 $1.442695020e+00, v3  }
0x138: {  	v11 =	vld [tilespmem:s29+$0x7800];
	v9 =	vadd.f32 v10, v9;
	v1 =	vsel vm8, v55, v1;
	v13 =	vpop (erf);
	vm9 =	vgt.f32 v4, v0  }
0x139: {  	s31 =	sor.u32 $0x2180, s6;
	v62 =	vld [tilespmem:s17+$0x4800];
	v13 =	vadd.f32 v13, v56;
	v0 =	vsel vm9, v4, v0;
	(erf) = vpow2.f32 v17  }
0x13a: {  	v6 =	vld [tilespmem:s31+$0x7800];
	v1 =	vsel vm9, v3, v1;
	v17 =	vmul.f32 $1.442695020e+00, v60;
	vm10 =	vgt.f32 v54, v0  }
0x13b: {  	v55 =	vld [tilespmem:s17+$0x9900];
	v3 =	vmul.f32 $1.442695020e+00, v57;
	(erf) = vpow2.f32 v16;
	v0 =	vsel vm10, v54, v0  }
0x13c: {  	v4 =	vld [tilespmem:s17+$0x4900];
	v1 =	vsel vm10, v8, v1;
	v8 =	vpop (erf);
	(erf) = vpow2.f32 v17;
	vm11 =	vgt.f32 v5, v0  }
0x13d: {  	s29 =	sor.u32 $0x2280, s6;
	v14 =	vpop (erf);
	v0 =	vsel vm11, v5, v0;
	v5 =	vld [tilespmem:s17+$0x9A00];
	v1 =	vsel vm11, v60, v1;
	v60 =	vmul.f32 $1.442695020e+00, v11  }
0x13e: {  	v15 =	vld [tilespmem:s29+$0x7800];
	(erf) = vpow2.f32 v3;
	v16 =	vpop (erf);
	v8 =	vadd.f32 v14, v8;
	vm12 =	vgt.f32 v62, v0  }
0x13f: {  	v54 =	vld [tilespmem:s31+$0x2800];
	v0 =	vsel vm12, v62, v0;
	v1 =	vsel vm12, v57, v1;
	v57 =	vpop (erf);
	(erf) = vpow2.f32 v60  }
0x140: {  	s31 =	sor.u32 $0x2380, s7;
	v3 =	vld [tilespmem:s17+$0x9B00];
	v60 =	vmul.f32 $1.442695020e+00, v55;
	vm13 =	vgt.f32 v2, v0;
	v16 =	vadd.f32 v57, v16  }
0x141: {  	v62 =	vld [tilespmem:s31+$0x7800];
	v17 =	vpop (erf);
	v0 =	vsel vm13, v2, v0;
	v1 =	vsel vm13, v11, v1;
	v2 =	vmul.f32 $1.442695020e+00, v6  }
0x142: {  	v11 =	vpop (erf);
	(erf) = vpow2.f32 v60;
	vm14 =	vgt.f32 v4, v0;
	v60 =	vmul.f32 $1.442695020e+00, v5  }
0x143: {  	v11 =	vadd.f32 v11, v17;
	v8 =	vadd.f32 v16, v8;
	v0 =	vsel vm14, v4, v0  }
0x144: {  	v18 =	vpop (erf);
	(erf) = vpow2.f32 v2;
	v2 =	vmul.f32 $1.442695020e+00, v15;
	v1 =	vsel vm14, v55, v1  }
0x145: {  	v4 =	vpop (erf);
	(erf) = vpow2.f32 v60;
	v60 =	vmul.f32 $1.442695020e+00, v3;
	vm15 =	vgt.f32 v54, v0  }
0x146: {  	v55 =	vld [tilespmem:s17+$0x4A00];
	v19 =	vpop (erf);
	v4 =	vadd.f32 v4, v18;
	(erf) = vpow2.f32 v2;
	v2 =	vmul.f32 $1.442695020e+00, v62  }
0x147: {  	v0 =	vsel vm15, v54, v0;
	v54 =	vpop (erf);
	v1 =	vsel vm15, v6, v1;
	v6 =	vadd.f32 v50, v49  }
0x148: {  	(erf) = vpow2.f32 v60;
	v60 =	vsel vm0, v23, v51;
	v19 =	vadd.f32 v54, v19  }
0x149: {  	v44 =	vld [tilespmem:s29+$0x2800];
	v4 =	vadd.f32 v4, v11;
	(erf) = vpow2.f32 v2;
	v50 =	vsel vm1, v24, v60  }
0x14a: {  	v2 =	vadd.f32 v46, v45;
	v45 =	vadd.f32 v48, v47;
	v46 =	vpop (erf);
	v57 =	vsel vm2, v25, v50  }
0x14b: {  	v47 =	vadd.f32 v53, v52;
	v48 =	vpop (erf);
	vm0 =	vgt.f32 v55, v0;
	v18 =	vsel vm3, v26, v57  }
0x14c: {  	v49 =	vpop (erf);
	v0 =	vsel vm0, v55, v0;
	v46 =	vadd.f32 v48, v46;
	v18 =	vsel vm4, v27, v18  }
0x14d: {  	v2 =	vadd.f32 v2, v43;
	v6 =	vadd.f32 v6, v45;
	v61 =	vpop (erf);
	v18 =	vsel vm5, v28, v18  }
0x14e: {  	v7 =	vadd.f32 v7, v47;
	vm1 =	vgt.f32 v44, v0;
	v63 =	vpop (erf);
	v18 =	vsel vm6, v29, v18  }
0x14f: {  	v1 =	vsel vm0, v5, v1;
	v0 =	vsel vm1, v44, v0;
	v56 =	vpop (erf);
	v18 =	vsel vm7, v30, v18  }
0x150: {  	v60 =	vadd.f32 v61, v49;
	v49 =	vadd.f32 v13, v12;
	v58 =	vpop (erf);
	v50 =	vsel vm8, v31, v18  }
0x151: {  	v52 =	vadd.f32 v46, v19;
	v2 =	vadd.f32 v6, v2;
	v59 =	vpop (erf);
	v12 =	vsel vm9, v32, v50  }
0x152: {  	v51 =	vld [tilespmem:s17+$0x4B00];
	v53 =	vadd.f32 v9, v7;
	v14 =	vadd.f32 v56, v63;
	v61 =	vpop (erf);
	v12 =	vsel vm10, v33, v12  }
0x153: {  	v8 =	vadd.f32 v8, v49;
	v4 =	vadd.f32 v52, v4;
	v63 =	vpop (erf);
	v54 =	vsel vm11, v34, v12  }
0x154: {  	v55 =	vld [tilespmem:s31+$0x2800];
	v17 =	vadd.f32 v59, v58;
	v44 =	vadd.f32 v63, v61;
	v7 =	vsel vm12, v35, v54  }
0x155: {  	v2 =	vadd.f32 v53, v2;
	v4 =	vadd.f32 v4, v8;
	v57 =	vsel vm13, v36, v7  }
0x156: {  	v14 =	vadd.f32 v14, v60;
	v56 =	vadd.f32 v44, v17;
	v6 =	vsel vm14, v37, v57  }
0x157: {  	v59 =	vld [tilespmem:s23+$0x0];
	v2 =	vadd.f32 v4, v2;
	vm14 =	vgt.f32 v51, v0;
	v58 =	vsel vm15, v38, v6  }
0x158: {  	v0 =	vsel vm14, v51, v0;
	v60 =	vadd.f32 v56, v14;
	v61 =	vsel vm0, v39, v58  }
0x159: {  	p0 =	sne.s32 s24, $0xF0;
	v1 =	vsel vm1, v15, v1;
	vm15 =	vgt.f32 v55, v0;
	v4 =	vsel vm1, v40, v61  }
.Ltmp2:
0x15a: {  	v0 =	vsel vm15, v55, v0;
	v2 =	vadd.f32 v60, v2;
	v4 =	vsel vm14, v41, v4;
	(pc) =	sbr.rel @p0 .LBB2_7-.Ltmp2, $4  }
0x15b: {  	v1 =	vsel vm14, v3, v1;
	[tilespmem:s28+$0x0] =	vst v0;
	v63 =	vsel vm15, v42, v4  }
0x15c: {  	v1 =	vsel vm15, v62, v1;
	v2 =	vadd.f32 v2, v59;
	[tilespmem:s1+$0x0] =	vst v63  }
0x15d: {  	s30 =	sadd.s32 $0x80, s30;
	s24 =	sadd.s32 $0x10, s24;
	s28 =	sadd.s32 $0x10, s28;
	[tilespmem:s3+$0x0] =	vst v1  }
0x15e: {  	s1 =	sadd.s32 $0x10, s1;
	s3 =	sadd.s32 $0x10, s3;
	[tilespmem:s23+$0x0] =	vst v2;
	s23 =	sadd.s32 $0x10, s23  }
0x15f: {  	s26 =	sadd.s32 $0x1, s26  }
0x160: {  	p0 =	sne.s32 s26, $0xC  }
.Ltmp3:
0x161: {  	_ = 	snop;
	(pc) =	sbr.rel @p0 .LBB2_4-.Ltmp3, $1  }
0x162: {  	_ =	sdelay $0x3  }
0x163: {  	_ =	swait.ge [sflag:s21], $0x2800  }
0x164: {  	[sflag:s21] =	ssyncset.done $0x0  }
0x165: {  	[sflag:s21] =	ssyncadd.s32 $0xFFFFD800  }
0x166: {  	s1 =	simm.s32 $0x0;
	s26 =	simm.s32 $0xA000;
	_ =	swait.ge [sflag:s21], $0x2800  }
0x167: {  	s3 =	simm.s32 $0xA100;
	s23 =	simm.s32 $0xA200;
	[sflag:s21] =	ssyncset.done $0x0  }
0x168: {  	s24 =	simm.s32 $0xA300;
	s28 =	simm.s32 $0x0;
	[sflag:s21] =	ssyncadd.s32 $0xFFFFD800  }
.LBB2_10:
0x169: {  	v0 =	vld [tilespmem:s26+$0x0]  }
0x16a: {  	s6 =	sand.u32 $0x70, s28;
	v1 =	vld [tilespmem:s3+$0x0];
	s7 =	sand.u32 $0x400, s1  }
0x16b: {  	v2 =	vld [tilespmem:s23+$0x0];
	s29 =	sor.u32 s6, s7  }
0x16c: {  	v3 =	vld [tilespmem:s29+$0x0]  }
0x16d: {  	v4 =	vld [tilespmem:s29+$0x5000]  }
0x16e: {  	v7 =	vld [tilespmem:s29+$0x100]  }
0x16f: {  	v8 =	vld [tilespmem:s29+$0x5100]  }
0x170: {  	v21 =	vld [tilespmem:s29+$0x5200]  }
0x171: {  	v25 =	vld [tilespmem:s29+$0x5300]  }
0x172: {  	v31 =	vld [tilespmem:s29+$0x5800]  }
0x173: {  	v37 =	vld [tilespmem:s29+$0x5900]  }
0x174: {  	v43 =	vld [tilespmem:s29+$0x5A00]  }
0x175: {  	s8 =	sand.u32 $0xFFFFFC00, s1;
	v48 =	vld [tilespmem:s29+$0x5B00]  }
0x176: {  	s6 =	sadd.s32 s8, s28;
	v54 =	vld [tilespmem:s29+$0x6000]  }
0x177: {  	s31 =	sor.u32 $0x80, s6;
	v18 =	vld [tilespmem:s29+$0x6100]  }
0x178: {  	v5 =	vld [tilespmem:s31+$0x0]  }
0x179: {  	s8 =	sor.u32 $0x180, s6;
	v6 =	vld [tilespmem:s31+$0x5000]  }
0x17a: {  	v9 =	vld [tilespmem:s8+$0x0]  }
0x17b: {  	s17 =	sor.u32 $0x280, s6;
	v11 =	vld [tilespmem:s8+$0x5000]  }
0x17c: {  	s7 =	sor.u32 s28, s1;
	v13 =	vld [tilespmem:s17+$0x0]  }
0x17d: {  	s30 =	sor.u32 $0x380, s7;
	v14 =	vld [tilespmem:s17+$0x5000]  }
0x17e: {  	v27 =	vld [tilespmem:s30+$0x0]  }
0x17f: {  	v29 =	vld [tilespmem:s30+$0x5000];
	s31 =	sor.u32 $0x880, s6  }
0x180: {  	v33 =	vld [tilespmem:s31+$0x0];
	v10 =	vmul.f32 $1.442695020e+00, v4;
	v23 =	vmul.f32 $1.442695020e+00, v8  }
0x181: {  	s17 =	sor.u32 $0x980, s6;
	v35 =	vld [tilespmem:s31+$0x5000];
	v28 =	vmul.f32 $1.442695020e+00, v21;
	v34 =	vmul.f32 $1.442695020e+00, v25  }
0x182: {  	s30 =	sor.u32 $0xA80, s6;
	v41 =	vld [tilespmem:s17+$0x5000];
	v40 =	vmul.f32 $1.442695020e+00, v31;
	v45 =	vmul.f32 $1.442695020e+00, v37  }
0x183: {  	v46 =	vld [tilespmem:s30+$0x5000];
	vm0 =	vgt.f32 v3, v0;
	v51 =	vmul.f32 $1.442695020e+00, v43;
	v56 =	vmul.f32 $1.442695020e+00, v48  }
0x184: {  	v39 =	vld [tilespmem:s17+$0x0];
	s31 =	sor.u32 $0xB80, s7;
	v59 =	vmul.f32 $1.442695020e+00, v54;
	v62 =	vmul.f32 $1.442695020e+00, v18;
	v0 =	vsel vm0, v3, v0  }
0x185: {  	s17 =	sor.u32 $0x1080, s6;
	v52 =	vld [tilespmem:s31+$0x5000];
	v1 =	vsel vm0, $0x3C0, v1;
	v22 =	vmul.f32 $1.442695020e+00, v6;
	v26 =	vmul.f32 $1.442695020e+00, v11  }
0x186: {  	v17 =	vld [tilespmem:s17+$0x5000];
	v2 =	vsel vm0, v4, v2;
	v32 =	vmul.f32 $1.442695020e+00, v14;
	v38 =	vmul.f32 $1.442695020e+00, v29  }
0x187: {  	(erf) = vpow2.f32 v10;
	vm14 =	vgt.f32 v5, v0;
	v44 =	vmul.f32 $1.442695020e+00, v35  }
0x188: {  	v12 =	vld [tilespmem:s29+$0x200];
	v49 =	vmul.f32 $1.442695020e+00, v41;
	v55 =	vmul.f32 $1.442695020e+00, v46;
	v0 =	vsel vm14, v5, v0  }
0x189: {  	(erf) = vpow2.f32 v22;
	v1 =	vsel vm14, $0x3C1, v1;
	vm15 =	vgt.f32 v7, v0  }
0x18a: {  	v2 =	vsel vm14, v6, v2;
	v58 =	vmul.f32 $1.442695020e+00, v52;
	v0 =	vsel vm15, v7, v0  }
0x18b: {  	v24 =	vld [tilespmem:s29+$0x300];
	v61 =	vmul.f32 $1.442695020e+00, v17;
	(erf) = vpow2.f32 v23;
	vm4 =	vgt.f32 v9, v0  }
0x18c: {  	v30 =	vld [tilespmem:s29+$0x800];
	v1 =	vsel vm15, $0x3C2, v1;
	(erf) = vpow2.f32 v26;
	v0 =	vsel vm4, v9, v0  }
0x18d: {  	v50 =	vld [tilespmem:s31+$0x0];
	s31 =	sor.u32 $0x1280, s6;
	v2 =	vsel vm15, v8, v2;
	(erf) = vpow2.f32 v28;
	vm5 =	vgt.f32 v12, v0  }
0x18e: {  	v63 =	vld [tilespmem:s31+$0x5000];
	v1 =	vsel vm4, $0x3C3, v1;
	(erf) = vpow2.f32 v32;
	v0 =	vsel vm5, v12, v0  }
0x18f: {  	v22 =	vld [tilespmem:s31+$0x0];
	s31 =	sor.u32 $0x1980, s6;
	v2 =	vsel vm4, v11, v2;
	(erf) = vpow2.f32 v34;
	vm6 =	vgt.f32 v13, v0  }
0x190: {  	v26 =	vld [tilespmem:s31+$0x5000];
	v1 =	vsel vm5, $0x3C4, v1;
	(erf) = vpow2.f32 v38;
	v0 =	vsel vm6, v13, v0  }
0x191: {  	v2 =	vsel vm5, v21, v2;
	(erf) = vpow2.f32 v40;
	vm7 =	vgt.f32 v24, v0  }
0x192: {  	v21 =	vld [tilespmem:s29+$0x6200];
	v1 =	vsel vm6, $0x3C5, v1;
	(erf) = vpow2.f32 v44;
	v0 =	vsel vm7, v24, v0  }
0x193: {  	v36 =	vld [tilespmem:s29+$0x900];
	v2 =	vsel vm6, v14, v2;
	(erf) = vpow2.f32 v45;
	vm8 =	vgt.f32 v27, v0  }
0x194: {  	v15 =	vld [tilespmem:s30+$0x0];
	s30 =	sor.u32 $0x1180, s6;
	v3 =	vpop (erf);
	v1 =	vsel vm7, $0x3C6, v1;
	v2 =	vsel vm7, v25, v2;
	v0 =	vsel vm8, v27, v0  }
0x195: {  	v19 =	vld [tilespmem:s30+$0x0];
	v4 =	vpop (erf);
	(erf) = vpow2.f32 v49;
	v49 =	vmul.f32 $1.442695020e+00, v26;
	vm9 =	vgt.f32 v30, v0  }
0x196: {  	v60 =	vld [tilespmem:s30+$0x5000];
	s30 =	sor.u32 $0x1880, s6;
	v3 =	vadd.f32 v4, v3;
	(erf) = vpow2.f32 v51;
	v0 =	vsel vm9, v30, v0  }
0x197: {  	v5 =	vpop (erf);
	v25 =	vld [tilespmem:s30+$0x5000];
	v32 =	vmul.f32 $1.442695020e+00, v21;
	v1 =	vsel vm8, $0x3C7, v1;
	vm10 =	vgt.f32 v33, v0  }
0x198: {  	v42 =	vld [tilespmem:s29+$0xA00];
	v6 =	vpop (erf);
	v2 =	vsel vm8, v29, v2;
	(erf) = vpow2.f32 v55;
	v0 =	vsel vm10, v33, v0  }
0x199: {  	v7 =	vpop (erf);
	(erf) = vpow2.f32 v56;
	v1 =	vsel vm9, $0x3C8, v1;
	vm11 =	vgt.f32 v36, v0  }
0x19a: {  	v47 =	vld [tilespmem:s29+$0xB00];
	v8 =	vpop (erf);
	v2 =	vsel vm9, v31, v2;
	(erf) = vpow2.f32 v58;
	v0 =	vsel vm11, v36, v0  }
0x19b: {  	v53 =	vld [tilespmem:s29+$0x1000];
	v30 =	vmul.f32 $1.442695020e+00, v60;
	v7 =	vadd.f32 v8, v7;
	vm12 =	vgt.f32 v39, v0  }
0x19c: {  	v29 =	vld [tilespmem:s29+$0x6300];
	(erf) = vpow2.f32 v59;
	v44 =	vmul.f32 $1.442695020e+00, v25;
	v0 =	vsel vm12, v39, v0  }
0x19d: {  	v16 =	vld [tilespmem:s17+$0x0];
	s17 =	sor.u32 $0x1380, s7;
	v1 =	vsel vm10, $0x3C9, v1;
	v2 =	vsel vm10, v35, v2;
	vm13 =	vgt.f32 v42, v0  }
0x19e: {  	v23 =	vld [tilespmem:s17+$0x5000];
	(erf) = vpow2.f32 v61;
	v35 =	vmul.f32 $1.442695020e+00, v63;
	v0 =	vsel vm13, v42, v0  }
0x19f: {  	v34 =	vld [tilespmem:s29+$0x6800];
	v9 =	vpop (erf);
	(erf) = vpow2.f32 v62;
	v1 =	vsel vm11, $0x3CA, v1;
	vm14 =	vgt.f32 v15, v0  }
0x1a0: {  	v57 =	vld [tilespmem:s29+$0x1100];
	v10 =	vpop (erf);
	v2 =	vsel vm11, v37, v2;
	(erf) = vpow2.f32 v30;
	v0 =	vsel vm14, v15, v0  }
0x1a1: {  	v24 =	vld [tilespmem:s30+$0x0];
	s30 =	sor.u32 $0x1B80, s7;
	v11 =	vpop (erf);
	v36 =	vmul.f32 $1.442695020e+00, v29;
	(erf) = vpow2.f32 v32;
	vm15 =	vgt.f32 v47, v0  }
0x1a2: {  	v30 =	vld [tilespmem:s30+$0x5000];
	v1 =	vsel vm12, $0x3CB, v1;
	v2 =	vsel vm12, v41, v2;
	v0 =	vsel vm15, v47, v0  }
0x1a3: {  	v38 =	vld [tilespmem:s29+$0x6900];
	v12 =	vpop (erf);
	(erf) = vpow2.f32 v35;
	v39 =	vmul.f32 $1.442695020e+00, v23;
	vm4 =	vgt.f32 v50, v0  }
0x1a4: {  	v13 =	vpop (erf);
	v32 =	vld [tilespmem:s29+$0x7100];
	v41 =	vmul.f32 $1.442695020e+00, v34;
	(erf) = vpow2.f32 v36;
	v0 =	vsel vm4, v50, v0  }
0x1a5: {  	v14 =	vpop (erf);
	v1 =	vsel vm13, $0x3CC, v1;
	(erf) = vpow2.f32 v39;
	vm5 =	vgt.f32 v53, v0  }
0x1a6: {  	v27 =	vpop (erf);
	v2 =	vsel vm13, v43, v2;
	v43 =	vld [tilespmem:s29+$0x6A00];
	(erf) = vpow2.f32 v41;
	v0 =	vsel vm5, v53, v0  }
0x1a7: {  	v55 =	vmul.f32 $1.442695020e+00, v30;
	v1 =	vsel vm14, $0x3CD, v1;
	vm6 =	vgt.f32 v16, v0  }
0x1a8: {  	v20 =	vld [tilespmem:s29+$0x1200];
	v2 =	vsel vm14, v46, v2;
	v46 =	vmul.f32 $1.442695020e+00, v38;
	v0 =	vsel vm6, v16, v0  }
0x1a9: {  	v58 =	vmul.f32 $1.442695020e+00, v32;
	v2 =	vsel vm15, v48, v2;
	vm7 =	vgt.f32 v57, v0  }
0x1aa: {  	v28 =	vld [tilespmem:s29+$0x1300];
	v1 =	vsel vm15, $0x3CE, v1;
	v2 =	vsel vm4, v52, v2;
	v0 =	vsel vm7, v57, v0  }
0x1ab: {  	v48 =	vld [tilespmem:s29+$0x6B00];
	v51 =	vmul.f32 $1.442695020e+00, v43;
	v2 =	vsel vm5, v54, v2;
	vm8 =	vgt.f32 v19, v0  }
0x1ac: {  	v1 =	vsel vm4, $0x3CF, v1;
	v52 =	vld [tilespmem:s29+$0x7000];
	v2 =	vsel vm6, v17, v2;
	v0 =	vsel vm8, v19, v0  }
0x1ad: {  	v31 =	vld [tilespmem:s17+$0x0];
	v1 =	vsel vm5, $0x3D0, v1;
	v2 =	vsel vm7, v18, v2;
	vm9 =	vgt.f32 v20, v0  }
0x1ae: {  	s8 =	sor.u32 $0x2080, s6;
	v1 =	vsel vm6, $0x3D1, v1;
	v2 =	vsel vm8, v60, v2;
	v19 =	vld [tilespmem:s29+$0x7200];
	v0 =	vsel vm9, v20, v0  }
0x1af: {  	v1 =	vsel vm7, $0x3D2, v1;
	v2 =	vsel vm9, v21, v2;
	v21 =	vld [tilespmem:s8+$0x5000];
	vm10 =	vgt.f32 v22, v0  }
0x1b0: {  	v33 =	vld [tilespmem:s29+$0x1800];
	v54 =	vmul.f32 $1.442695020e+00, v48;
	v1 =	vsel vm8, $0x3D3, v1;
	v0 =	vsel vm10, v22, v0  }
0x1b1: {  	v56 =	vmul.f32 $1.442695020e+00, v52;
	v1 =	vsel vm9, $0x3D4, v1;
	vm11 =	vgt.f32 v28, v0  }
0x1b2: {  	v40 =	vld [tilespmem:s31+$0x0];
	s17 =	sor.u32 $0x1A80, s6;
	v1 =	vsel vm10, $0x3D5, v1;
	v2 =	vsel vm10, v63, v2;
	v0 =	vsel vm11, v28, v0  }
0x1b3: {  	v61 =	vmul.f32 $1.442695020e+00, v19;
	v1 =	vsel vm11, $0x3D6, v1;
	v28 =	vld [tilespmem:s17+$0x5000];
	vm12 =	vgt.f32 v31, v0  }
0x1b4: {  	v37 =	vld [tilespmem:s29+$0x1900];
	v2 =	vsel vm11, v29, v2;
	v57 =	vmul.f32 $1.442695020e+00, v21;
	v0 =	vsel vm12, v31, v0  }
0x1b5: {  	v50 =	vld [tilespmem:s30+$0x0];
	s30 =	sor.u32 $0x2180, s6;
	v1 =	vsel vm12, $0x3D7, v1;
	v2 =	vsel vm12, v23, v2;
	vm13 =	vgt.f32 v33, v0  }
0x1b6: {  	v23 =	vpop (erf);
	(erf) = vpow2.f32 v44;
	v0 =	vsel vm13, v33, v0;
	v2 =	vsel vm13, v34, v2;
	v34 =	vld [tilespmem:s30+$0x5000]  }
0x1b7: {  	v29 =	vpop (erf);
	(erf) = vpow2.f32 v46;
	v1 =	vsel vm13, $0x3D8, v1;
	vm14 =	vgt.f32 v24, v0  }
0x1b8: {  	v42 =	vld [tilespmem:s29+$0x1A00];
	v53 =	vmul.f32 $1.442695020e+00, v28;
	v0 =	vsel vm14, v24, v0;
	v1 =	vsel vm14, $0x3D9, v1  }
0x1b9: {  	v45 =	vld [tilespmem:s17+$0x0];
	s17 =	sor.u32 $0x2280, s6;
	v2 =	vsel vm14, v25, v2;
	v25 =	vpop (erf);
	(erf) = vpow2.f32 v49;
	vm15 =	vgt.f32 v37, v0  }
0x1ba: {  	v31 =	vpop (erf);
	(erf) = vpow2.f32 v51;
	v0 =	vsel vm15, v37, v0;
	v1 =	vsel vm15, $0x3DA, v1;
	v37 =	vld [tilespmem:s17+$0x5000]  }
0x1bb: {  	v2 =	vsel vm15, v38, v2;
	v22 =	vpop (erf);
	vm4 =	vgt.f32 v40, v0;
	v60 =	vmul.f32 $1.442695020e+00, v34  }
0x1bc: {  	s31 =	sor.u32 $0x2380, s7;
	v47 =	vld [tilespmem:s29+$0x1B00];
	v0 =	vsel vm4, v40, v0;
	v1 =	vsel vm4, $0x3DB, v1;
	v2 =	vsel vm4, v26, v2;
	v26 =	vpop (erf)  }
0x1bd: {  	v40 =	vld [tilespmem:s31+$0x5000];
	vm5 =	vgt.f32 v42, v0;
	v33 =	vpop (erf);
	(erf) = vpow2.f32 v53;
	v53 =	vadd.f32 v10, v9  }
0x1be: {  	v0 =	vsel vm5, v42, v0;
	v1 =	vsel vm5, $0x3DC, v1;
	v2 =	vsel vm5, v43, v2;
	v35 =	vpop (erf)  }
0x1bf: {  	vm6 =	vgt.f32 v45, v0;
	v36 =	vpop (erf);
	(erf) = vpow2.f32 v54;
	v62 =	vmul.f32 $1.442695020e+00, v37  }
0x1c0: {  	v0 =	vsel vm6, v45, v0;
	v1 =	vsel vm6, $0x3DD, v1;
	v2 =	vsel vm6, v28, v2  }
0x1c1: {  	v38 =	vpop (erf);
	(erf) = vpow2.f32 v55;
	v55 =	vadd.f32 v12, v11;
	v36 =	vadd.f32 v36, v35  }
0x1c2: {  	v59 =	vld [tilespmem:s29+$0x2000];
	v39 =	vpop (erf);
	vm7 =	vgt.f32 v47, v0;
	(erf) = vpow2.f32 v56;
	v46 =	vmul.f32 $1.442695020e+00, v40  }
0x1c3: {  	v28 =	vld [tilespmem:s29+$0x7300];
	v56 =	vadd.f32 v14, v13;
	v41 =	vpop (erf);
	v0 =	vsel vm7, v47, v0;
	(erf) = vpow2.f32 v57  }
0x1c4: {  	v1 =	vsel vm7, $0x3DE, v1;
	v2 =	vsel vm7, v48, v2;
	v38 =	vadd.f32 v39, v38  }
0x1c5: {  	v42 =	vpop (erf);
	(erf) = vpow2.f32 v58;
	vm8 =	vgt.f32 v50, v0;
	v58 =	vadd.f32 v23, v27  }
0x1c6: {  	v43 =	vpop (erf);
	(erf) = vpow2.f32 v60;
	v0 =	vsel vm8, v50, v0;
	v2 =	vsel vm8, v30, v2  }
0x1c7: {  	v44 =	vld [tilespmem:s8+$0x0];
	v1 =	vsel vm8, $0x3DF, v1;
	v50 =	vadd.f32 v6, v5;
	v42 =	vadd.f32 v42, v41  }
0x1c8: {  	v18 =	vpop (erf);
	(erf) = vpow2.f32 v61;
	v63 =	vmul.f32 $1.442695020e+00, v28;
	vm1 =	vgt.f32 v59, v0  }
0x1c9: {  	v61 =	vadd.f32 v22, v31;
	v45 =	vpop (erf);
	(erf) = vpow2.f32 v62;
	v0 =	vsel vm1, v59, v0  }
0x1ca: {  	v1 =	vsel vm1, $0x3E0, v1;
	v2 =	vsel vm1, v52, v2;
	v52 =	vld [tilespmem:s29+$0x2100];
	v59 =	vadd.f32 v25, v29  }
0x1cb: {  	v62 =	vadd.f32 v33, v26;
	v18 =	vadd.f32 v18, v43;
	v47 =	vpop (erf);
	(erf) = vpow2.f32 v63  }
0x1cc: {  	v3 =	vadd.f32 v50, v3;
	vm9 =	vgt.f32 v44, v0;
	v48 =	vpop (erf);
	(erf) = vpow2.f32 v46  }
0x1cd: {  	v33 =	vld [tilespmem:s30+$0x0];
	v0 =	vsel vm9, v44, v0;
	v1 =	vsel vm9, $0x3E1, v1;
	v44 =	vadd.f32 v47, v45;
	v49 =	vpop (erf)  }
0x1ce: {  	v2 =	vsel vm9, v21, v2;
	v18 =	vadd.f32 v18, v42;
	v51 =	vpop (erf);
	v15 =	vadd.f32 v49, v48  }
0x1cf: {  	v49 =	vadd.f32 v53, v7;
	v53 =	vadd.f32 v62, v61;
	v54 =	vpop (erf);
	vm10 =	vgt.f32 v52, v0  }
0x1d0: {  	v47 =	vld [tilespmem:s29+$0x2200];
	v57 =	vpop (erf);
	v0 =	vsel vm10, v52, v0;
	v1 =	vsel vm10, $0x3E2, v1;
	v5 =	vadd.f32 v54, v51  }
0x1d1: {  	v2 =	vsel vm10, v32, v2;
	v51 =	vadd.f32 v56, v55;
	v52 =	vadd.f32 v59, v58;
	v60 =	vpop (erf)  }
0x1d2: {  	v50 =	vld [tilespmem:s17+$0x0];
	v54 =	vadd.f32 v38, v36;
	v6 =	vadd.f32 v15, v44;
	vm11 =	vgt.f32 v33, v0;
	v63 =	vpop (erf)  }
0x1d3: {  	v3 =	vadd.f32 v49, v3;
	v46 =	vadd.f32 v60, v57;
	v0 =	vsel vm11, v33, v0;
	v39 =	vpop (erf)  }
0x1d4: {  	v55 =	vld [tilespmem:s29+$0x2300];
	v1 =	vsel vm11, $0x3E3, v1;
	v2 =	vsel vm11, v34, v2;
	v56 =	vadd.f32 v52, v51;
	v43 =	vpop (erf)  }
0x1d5: {  	v58 =	vadd.f32 v54, v53;
	v6 =	vadd.f32 v6, v18;
	vm12 =	vgt.f32 v47, v0;
	v45 =	vpop (erf)  }
0x1d6: {  	v57 =	vld [tilespmem:s31+$0x0];
	v48 =	vadd.f32 v39, v63;
	v0 =	vsel vm12, v47, v0;
	v16 =	vadd.f32 v45, v43  }
0x1d7: {  	v5 =	vadd.f32 v46, v5;
	v3 =	vadd.f32 v56, v3;
	vm13 =	vgt.f32 v50, v0  }
0x1d8: {  	v60 =	vadd.f32 v6, v58;
	v0 =	vsel vm13, v50, v0;
	v59 =	vadd.f32 v16, v48  }
0x1d9: {  	v61 =	vld [tilespmem:s24+$0x0];
	v1 =	vsel vm12, $0x3E4, v1;
	v2 =	vsel vm12, v19, v2;
	vm14 =	vgt.f32 v55, v0  }
0x1da: {  	v3 =	vadd.f32 v60, v3;
	v0 =	vsel vm14, v55, v0;
	v5 =	vadd.f32 v59, v5  }
0x1db: {  	p0 =	sne.s32 s28, $0xF0;
	v1 =	vsel vm13, $0x3E5, v1;
	v2 =	vsel vm13, v37, v2;
	vm15 =	vgt.f32 v57, v0  }
.Ltmp4:
0x1dc: {  	v1 =	vsel vm14, $0x3E6, v1;
	v0 =	vsel vm15, v57, v0;
	v3 =	vadd.f32 v5, v3;
	(pc) =	sbr.rel @p0 .LBB2_10-.Ltmp4, $4  }
0x1dd: {  	v2 =	vsel vm14, v28, v2;
	v1 =	vsel vm15, $0x3E7, v1;
	[tilespmem:s26+$0x0] =	vst v0  }
0x1de: {  	v62 =	vsel vm15, v40, v2;
	[tilespmem:s3+$0x0] =	vst v1;
	v63 =	vadd.f32 v3, v61  }
0x1df: {  	s1 =	sadd.s32 $0x80, s1;
	s28 =	sadd.s32 $0x10, s28;
	s26 =	sadd.s32 $0x10, s26;
	[tilespmem:s23+$0x0] =	vst v62  }
0x1e0: {  	s3 =	sadd.s32 $0x10, s3;
	s23 =	sadd.s32 $0x10, s23;
	[tilespmem:s24+$0x0] =	vst v63;
	s24 =	sadd.s32 $0x10, s24  }
0x1e1: {  	s28 =	simm.s32 $0x0  }
0x1e2: {  	v0 =	vld [tilespmem:s28+$0xA300];
	_ =	sdelay $0x4  }
0x1e3: {  	v1 =	vcvt.s32.f32 v0;
	_ =	sdelay $0x1  }
0x1e4: {  	s6 =	simm.s32 $0x10;
	v1 =	vmul.f32 $8.262958320e-08, v1  }
0x1e5: {  	v5 =	vld [tilespmem:s6+$0xA300]  }
0x1e6: {  	v1 =	vadd.f32 $-8.802969360e+01, v1;
	_ =	sdelay $0x1  }
0x1e7: {  	v2 =	vsub.f32 $0.0e+00, v1;
	_ =	sdelay $0x1  }
0x1e8: {  	v3 =	vcvt.s32.f32 v5;
	v2 =	vmul.f32 $1.442695020e+00, v2  }
0x1e9: {  	s1 =	simm.s32 $0x20  }
0x1ea: {  	v6 =	vld [tilespmem:s1+$0xA300];
	v3 =	vmul.f32 $8.262958320e-08, v3;
	(erf) = vpow2.f32 v2;
	_ =	sdelay $0x1  }
0x1eb: {  	v2 =	vadd.f32 $-8.802969360e+01, v3;
	_ =	sdelay $0x1  }
0x1ec: {  	v3 =	vsub.f32 $0.0e+00, v2  }
0x1ed: {  	v4 =	vcvt.s32.f32 v6  }
0x1ee: {  	v3 =	vmul.f32 $1.442695020e+00, v3  }
0x1ef: {  	s7 =	simm.s32 $0x30;
	v4 =	vmul.f32 $8.262958320e-08, v4  }
0x1f0: {  	(erf) = vpow2.f32 v3;
	v3 =	vld [tilespmem:s7+$0xA300]  }
0x1f1: {  	v8 =	vadd.f32 $-8.802969360e+01, v4;
	v7 =	vpop (erf)  }
0x1f2: {  	v1 =	vadd.f32 $-1.000000000e+00, v1;
	v4 =	vmul.f32 v7, v0  }
0x1f3: {  	v7 =	vsub.f32 $0.0e+00, v8  }
0x1f4: {  	v1 =	vadd.f32 v4, v1  }
0x1f5: {  	v10 =	vcvt.s32.f32 v3;
	v7 =	vmul.f32 $1.442695020e+00, v7  }
0x1f6: {  	v9 =	vsub.f32 $0.0e+00, v1  }
0x1f7: {  	(erf) = vpow2.f32 v7  }
0x1f8: {  	v7 =	vmul.f32 $1.442695020e+00, v9;
	v9 =	vmul.f32 $8.262958320e-08, v10  }
0x1f9: {  	s3 =	simm.s32 $0x40;
	v10 =	vpop (erf)  }
0x1fa: {  	v2 =	vadd.f32 $-1.000000000e+00, v2;
	v4 =	vld [tilespmem:s3+$0xA300];
	v10 =	vmul.f32 v10, v5;
	v9 =	vadd.f32 $-8.802969360e+01, v9;
	_ =	sdelay $0x1  }
0x1fb: {  	(erf) = vpow2.f32 v7;
	v2 =	vadd.f32 v10, v2;
	v10 =	vsub.f32 $0.0e+00, v9;
	_ =	sdelay $0x1  }
0x1fc: {  	v10 =	vmul.f32 $1.442695020e+00, v10  }
0x1fd: {  	v11 =	vcvt.s32.f32 v4  }
0x1fe: {  	s17 =	simm.s32 $0x50  }
0x1ff: {  	v7 =	vld [tilespmem:s17+$0xA300];
	v11 =	vmul.f32 $8.262958320e-08, v11;
	v12 =	vsub.f32 $0.0e+00, v2  }
0x200: {  	v8 =	vadd.f32 $-1.000000000e+00, v8;
	(erf) = vpow2.f32 v10;
	v10 =	vpop (erf)  }
0x201: {  	v13 =	vadd.f32 $-8.802969360e+01, v11;
	v12 =	vmul.f32 $1.442695020e+00, v12;
	v10 =	vmul.f32 v10, v6;
	_ =	sdelay $0x1  }
0x202: {  	v11 =	vsub.f32 $0.0e+00, v13;
	(erf) = vpow2.f32 v12;
	v14 =	vpop (erf);
	v10 =	vadd.f32 v10, v8  }
0x203: {  	v1 =	vadd.f32 $-1.000000000e+00, v1;
	v12 =	vcvt.s32.f32 v7;
	v14 =	vmul.f32 v14, v0  }
0x204: {  	v11 =	vmul.f32 $1.442695020e+00, v11;
	v15 =	vsub.f32 $0.0e+00, v10  }
0x205: {  	v12 =	vmul.f32 $8.262958320e-08, v12;
	v1 =	vadd.f32 v14, v1  }
0x206: {  	s23 =	simm.s32 $0x60;
	(erf) = vpow2.f32 v11;
	v11 =	vmul.f32 $1.442695020e+00, v15  }
0x207: {  	v8 =	vld [tilespmem:s23+$0xA300];
	v16 =	vadd.f32 $-8.802969360e+01, v12;
	v12 =	vsub.f32 $0.0e+00, v1  }
0x208: {  	v9 =	vadd.f32 $-1.000000000e+00, v9;
	v14 =	vpop (erf);
	(erf) = vpow2.f32 v11  }
0x209: {  	v15 =	vsub.f32 $0.0e+00, v16;
	v11 =	vmul.f32 $1.442695020e+00, v12;
	v12 =	vmul.f32 v14, v3;
	_ =	sdelay $0x1  }
0x20a: {  	v17 =	vpop (erf);
	v18 =	vadd.f32 v12, v9;
	v12 =	vmul.f32 $1.442695020e+00, v15  }
0x20b: {  	v2 =	vadd.f32 $-1.000000000e+00, v2;
	v14 =	vcvt.s32.f32 v8;
	v17 =	vmul.f32 v17, v5  }
0x20c: {  	(erf) = vpow2.f32 v11  }
0x20d: {  	s24 =	simm.s32 $0x70;
	v14 =	vmul.f32 $8.262958320e-08, v14;
	v11 =	vadd.f32 v17, v2  }
0x20e: {  	v9 =	vld [tilespmem:s24+$0xA300];
	v2 =	vsub.f32 $0.0e+00, v18;
	(erf) = vpow2.f32 v12;
	v12 =	vpop (erf)  }
0x20f: {  	v15 =	vadd.f32 $-8.802969360e+01, v14;
	v14 =	vsub.f32 $0.0e+00, v11;
	v12 =	vmul.f32 v12, v4;
	_ =	sdelay $0x1  }
0x210: {  	v13 =	vadd.f32 $-1.000000000e+00, v13;
	v2 =	vmul.f32 $1.442695020e+00, v2;
	v14 =	vmul.f32 $1.442695020e+00, v14  }
0x211: {  	v19 =	vsub.f32 $0.0e+00, v15  }
0x212: {  	(erf) = vpow2.f32 v2;
	v2 =	vcvt.s32.f32 v9;
	v17 =	vadd.f32 v12, v13;
	v12 =	vpop (erf)  }
0x213: {  	v10 =	vadd.f32 $-1.000000000e+00, v10;
	v19 =	vmul.f32 $1.442695020e+00, v19;
	v12 =	vmul.f32 v12, v6  }
0x214: {  	(erf) = vpow2.f32 v14;
	v2 =	vmul.f32 $8.262958320e-08, v2;
	v21 =	vsub.f32 $0.0e+00, v17;
	v14 =	vpop (erf)  }
0x215: {  	s26 =	simm.s32 $0x80;
	v1 =	vadd.f32 $-1.000000000e+00, v1;
	v0 =	vmul.f32 v14, v0;
	v14 =	vld [tilespmem:s28+$0xA200];
	v13 =	vadd.f32 v12, v10  }
0x216: {  	v20 =	vadd.f32 $-8.802969360e+01, v2;
	(erf) = vpow2.f32 v19;
	v21 =	vmul.f32 $1.442695020e+00, v21;
	v10 =	vld [tilespmem:s26+$0xA300]  }
0x217: {  	s28 =	simm.s32 $0x240;
	v23 =	vpop (erf);
	v12 =	vimm.f32 $0.0e+00;
	v19 =	vadd.f32 v0, v1;
	v22 =	vsub.f32 $0.0e+00, v13  }
.LBB2_12:
0x218: {  	v0 =	vsub.f32 $0.0e+00, v20;
	v1 =	vadd.f32 $-1.000000000e+00, v16;
	v2 =	vmul.f32 v23, v7;
	v23 =	vmovc v7;
	v7 =	vmovc v8  }
0x219: {  	p0 =	sne.s32 s28, $0x3C0;
	v8 =	vmovc v9;
	v24 =	vmovc v11;
	v11 =	vmov v13;
	v16 =	vmov v15;
	v15 =	vmov v20  }
0x21a: {  	(erf) = vpow2.f32 v21;
	v20 =	vmul.f32 $1.442695020e+00, v22;
	v13 =	vsub.f32 v19, v14  }
0x21b: {  	v14 =	vcvt.s32.f32 v10;
	v1 =	vadd.f32 v2, v1;
	v2 =	vadd.f32 $-1.000000000e+00, v18;
	v18 =	vpop (erf)  }
.Ltmp5:
0x21c: {  	v9 =	vmovc v10;
	v19 =	vmul.f32 v18, v3;
	(erf) = vpow2.f32 v20;
	v12 =	vadd.f32 v13, v12;
	v18 =	vmovc v17;
	(pc) =	sbr.rel @p0 .LBB2_12-.Ltmp5, $4  }
0x21d: {  	s8 =	sshra.s32 s28, $0x2;
	v0 =	vmul.f32 $1.442695020e+00, v0;
	v20 =	vmul.f32 $8.262958320e-08, v14;
	v21 =	vsub.f32 $0.0e+00, v1;
	v14 =	vld [tilespmem:s6+$0xA200];
	v17 =	vpop (erf);
	s6 =	smov.u32 s1;
	s1 =	smov.u32 s7  }
0x21e: {  	s7 =	smov.u32 s3;
	s3 =	smov.u32 s17;
	s17 =	smov.u32 s23;
	v10 =	vld [tilespmem:s8+$0xA300];
	v13 =	vadd.f32 v19, v2;
	v2 =	vadd.f32 $-1.000000000e+00, v24;
	v19 =	vmul.f32 v17, v5;
	v17 =	vmovc v1;
	v5 =	vmovc v6  }
0x21f: {  	s23 =	smov.u32 s24;
	s24 =	smov.u32 s26;
	s26 =	smov.u32 s8;
	v6 =	vmovc v3;
	v3 =	vmovc v4;
	v4 =	vmov v23;
	v20 =	vadd.f32 $-8.802969360e+01, v20;
	(erf) = vpow2.f32 v0  }
0x220: {  	s28 =	sadd.s32 $0x40, s28;
	v21 =	vmul.f32 $1.442695020e+00, v21;
	v23 =	vpop (erf);
	v22 =	vsub.f32 $0.0e+00, v13;
	v19 =	vadd.f32 v19, v2  }
0x221: {  	_ =	sdelay $0x1  }
0x222: {  	v0 =	vadd.f32 $-1.000000000e+00, v16;
	v1 =	vmul.f32 v23, v7;
	v2 =	vcvt.s32.f32 v10;
	v48 =	vpop (erf)  }
0x223: {  	v18 =	vadd.f32 $-1.000000000e+00, v18;
	v16 =	vmul.f32 v48, v3  }
0x224: {  	v0 =	vadd.f32 v1, v0;
	v1 =	vmul.f32 $8.262958320e-08, v2  }
0x225: {  	v2 =	vsub.f32 $0.0e+00, v20;
	v16 =	vadd.f32 v16, v18  }
0x226: {  	v49 =	vmul.f32 $1.442695020e+00, v22;
	v50 =	vsub.f32 $0.0e+00, v0;
	v1 =	vadd.f32 $-8.802969360e+01, v1  }
0x227: {  	(erf) = vpow2.f32 v21;
	v2 =	vmul.f32 $1.442695020e+00, v2;
	v51 =	vsub.f32 $0.0e+00, v16  }
0x228: {  	(erf) = vpow2.f32 v49;
	v52 =	vmul.f32 $1.442695020e+00, v50;
	v53 =	vsub.f32 $0.0e+00, v1  }
0x229: {  	(erf) = vpow2.f32 v2;
	v2 =	vmul.f32 $1.442695020e+00, v51  }
0x22a: {  	(erf) = vpow2.f32 v52;
	v54 =	vmul.f32 $1.442695020e+00, v53  }
0x22b: {  	(erf) = vpow2.f32 v2  }
0x22c: {  	(erf) = vpow2.f32 v54;
	_ =	sdelay $0x1  }
0x22d: {  	v2 =	vpop (erf)  }
0x22e: {  	v55 =	vpop (erf)  }
0x22f: {  	v56 =	vpop (erf)  }
0x230: {  	v15 =	vadd.f32 $-1.000000000e+00, v15;
	v18 =	vmul.f32 v55, v8;
	v57 =	vpop (erf)  }
0x231: {  	v58 =	vpop (erf)  }
0x232: {  	v17 =	vadd.f32 $-1.000000000e+00, v17;
	v21 =	vmul.f32 v56, v4;
	v15 =	vadd.f32 v18, v15;
	v59 =	vpop (erf)  }
0x233: {  	v60 =	vadd.f32 $-1.000000000e+00, v20;
	v0 =	vadd.f32 $-1.000000000e+00, v0;
	v18 =	vmul.f32 v58, v9;
	v25 =	vpop (erf)  }
0x234: {  	v17 =	vadd.f32 v21, v17;
	v24 =	vsub.f32 $0.0e+00, v15;
	v61 =	vmul.f32 v59, v7;
	v62 =	vpop (erf)  }
0x235: {  	v1 =	vadd.f32 $-1.000000000e+00, v1;
	v18 =	vadd.f32 v18, v60;
	v63 =	vmul.f32 v62, v10  }
0x236: {  	v29 =	vsub.f32 $0.0e+00, v17;
	v28 =	vmul.f32 $1.442695020e+00, v24;
	v0 =	vadd.f32 v61, v0  }
0x237: {  	v30 =	vsub.f32 $0.0e+00, v18;
	v1 =	vadd.f32 v63, v1  }
0x238: {  	v31 =	vmul.f32 $1.442695020e+00, v29;
	(erf) = vpow2.f32 v28;
	v32 =	vsub.f32 $0.0e+00, v0  }
0x239: {  	v21 =	vmul.f32 $1.442695020e+00, v30;
	v33 =	vsub.f32 $0.0e+00, v1  }
0x23a: {  	(erf) = vpow2.f32 v31;
	v34 =	vmul.f32 $1.442695020e+00, v32  }
0x23b: {  	(erf) = vpow2.f32 v21;
	v35 =	vmul.f32 $1.442695020e+00, v33  }
0x23c: {  	(erf) = vpow2.f32 v34  }
0x23d: {  	(erf) = vpow2.f32 v35;
	_ =	sdelay $0x3  }
0x23e: {  	v36 =	vpop (erf)  }
0x23f: {  	v15 =	vadd.f32 $-1.000000000e+00, v15;
	v20 =	vmul.f32 v36, v8  }
0x240: {  	v37 =	vpop (erf)  }
0x241: {  	v15 =	vadd.f32 v20, v15;
	v38 =	vpop (erf)  }
0x242: {  	v18 =	vadd.f32 $-1.000000000e+00, v18;
	v39 =	vmul.f32 v38, v9;
	v40 =	vpop (erf)  }
0x243: {  	v11 =	vadd.f32 $-1.000000000e+00, v11;
	v42 =	vsub.f32 $0.0e+00, v15;
	v43 =	vpop (erf)  }
0x244: {  	v1 =	vadd.f32 $-1.000000000e+00, v1;
	v18 =	vadd.f32 v39, v18;
	v44 =	vmul.f32 v43, v10  }
0x245: {  	v41 =	vld [tilespmem:s6+$0xA200];
	v14 =	vsub.f32 v19, v14;
	v2 =	vmul.f32 v2, v5;
	v5 =	vmul.f32 $1.442695020e+00, v42  }
0x246: {  	v46 =	vsub.f32 $0.0e+00, v18;
	v1 =	vadd.f32 v44, v1  }
0x247: {  	v47 =	vadd.f32 $-1.000000000e+00, v13;
	v12 =	vadd.f32 v14, v12;
	(erf) = vpow2.f32 v5  }
0x248: {  	v45 =	vld [tilespmem:s1+$0xA200];
	v2 =	vadd.f32 v2, v11;
	v48 =	vmul.f32 $1.442695020e+00, v46;
	v49 =	vsub.f32 $0.0e+00, v1  }
0x249: {  	v50 =	vld [tilespmem:s7+$0xA200];
	v16 =	vadd.f32 $-1.000000000e+00, v16;
	v6 =	vmul.f32 v57, v6;
	v3 =	vmul.f32 v25, v3  }
0x24a: {  	v2 =	vsub.f32 v2, v41;
	(erf) = vpow2.f32 v48;
	v51 =	vmul.f32 $1.442695020e+00, v49  }
0x24b: {  	v5 =	vadd.f32 v6, v47  }
0x24c: {  	v52 =	vld [tilespmem:s3+$0xA200];
	v2 =	vadd.f32 v2, v12;
	v3 =	vadd.f32 v3, v16;
	(erf) = vpow2.f32 v51  }
0x24d: {  	v55 =	vld [tilespmem:s17+$0xA200];
	v53 =	vadd.f32 $-1.000000000e+00, v17;
	v54 =	vmul.f32 v37, v4;
	v5 =	vsub.f32 v5, v45  }
0x24e: {  	v0 =	vadd.f32 $-1.000000000e+00, v0;
	v3 =	vsub.f32 v3, v50;
	v56 =	vmul.f32 v40, v7  }
0x24f: {  	v4 =	vadd.f32 v54, v53;
	v2 =	vadd.f32 v5, v2  }
0x250: {  	v57 =	vld [tilespmem:s23+$0xA200];
	v59 =	vadd.f32 $-1.000000000e+00, v15;
	v0 =	vadd.f32 v56, v0;
	v58 =	vpop (erf)  }
0x251: {  	v2 =	vadd.f32 v3, v2;
	v3 =	vsub.f32 v4, v52;
	v7 =	vmul.f32 v58, v8  }
0x252: {  	v0 =	vsub.f32 v0, v55  }
0x253: {  	v60 =	vld [tilespmem:s24+$0xA200];
	v2 =	vadd.f32 v3, v2;
	v3 =	vadd.f32 v7, v59;
	v61 =	vpop (erf)  }
0x254: {  	v62 =	vadd.f32 $-1.000000000e+00, v18;
	v6 =	vmul.f32 v61, v9  }
0x255: {  	v0 =	vadd.f32 v0, v2;
	v2 =	vsub.f32 v3, v57;
	v3 =	vld [tilespmem:s26+$0xA200];
	v63 =	vpop (erf)  }
0x256: {  	v1 =	vadd.f32 $-1.000000000e+00, v1;
	v6 =	vadd.f32 v6, v62;
	v4 =	vmul.f32 v63, v10  }
0x257: {  	v0 =	vadd.f32 v2, v0  }
0x258: {  	v2 =	vsub.f32 v6, v60;
	v1 =	vadd.f32 v4, v1;
	_ =	sdelay $0x1  }
0x259: {  	v0 =	vadd.f32 v2, v0;
	v1 =	vsub.f32 v1, v3;
	_ =	sdelay $0x1  }
0x25a: {  	v0 =	vadd.f32 v1, v0;
	_ =	sdelay $0x1  }
0x25b: {  	s30 =	simm.s32 $0xA600;
	[tilespmem:$0xA600] =	vst v0  }
0x25c: {  	[hbm4b:s11+s4] =	stream.linear.scatter [tilespmem:s30], [sflag:$0x3], $0x10, $0x38;
	[tilespmem:$0xA680] =	vst v63  }
0x25d: {  	s25 =	sadd.s32 $0x1, s25;
	_ =	swait.ge [sflag:s18], $0x10  }
0x25e: {  	p0 =	sne.s32 s25, s13;
	[sflag:s18] =	ssyncset.done $0x0  }
.Ltmp6:
0x25f: {  	s31 =	simm.s32 $0xA100;
	[sflag:s18] =	ssyncadd.s32 $0xFFFFFFF0;
	(pc) =	sbr.rel @p0 .LBB2_1-.Ltmp6, $4  }
0x260: {  	[hbm4b:s12+s4] =	stream.linear.scatter [tilespmem:s31], [sflag:$0x3], $0x100, $0x38;
	[tilespmem:$0xA680] =	vst v63  }
0x261: {  	_ =	swait.ge [sflag:s18], $0x100  }
0x262: {  	[sflag:s18] =	ssyncset.done $0x0  }
0x263: {  	v2 =	vimm.f32 $0.0e+00;
	v1 =	vimm.s32 $0x0;
	v0 =	vimm.f32 $-3.000000010e+38;
	[sflag:s18] =	ssyncadd.s32 $0xFFFFFF00  }
0x264: {  	_ =	sfence.sel $0x180000  }
0x265: {  	[bflag:$0x0] =	sbarrier.arrive $0xFFFF  }
0x266: {  	_ =	strace $0x90000047  }
0x267: {  	s0 =	stileid.u32;
	[bflag:$0x2] =	sbarrier.arrive $0xFFFF  }
0x268: {  	p0 =	sne.s32 s0, $0x0;
	s0 =	rddreg [dreg:$0x6]  }
0x269: {  	s0 =	sadd.s32 @!p0 $0x100000, s0  }
0x26a: {  	[sflag:s0] =	ssyncadd.tile.s32 @!p0 $0x1;
	_ =	shalt  }
.Lfunc_end2:
_tile_overlayer_lowered:
.L_overlay_start_2:
0x26b: {  	(tag) =	ssettag $0x2  }
0x26c: {  	s0 =	rddreg [dreg:$0x0];
	s2 =	stileid.u32  }
0x26d: {  	s1 =	rddreg [dreg:$0x1];
	p0 =	sne.s32 s2, $0x0  }
0x26e: {  	s3 =	rddreg [dreg:$0x2];
	[bflag:$0x3] =	sbarrier.arrive $0xFFFF;
	s2 =	simm.s32 @!p0 $0x1C03  }
0x26f: {  	[timem:s3], [sflag:s2] =	dma.local @!p0 [hbm:s0], s1  }
0x270: {  	s0 =	simm.s32 @!p0 $0x3  }
0x271: {  	_ =	swait.ge @!p0 [sflag:s0], s1  }
0x272: {  	s1 =	ssub.s32 @!p0 $0x0, s1;
	[sflag:s0] =	ssyncset.done @!p0 $0x0  }
0x273: {  	[sflag:s0] =	ssyncadd.s32 @!p0 s1  }
0x274: {  	[bflag:$0x3] =	sbarrier.arrive $0xFFFF  }
0x275: {  	_ =	shalt  }

</sc_bundles>
